<compile_context>
chip_gen: v7x
topology: tpu7x:2x2x1
jax: 0.10.2.dev20260603
libtpu: 0.0.44.dev20260713+nightly
codegen_flags: <defaults>
</compile_context>

<pallas_src>
import functools

import jax
import jax.numpy as jnp
from jax import lax
from jax.experimental import pallas as pl
from jax.experimental.pallas import tpu as pltpu
from jax.experimental.pallas import tpu_sc as plsc

_N = 10000
_E = 320000
_G = 64

_NC = 2
_NS = 16
_NW = _NC * _NS
_EW = _E // _NW
_CHUNK = 80
_ECH = _E // _CHUNK
_CHUNKL = 125
_NCHUNKL = _EW // _CHUNKL
_ECHL = _E // _CHUNKL
_ROWS_W = _N // _NS
_DEGW = 16

_ROWBLK = 2000
_NBLK = _N // _ROWBLK

_sc_mesh = plsc.VectorSubcoreMesh(core_axis_name="c", subcore_axis_name="s")
_sc_params = pltpu.CompilerParams(use_tc_tiling_on_sc=False)



def _make_edge_aggregate(feat, chunk, nbuf, dist):
    nchunk = _EW // chunk

    @functools.partial(
        pl.kernel,
        out_type=jax.ShapeDtypeStruct((_NC * _N, feat), jnp.float32),
        mesh=_sc_mesh,
        scratch_types=(
            [pltpu.VMEM((nchunk, chunk), jnp.int32)] * 2 +
            [pltpu.VMEM((chunk, feat), jnp.float32)] * nbuf +
            [pltpu.VMEM_SHARED((_N, feat), jnp.float32)] +
            [pltpu.SemaphoreType.DMA] * (2 * nbuf)
        ),
        compiler_params=_sc_params,
    )
    def agg(y_hbm, src_hbm, dst_hbm, out_hbm, src2, dst2, *rest):
        rows = rest[:nbuf]
        acc_sh = rest[nbuf]
        gsem = rest[nbuf + 1:2 * nbuf + 1]
        ssem = rest[2 * nbuf + 1:]

        core = lax.axis_index("c")
        sid = lax.axis_index("s")
        wid = core * _NS + sid
        row0 = sid * _ROWS_W

        crow = wid * nchunk
        pltpu.sync_copy(src_hbm.at[pl.ds(crow, nchunk)], src2)
        pltpu.sync_copy(dst_hbm.at[pl.ds(crow, nchunk)], dst2)
        pltpu.sync_copy(y_hbm.at[pl.ds(row0, _ROWS_W)],
                        acc_sh.at[pl.ds(row0, _ROWS_W)])

        plsc.subcore_barrier()

        def gather(c, k):
            pltpu.async_copy(y_hbm.at[src2.at[c]], rows[k], gsem[k])

        def slot(c, k, swait, prefetch):
            pltpu.make_async_copy(y_hbm.at[src2.at[c]], rows[k],
                                  gsem[k]).wait()
            pltpu.async_copy(rows[k], acc_sh.at[dst2.at[c]], ssem[k],
                             add=True)
            if prefetch:
                kp = (k + dist) % nbuf
                if swait:
                    pltpu.make_async_copy(
                        rows[kp], acc_sh.at[dst2.at[c + dist - nbuf]],
                        ssem[kp]).wait()
                gather(c + dist, kp)

        for c in range(dist):
            gather(c, c)
        for c in range(nbuf - dist):
            slot(c, c % nbuf, False, True)

        start = nbuf - dist
        iters = (nchunk - nbuf) // nbuf
        cov = iters * nbuf

        @pl.loop(start, start + cov, step=nbuf)
        def _(c):
            for i in range(nbuf):
                slot(c + i, (start + i) % nbuf, True, True)

        for c in range(start + cov, nchunk - dist):
            slot(c, c % nbuf, True, True)
        for c in range(nchunk - dist, nchunk):
            slot(c, c % nbuf, False, False)

        for c in range(nchunk - nbuf, nchunk):
            pltpu.make_async_copy(rows[c % nbuf], acc_sh.at[dst2.at[c]],
                                  ssem[c % nbuf]).wait()

        plsc.subcore_barrier()
        pltpu.sync_copy(acc_sh.at[pl.ds(row0, _ROWS_W)],
                        out_hbm.at[pl.ds(core * _N + row0, _ROWS_W)])

    return agg


_agg128 = _make_edge_aggregate(128, _CHUNK, 3, 2)
_agg64 = _make_edge_aggregate(64, _CHUNKL, 5, 3)


@functools.partial(
    pl.kernel,
    out_type=jax.ShapeDtypeStruct((_NC * _N, _DEGW), jnp.float32),
    mesh=_sc_mesh,
    scratch_types=[
        pltpu.VMEM((_NCHUNKL, _CHUNKL), jnp.int32),
        pltpu.VMEM((_CHUNKL, _DEGW), jnp.float32),
        pltpu.VMEM((_ROWS_W, _DEGW), jnp.float32),
        pltpu.VMEM_SHARED((_N, _DEGW), jnp.float32),
        pltpu.SemaphoreType.DMA,
    ],
    compiler_params=_sc_params,
)
def _deg_count(dst_hbm, out_hbm, dst2, ones_v, seed_v, acc_sh, sem):
    core = lax.axis_index("c")
    sid = lax.axis_index("s")
    wid = core * _NS + sid
    row0 = sid * _ROWS_W

    pltpu.sync_copy(dst_hbm.at[pl.ds(wid * _NCHUNKL, _NCHUNKL)], dst2)

    half = jnp.full((16,), 0.5, jnp.float32)
    one = jnp.ones((16,), jnp.float32)

    @pl.loop(0, _ROWS_W)
    def _(r):
        seed_v[r, :] = half

    @pl.loop(0, _CHUNKL)
    def _(r):
        ones_v[r, :] = one

    pltpu.sync_copy(seed_v, acc_sh.at[pl.ds(row0, _ROWS_W)])
    plsc.subcore_barrier()

    @pl.loop(0, _NCHUNKL, step=10)
    def _(j):
        for b in range(10):
            pltpu.async_copy(ones_v, acc_sh.at[dst2.at[j + b]], sem,
                             add=True)
        for b in range(10):
            pltpu.make_async_copy(ones_v, acc_sh.at[dst2.at[j + b]],
                                  sem).wait()

    plsc.subcore_barrier()
    pltpu.sync_copy(acc_sh.at[pl.ds(row0, _ROWS_W)],
                    out_hbm.at[pl.ds(core * _N + row0, _ROWS_W)])



def _mm1_body(x_ref, w_ref, o_ref):
    o_ref[...] = jnp.dot(x_ref[...], w_ref[...],
                         preferred_element_type=jnp.float32)


_mm1 = pl.pallas_call(
    _mm1_body,
    grid=(_NBLK,),
    in_specs=[pl.BlockSpec((_ROWBLK, 128), lambda i: (i, 0)),
              pl.BlockSpec((128, 128), lambda i: (0, 0))],
    out_specs=pl.BlockSpec((_ROWBLK, 128), lambda i: (i, 0)),
    out_shape=jax.ShapeDtypeStruct((_N, 128), jnp.float32),
)


def _scale_body(dega_ref, degb_ref, xw_ref, y_ref, dinv_ref):
    d = dega_ref[:, 0:1] + degb_ref[:, 0:1]
    dinv = lax.rsqrt(d)
    dinv_ref[...] = dinv
    y_ref[...] = xw_ref[...] * dinv


_scale = pl.pallas_call(
    _scale_body,
    grid=(_NBLK,),
    in_specs=[pl.BlockSpec((_ROWBLK, _DEGW), lambda i: (i, 0)),
              pl.BlockSpec((_ROWBLK, _DEGW), lambda i: (_N // _ROWBLK + i, 0)),
              pl.BlockSpec((_ROWBLK, 128), lambda i: (i, 0))],
    out_specs=[pl.BlockSpec((_ROWBLK, 128), lambda i: (i, 0)),
               pl.BlockSpec((_ROWBLK, 1), lambda i: (i, 0))],
    out_shape=[jax.ShapeDtypeStruct((_N, 128), jnp.float32),
               jax.ShapeDtypeStruct((_N, 1), jnp.float32)],
)


def _layer2_body(sa_ref, sb_ref, y1_ref, dinv_ref, b1_ref, w2_ref, y2_ref):
    dinv = dinv_ref[...]
    s = sa_ref[...] + sb_ref[...] - y1_ref[...]
    h1 = jnp.maximum(dinv * s + b1_ref[...], 0.0)
    xw2 = jnp.dot(h1, w2_ref[...], preferred_element_type=jnp.float32)
    y2_ref[...] = xw2 * dinv


_layer2 = pl.pallas_call(
    _layer2_body,
    grid=(_NBLK,),
    in_specs=[pl.BlockSpec((_ROWBLK, 128), lambda i: (i, 0)),
              pl.BlockSpec((_ROWBLK, 128), lambda i: (_N // _ROWBLK + i, 0)),
              pl.BlockSpec((_ROWBLK, 128), lambda i: (i, 0)),
              pl.BlockSpec((_ROWBLK, 1), lambda i: (i, 0)),
              pl.BlockSpec((1, 128), lambda i: (0, 0)),
              pl.BlockSpec((128, 64), lambda i: (0, 0))],
    out_specs=pl.BlockSpec((_ROWBLK, 64), lambda i: (i, 0)),
    out_shape=jax.ShapeDtypeStruct((_N, 64), jnp.float32),
)


def _final_body(sa_ref, sb_ref, y2_ref, dinv_ref, b2_ref, batch_ref,
                gamma_ref, beta_ref, wo1_ref, bo1_ref, wo2_ref, bo2_ref,
                out_ref, h_ref, pooled_acc):
    i = pl.program_id(0)
    dinv = dinv_ref[...]
    s = sa_ref[...] + sb_ref[...] - y2_ref[...]
    h2 = jnp.maximum(dinv * s + b2_ref[...], 0.0)
    seg = batch_ref[0]
    onehot_t = (seg == lax.broadcasted_iota(jnp.int32, (_G, _ROWBLK), 0))
    contrib = jnp.dot(onehot_t.astype(jnp.bfloat16),
                      h2.astype(jnp.bfloat16),
                      preferred_element_type=jnp.float32)

    @pl.when(i == 0)
    def _():
        pooled_acc[...] = jnp.zeros_like(pooled_acc)

    pooled_acc[...] += contrib

    @pl.when(i == pl.num_programs(0) - 1)
    def _():
        pooled = pooled_acc[...]
        mean = jnp.mean(pooled, axis=0, keepdims=True)
        var = jnp.mean((pooled - mean) ** 2, axis=0, keepdims=True)
        xn = (pooled - mean) / jnp.sqrt(var + 1e-5) * gamma_ref[...] \
            + beta_ref[...]
        t = jnp.maximum(
            jnp.dot(xn, wo1_ref[...], preferred_element_type=jnp.float32)
            + bo1_ref[...], 0.0)
        out_ref[...] = (
            jnp.dot(t, wo2_ref[...], preferred_element_type=jnp.float32)
            + bo2_ref[...])
        h_ref[...] = pooled


_final = pl.pallas_call(
    _final_body,
    grid=(_NBLK,),
    in_specs=[pl.BlockSpec((_ROWBLK, 64), lambda i: (i, 0)),
              pl.BlockSpec((_ROWBLK, 64), lambda i: (_N // _ROWBLK + i, 0)),
              pl.BlockSpec((_ROWBLK, 64), lambda i: (i, 0)),
              pl.BlockSpec((_ROWBLK, 1), lambda i: (i, 0)),
              pl.BlockSpec((1, 64), lambda i: (0, 0)),
              pl.BlockSpec((1, 1, _ROWBLK), lambda i: (i, 0, 0)),
              pl.BlockSpec((1, 64), lambda i: (0, 0)),
              pl.BlockSpec((1, 64), lambda i: (0, 0)),
              pl.BlockSpec((64, 24), lambda i: (0, 0)),
              pl.BlockSpec((1, 24), lambda i: (0, 0)),
              pl.BlockSpec((24, 1), lambda i: (0, 0)),
              pl.BlockSpec((1, 1), lambda i: (0, 0))],
    out_specs=[pl.BlockSpec((_G, 1), lambda i: (0, 0)),
               pl.BlockSpec((_G, _G), lambda i: (0, 0))],
    out_shape=[jax.ShapeDtypeStruct((_G, 1), jnp.float32),
               jax.ShapeDtypeStruct((_G, _G), jnp.float32)],
    scratch_shapes=[pltpu.VMEM((_G, _G), jnp.float32)],
)


def kernel(x, edge_index, batch, W1, b1, W2, b2, gamma, beta, Wo1, bo1, Wo2,
           bo2):
    src80 = edge_index[0].reshape(_ECH, _CHUNK)
    dst80 = edge_index[1].reshape(_ECH, _CHUNK)
    src125 = edge_index[0].reshape(_ECHL, _CHUNKL)
    dst125 = edge_index[1].reshape(_ECHL, _CHUNKL)

    degp = _deg_count(dst125)
    xw1 = _mm1(x, W1)
    y1, dinv = _scale(degp, degp, xw1)

    s1p = _agg128(y1, src80, dst80)
    y2 = _layer2(s1p, s1p, y1, dinv, b1.reshape(1, 128), W2)

    s2p = _agg64(y2, src125, dst125)
    out, h = _final(s2p, s2p, y2, dinv, b2.reshape(1, 64),
                    batch.reshape(_NBLK, 1, _ROWBLK), gamma.reshape(1, 64),
                    beta.reshape(1, 64), Wo1, bo1.reshape(1, 24), Wo2,
                    bo2.reshape(1, 1))
    return (out, h)

# --- scband reference (transcript-rebuilt; emitter-appended) ---
"""Pipeline reference for scband-gcn-45071386804958 (READ-ONLY COPY).

The authoritative reference and input builder live on the scoring server;
editing this copy changes nothing except your own understanding.
"""

import jax, jax.numpy as jnp
import numpy as np

N = 10000
E = 320000
F_IN = 128
G = 64


def setup_inputs(seed: int = 0):
    key = jax.random.key(seed)
    ks = jax.random.split(key, 12)
    x = jax.random.normal(ks[0], (N, F_IN), dtype=jnp.float32)
    edge_index = jax.random.randint(ks[1], (2, E), 0, N, dtype=jnp.int32)
    batch = jnp.sort(jax.random.randint(ks[2], (N,), 0, G, dtype=jnp.int32))
    W1 = jax.random.normal(ks[3], (F_IN, 128), dtype=jnp.float32) * 0.05
    b1 = jnp.zeros((128,), dtype=jnp.float32)
    W2 = jax.random.normal(ks[4], (128, 64), dtype=jnp.float32) * 0.05
    b2 = jnp.zeros((64,), dtype=jnp.float32)
    gamma = jnp.ones((64,), dtype=jnp.float32)
    beta = jnp.zeros((64,), dtype=jnp.float32)
    Wo1 = jax.random.normal(ks[5], (64, 24), dtype=jnp.float32) * 0.1
    bo1 = jnp.zeros((24,), dtype=jnp.float32)
    Wo2 = jax.random.normal(ks[6], (24, 1), dtype=jnp.float32) * 0.1
    bo2 = jnp.zeros((1,), dtype=jnp.float32)
    return {"x": x, "edge_index": edge_index, "batch": batch,
            "W1": W1, "b1": b1, "W2": W2, "b2": b2,
            "gamma": gamma, "beta": beta,
            "Wo1": Wo1, "bo1": bo1, "Wo2": Wo2, "bo2": bo2}


def gcn_conv(x, W, b, src, dst, n_nodes):
    # PyG GCNConv: linear transform, add self-loops, symmetric normalization, scatter-add, bias
    xw = x @ W
    loop = jnp.arange(n_nodes, dtype=src.dtype)
    src_sl = jnp.concatenate([src, loop])
    dst_sl = jnp.concatenate([dst, loop])
    deg = jnp.zeros((n_nodes,), dtype=xw.dtype).at[dst_sl].add(1.0)
    dinv = deg ** -0.5
    norm = dinv[src_sl] * dinv[dst_sl]
    msgs = xw[src_sl] * norm[:, None]
    out = jnp.zeros((n_nodes, xw.shape[1]), dtype=xw.dtype).at[dst_sl].add(msgs)
    return out + b


def reference(x, edge_index, batch, W1, b1, W2, b2, gamma, beta, Wo1, bo1, Wo2, bo2):
    src, dst = edge_index[0], edge_index[1]
    h1 = jax.nn.relu(gcn_conv(x, W1, b1, src, dst, N))
    h2 = jax.nn.relu(gcn_conv(h1, W2, b2, src, dst, N))
    pooled = jax.ops.segment_sum(h2, batch, num_segments=G)
    h = jax.lax.stop_gradient(pooled)
    mean = jnp.mean(pooled, axis=0)
    var = jnp.var(pooled, axis=0)
    xn = (pooled - mean) / jnp.sqrt(var + 1e-5) * gamma + beta
    out = jax.nn.relu(xn @ Wo1 + bo1) @ Wo2 + bo2
    return (out, h)

if __name__ == "__main__":
    import jax
    _d = setup_inputs()
    print(jax.jit(kernel)(*tuple(_d.values())))

</pallas_src>

<mosaic_0001>
#map = affine_map<(d0, d1) -> (0, 0)>
module attributes {stable_mosaic.version = 14 : i64} {
  func.func @_deg_count(%arg0: i32, %arg1: i32, %arg2: memref<2560x125xi32, #tpu.memory_space<hbm>>, %arg3: memref<20000x16xf32, #tpu.memory_space<hbm>>, %arg4: memref<80x125xi32, #tpu.memory_space<vmem>>, %arg5: memref<125x16xf32, #tpu.memory_space<vmem>>, %arg6: memref<625x16xf32, #tpu.memory_space<vmem>>, %arg7: memref<10000x16xf32, #tpu.memory_space<vmem_shared>>, %arg8: memref<!tpu.dma_semaphore, #tpu.memory_space<semaphore_mem>>) attributes {dimension_semantics = [#tpu.dimension_semantics<core_parallel>, #tpu.dimension_semantics<subcore_parallel>], iteration_bounds = array<i64: 2, 16>, scalar_prefetch = 0 : i64, scratch_operands = 5 : i64, tpu.core_type = #tpu.core_type<sc_vector_subcore>, window_params = [{transform_indices = #map}, {transform_indices = #map}]} {
    %mul3A = arith.constant 16 : i32
    %mul3A_0 = arith.muli %arg0, %mul3A : i32
    %add3A = arith.addi %mul3A_0, %arg1 : i32
    %mul3A_1 = arith.constant 625 : i32
    %mul3A_2 = arith.muli %arg1, %mul3A_1 : i32
    %mul3A_3 = arith.constant 80 : i32
    %mul3A_4 = arith.muli %add3A, %mul3A_3 : i32
    "tpu.region"() ({
      %run_scoped3A = tpu.sem_alloc : memref<!tpu.dma_semaphore, #tpu.memory_space<semaphore_mem>>
      %dma_start3A = arith.constant 0 : i32
      %dma_start3A_26 = tpu.memref_slice %arg2[%mul3A_4, %dma_start3A] : memref<2560x125xi32, #tpu.memory_space<hbm>> -> memref<80x125xi32, #tpu.memory_space<hbm>>
      %dma_start3A_27 = arith.constant 0 : i32
      %dma_start3A_28 = tpu.memref_slice %arg2[%mul3A_4, %dma_start3A_27] : memref<2560x125xi32, #tpu.memory_space<hbm>> -> memref<80x125xi32, #tpu.memory_space<hbm>>
      tpu.enqueue_dma source(%dma_start3A_28 : memref<80x125xi32, #tpu.memory_space<hbm>>) target(%arg4 : memref<80x125xi32, #tpu.memory_space<vmem>>) target_semaphore(%run_scoped3A : memref<!tpu.dma_semaphore, #tpu.memory_space<semaphore_mem>>)
      %dma_wait3A = arith.constant 0 : i32
      %dma_wait3A_29 = tpu.memref_slice %arg2[%mul3A_4, %dma_wait3A] : memref<2560x125xi32, #tpu.memory_space<hbm>> -> memref<80x125xi32, #tpu.memory_space<hbm>>
      %dma_wait3A_30 = arith.constant 0 : i32
      %dma_wait3A_31 = tpu.memref_slice %arg2[%mul3A_4, %dma_wait3A_30] : memref<2560x125xi32, #tpu.memory_space<hbm>> -> memref<80x125xi32, #tpu.memory_space<hbm>>
      tpu.wait_dma2 semaphore(%run_scoped3A : memref<!tpu.dma_semaphore, #tpu.memory_space<semaphore_mem>>) src(%dma_wait3A_31 : memref<80x125xi32, #tpu.memory_space<hbm>>) dst(%arg4 : memref<80x125xi32, #tpu.memory_space<vmem>>)
      tpu.yield
    }) : () -> ()
    %broadcast_in_dim3A = arith.constant 5.000000e-01 : f32
    %broadcast_in_dim3A_5 = vector.broadcast %broadcast_in_dim3A : f32 to vector<16xf32>
    %broadcast_in_dim3A_6 = arith.constant 1.000000e+00 : f32
    %broadcast_in_dim3A_7 = vector.broadcast %broadcast_in_dim3A_6 : f32 to vector<16xf32>
    %scan3A = arith.constant 0 : i32
    %scan3A_8 = arith.constant 625 : i32
    %scan3A_9 = arith.addi %scan3A, %scan3A_8 : i32
    %scan3A_10 = arith.constant 1 : i32
    scf.for %scan3A_26 = %scan3A to %scan3A_9 step %scan3A_10  : i32 {
      %mul3A_27 = arith.constant 1 : i32
      %mul3A_28 = arith.muli %scan3A_26, %mul3A_27 : i32
      %add3A_29 = arith.constant 0 : i32
      %add3A_30 = arith.addi %add3A_29, %mul3A_28 : i32
      %swap3A = arith.index_cast %add3A_30 : i32 to index
      %swap3A_31 = arith.constant 0 : index
      %swap3A_32 = tpu.vector_load %arg6[%swap3A, %swap3A_31] {strides = array<i32>} : memref<625x16xf32, #tpu.memory_space<vmem>>, vector<1x16xf32>,
      %swap3A_33 = vector.shape_cast %swap3A_32 : vector<1x16xf32> to vector<16xf32>
      %swap3A_34 = vector.shape_cast %broadcast_in_dim3A_5 : vector<16xf32> to vector<1x16xf32>
      tpu.vector_store %arg6[%swap3A, %swap3A_31], %swap3A_34 {strides = array<i32>} : memref<625x16xf32, #tpu.memory_space<vmem>>, vector<1x16xf32>,
    }
    %scan3A_11 = arith.constant 625 : i32
    %scan3A_12 = arith.constant 0 : i32
    %scan3A_13 = arith.constant 125 : i32
    %scan3A_14 = arith.addi %scan3A_12, %scan3A_13 : i32
    %scan3A_15 = arith.constant 1 : i32
    scf.for %scan3A_26 = %scan3A_12 to %scan3A_14 step %scan3A_15  : i32 {
      %mul3A_27 = arith.constant 1 : i32
      %mul3A_28 = arith.muli %scan3A_26, %mul3A_27 : i32
      %add3A_29 = arith.constant 0 : i32
      %add3A_30 = arith.addi %add3A_29, %mul3A_28 : i32
      %swap3A = arith.index_cast %add3A_30 : i32 to index
      %swap3A_31 = arith.constant 0 : index
      %swap3A_32 = tpu.vector_load %arg5[%swap3A, %swap3A_31] {strides = array<i32>} : memref<125x16xf32, #tpu.memory_space<vmem>>, vector<1x16xf32>,
      %swap3A_33 = vector.shape_cast %swap3A_32 : vector<1x16xf32> to vector<16xf32>
      %swap3A_34 = vector.shape_cast %broadcast_in_dim3A_7 : vector<16xf32> to vector<1x16xf32>
      tpu.vector_store %arg5[%swap3A, %swap3A_31], %swap3A_34 {strides = array<i32>} : memref<125x16xf32, #tpu.memory_space<vmem>>, vector<1x16xf32>,
    }
    %scan3A_16 = arith.constant 125 : i32
    "tpu.region"() ({
      %run_scoped3A = tpu.sem_alloc : memref<!tpu.dma_semaphore, #tpu.memory_space<semaphore_mem>>
      %dma_start3A = arith.constant 0 : i32
      %dma_start3A_26 = tpu.memref_slice %arg7[%mul3A_2, %dma_start3A] : memref<10000x16xf32, #tpu.memory_space<vmem_shared>> -> memref<625x16xf32, #tpu.memory_space<vmem_shared>>
      %dma_start3A_27 = arith.constant 0 : i32
      %dma_start3A_28 = tpu.memref_slice %arg7[%mul3A_2, %dma_start3A_27] : memref<10000x16xf32, #tpu.memory_space<vmem_shared>> -> memref<625x16xf32, #tpu.memory_space<vmem_shared>>
      tpu.enqueue_dma source(%arg6 : memref<625x16xf32, #tpu.memory_space<vmem>>) target(%dma_start3A_28 : memref<625x16xf32, #tpu.memory_space<vmem_shared>>) target_semaphore(%run_scoped3A : memref<!tpu.dma_semaphore, #tpu.memory_space<semaphore_mem>>)
      %dma_wait3A = arith.constant 0 : i32
      %dma_wait3A_29 = tpu.memref_slice %arg7[%mul3A_2, %dma_wait3A] : memref<10000x16xf32, #tpu.memory_space<vmem_shared>> -> memref<625x16xf32, #tpu.memory_space<vmem_shared>>
      %dma_wait3A_30 = arith.constant 0 : i32
      %dma_wait3A_31 = tpu.memref_slice %arg7[%mul3A_2, %dma_wait3A_30] : memref<10000x16xf32, #tpu.memory_space<vmem_shared>> -> memref<625x16xf32, #tpu.memory_space<vmem_shared>>
      tpu.wait_dma2 semaphore(%run_scoped3A : memref<!tpu.dma_semaphore, #tpu.memory_space<semaphore_mem>>) src(%arg6 : memref<625x16xf32, #tpu.memory_space<vmem>>) dst(%dma_wait3A_31 : memref<625x16xf32, #tpu.memory_space<vmem_shared>>)
      tpu.yield
    }) : () -> ()
    %barrier3A = arith.constant 0 : index
    tpu.barrier barrier_id(%barrier3A)
    %scan3A_17 = arith.constant 0 : i32
    %scan3A_18 = arith.constant 8 : i32
    %scan3A_19 = arith.addi %scan3A_17, %scan3A_18 : i32
    %scan3A_20 = arith.constant 1 : i32
    scf.for %scan3A_26 = %scan3A_17 to %scan3A_19 step %scan3A_20  : i32 {
      %mul3A_27 = arith.constant 10 : i32
      %mul3A_28 = arith.muli %scan3A_26, %mul3A_27 : i32
      %add3A_29 = arith.constant 0 : i32
      %add3A_30 = arith.addi %add3A_29, %mul3A_28 : i32
      %add3A_31 = arith.constant 0 : i32
      %add3A_32 = arith.addi %add3A_30, %add3A_31 : i32
      %dma_start3A = arith.constant 0 : i32
      %dma_start3A_33 = tpu.memref_slice %arg4[%add3A_32, %dma_start3A] : memref<80x125xi32, #tpu.memory_space<vmem>> -> memref<1x125xi32, #tpu.memory_space<vmem>>
      %dma_start3A_34 = tpu.memref_squeeze %dma_start3A_33 : memref<1x125xi32, #tpu.memory_space<vmem>> -> memref<125xi32, #tpu.memory_space<vmem>>
      %dma_start3A_35 = arith.constant 0 : i32
      %dma_start3A_36 = arith.constant 0 : i32
      %dma_start3A_37 = tpu.memref_slice %arg7[%dma_start3A_35, %dma_start3A_36] : memref<10000x16xf32, #tpu.memory_space<vmem_shared>> -> memref<10000x16xf32, #tpu.memory_space<vmem_shared>>
      tpu.enqueue_indirect_dma source(%arg5 : memref<125x16xf32, #tpu.memory_space<vmem>>) target(%dma_start3A_37 : memref<10000x16xf32, #tpu.memory_space<vmem_shared>>) offsets(%dma_start3A_34 : memref<125xi32, #tpu.memory_space<vmem>>) semaphore(%arg8 : memref<!tpu.dma_semaphore, #tpu.memory_space<semaphore_mem>>) {add = true}
      %add3A_38 = arith.constant 1 : i32
      %add3A_39 = arith.addi %add3A_30, %add3A_38 : i32
      %dma_start3A_40 = arith.constant 0 : i32
      %dma_start3A_41 = tpu.memref_slice %arg4[%add3A_39, %dma_start3A_40] : memref<80x125xi32, #tpu.memory_space<vmem>> -> memref<1x125xi32, #tpu.memory_space<vmem>>
      %dma_start3A_42 = tpu.memref_squeeze %dma_start3A_41 : memref<1x125xi32, #tpu.memory_space<vmem>> -> memref<125xi32, #tpu.memory_space<vmem>>
      %dma_start3A_43 = arith.constant 0 : i32
      %dma_start3A_44 = arith.constant 0 : i32
      %dma_start3A_45 = tpu.memref_slice %arg7[%dma_start3A_43, %dma_start3A_44] : memref<10000x16xf32, #tpu.memory_space<vmem_shared>> -> memref<10000x16xf32, #tpu.memory_space<vmem_shared>>
      tpu.enqueue_indirect_dma source(%arg5 : memref<125x16xf32, #tpu.memory_space<vmem>>) target(%dma_start3A_45 : memref<10000x16xf32, #tpu.memory_space<vmem_shared>>) offsets(%dma_start3A_42 : memref<125xi32, #tpu.memory_space<vmem>>) semaphore(%arg8 : memref<!tpu.dma_semaphore, #tpu.memory_space<semaphore_mem>>) {add = true}
      %add3A_46 = arith.constant 2 : i32
      %add3A_47 = arith.addi %add3A_30, %add3A_46 : i32
      %dma_start3A_48 = arith.constant 0 : i32
      %dma_start3A_49 = tpu.memref_slice %arg4[%add3A_47, %dma_start3A_48] : memref<80x125xi32, #tpu.memory_space<vmem>> -> memref<1x125xi32, #tpu.memory_space<vmem>>
      %dma_start3A_50 = tpu.memref_squeeze %dma_start3A_49 : memref<1x125xi32, #tpu.memory_space<vmem>> -> memref<125xi32, #tpu.memory_space<vmem>>
      %dma_start3A_51 = arith.constant 0 : i32
      %dma_start3A_52 = arith.constant 0 : i32
      %dma_start3A_53 = tpu.memref_slice %arg7[%dma_start3A_51, %dma_start3A_52] : memref<10000x16xf32, #tpu.memory_space<vmem_shared>> -> memref<10000x16xf32, #tpu.memory_space<vmem_shared>>
      tpu.enqueue_indirect_dma source(%arg5 : memref<125x16xf32, #tpu.memory_space<vmem>>) target(%dma_start3A_53 : memref<10000x16xf32, #tpu.memory_space<vmem_shared>>) offsets(%dma_start3A_50 : memref<125xi32, #tpu.memory_space<vmem>>) semaphore(%arg8 : memref<!tpu.dma_semaphore, #tpu.memory_space<semaphore_mem>>) {add = true}
      %add3A_54 = arith.constant 3 : i32
      %add3A_55 = arith.addi %add3A_30, %add3A_54 : i32
      %dma_start3A_56 = arith.constant 0 : i32
      %dma_start3A_57 = tpu.memref_slice %arg4[%add3A_55, %dma_start3A_56] : memref<80x125xi32, #tpu.memory_space<vmem>> -> memref<1x125xi32, #tpu.memory_space<vmem>>
      %dma_start3A_58 = tpu.memref_squeeze %dma_start3A_57 : memref<1x125xi32, #tpu.memory_space<vmem>> -> memref<125xi32, #tpu.memory_space<vmem>>
      %dma_start3A_59 = arith.constant 0 : i32
      %dma_start3A_60 = arith.constant 0 : i32
      %dma_start3A_61 = tpu.memref_slice %arg7[%dma_start3A_59, %dma_start3A_60] : memref<10000x16xf32, #tpu.memory_space<vmem_shared>> -> memref<10000x16xf32, #tpu.memory_space<vmem_shared>>
      tpu.enqueue_indirect_dma source(%arg5 : memref<125x16xf32, #tpu.memory_space<vmem>>) target(%dma_start3A_61 : memref<10000x16xf32, #tpu.memory_space<vmem_shared>>) offsets(%dma_start3A_58 : memref<125xi32, #tpu.memory_space<vmem>>) semaphore(%arg8 : memref<!tpu.dma_semaphore, #tpu.memory_space<semaphore_mem>>) {add = true}
      %add3A_62 = arith.constant 4 : i32
      %add3A_63 = arith.addi %add3A_30, %add3A_62 : i32
      %dma_start3A_64 = arith.constant 0 : i32
      %dma_start3A_65 = tpu.memref_slice %arg4[%add3A_63, %dma_start3A_64] : memref<80x125xi32, #tpu.memory_space<vmem>> -> memref<1x125xi32, #tpu.memory_space<vmem>>
      %dma_start3A_66 = tpu.memref_squeeze %dma_start3A_65 : memref<1x125xi32, #tpu.memory_space<vmem>> -> memref<125xi32, #tpu.memory_space<vmem>>
      %dma_start3A_67 = arith.constant 0 : i32
      %dma_start3A_68 = arith.constant 0 : i32
      %dma_start3A_69 = tpu.memref_slice %arg7[%dma_start3A_67, %dma_start3A_68] : memref<10000x16xf32, #tpu.memory_space<vmem_shared>> -> memref<10000x16xf32, #tpu.memory_space<vmem_shared>>
      tpu.enqueue_indirect_dma source(%arg5 : memref<125x16xf32, #tpu.memory_space<vmem>>) target(%dma_start3A_69 : memref<10000x16xf32, #tpu.memory_space<vmem_shared>>) offsets(%dma_start3A_66 : memref<125xi32, #tpu.memory_space<vmem>>) semaphore(%arg8 : memref<!tpu.dma_semaphore, #tpu.memory_space<semaphore_mem>>) {add = true}
      %add3A_70 = arith.constant 5 : i32
      %add3A_71 = arith.addi %add3A_30, %add3A_70 : i32
      %dma_start3A_72 = arith.constant 0 : i32
      %dma_start3A_73 = tpu.memref_slice %arg4[%add3A_71, %dma_start3A_72] : memref<80x125xi32, #tpu.memory_space<vmem>> -> memref<1x125xi32, #tpu.memory_space<vmem>>
      %dma_start3A_74 = tpu.memref_squeeze %dma_start3A_73 : memref<1x125xi32, #tpu.memory_space<vmem>> -> memref<125xi32, #tpu.memory_space<vmem>>
      %dma_start3A_75 = arith.constant 0 : i32
      %dma_start3A_76 = arith.constant 0 : i32
      %dma_start3A_77 = tpu.memref_slice %arg7[%dma_start3A_75, %dma_start3A_76] : memref<10000x16xf32, #tpu.memory_space<vmem_shared>> -> memref<10000x16xf32, #tpu.memory_space<vmem_shared>>
      tpu.enqueue_indirect_dma source(%arg5 : memref<125x16xf32, #tpu.memory_space<vmem>>) target(%dma_start3A_77 : memref<10000x16xf32, #tpu.memory_space<vmem_shared>>) offsets(%dma_start3A_74 : memref<125xi32, #tpu.memory_space<vmem>>) semaphore(%arg8 : memref<!tpu.dma_semaphore, #tpu.memory_space<semaphore_mem>>) {add = true}
      %add3A_78 = arith.constant 6 : i32
      %add3A_79 = arith.addi %add3A_30, %add3A_78 : i32
      %dma_start3A_80 = arith.constant 0 : i32
      %dma_start3A_81 = tpu.memref_slice %arg4[%add3A_79, %dma_start3A_80] : memref<80x125xi32, #tpu.memory_space<vmem>> -> memref<1x125xi32, #tpu.memory_space<vmem>>
      %dma_start3A_82 = tpu.memref_squeeze %dma_start3A_81 : memref<1x125xi32, #tpu.memory_space<vmem>> -> memref<125xi32, #tpu.memory_space<vmem>>
      %dma_start3A_83 = arith.constant 0 : i32
      %dma_start3A_84 = arith.constant 0 : i32
      %dma_start3A_85 = tpu.memref_slice %arg7[%dma_start3A_83, %dma_start3A_84] : memref<10000x16xf32, #tpu.memory_space<vmem_shared>> -> memref<10000x16xf32, #tpu.memory_space<vmem_shared>>
      tpu.enqueue_indirect_dma source(%arg5 : memref<125x16xf32, #tpu.memory_space<vmem>>) target(%dma_start3A_85 : memref<10000x16xf32, #tpu.memory_space<vmem_shared>>) offsets(%dma_start3A_82 : memref<125xi32, #tpu.memory_space<vmem>>) semaphore(%arg8 : memref<!tpu.dma_semaphore, #tpu.memory_space<semaphore_mem>>) {add = true}
      %add3A_86 = arith.constant 7 : i32
      %add3A_87 = arith.addi %add3A_30, %add3A_86 : i32
      %dma_start3A_88 = arith.constant 0 : i32
      %dma_start3A_89 = tpu.memref_slice %arg4[%add3A_87, %dma_start3A_88] : memref<80x125xi32, #tpu.memory_space<vmem>> -> memref<1x125xi32, #tpu.memory_space<vmem>>
      %dma_start3A_90 = tpu.memref_squeeze %dma_start3A_89 : memref<1x125xi32, #tpu.memory_space<vmem>> -> memref<125xi32, #tpu.memory_space<vmem>>
      %dma_start3A_91 = arith.constant 0 : i32
      %dma_start3A_92 = arith.constant 0 : i32
      %dma_start3A_93 = tpu.memref_slice %arg7[%dma_start3A_91, %dma_start3A_92] : memref<10000x16xf32, #tpu.memory_space<vmem_shared>> -> memref<10000x16xf32, #tpu.memory_space<vmem_shared>>
      tpu.enqueue_indirect_dma source(%arg5 : memref<125x16xf32, #tpu.memory_space<vmem>>) target(%dma_start3A_93 : memref<10000x16xf32, #tpu.memory_space<vmem_shared>>) offsets(%dma_start3A_90 : memref<125xi32, #tpu.memory_space<vmem>>) semaphore(%arg8 : memref<!tpu.dma_semaphore, #tpu.memory_space<semaphore_mem>>) {add = true}
      %add3A_94 = arith.constant 8 : i32
      %add3A_95 = arith.addi %add3A_30, %add3A_94 : i32
      %dma_start3A_96 = arith.constant 0 : i32
      %dma_start3A_97 = tpu.memref_slice %arg4[%add3A_95, %dma_start3A_96] : memref<80x125xi32, #tpu.memory_space<vmem>> -> memref<1x125xi32, #tpu.memory_space<vmem>>
      %dma_start3A_98 = tpu.memref_squeeze %dma_start3A_97 : memref<1x125xi32, #tpu.memory_space<vmem>> -> memref<125xi32, #tpu.memory_space<vmem>>
      %dma_start3A_99 = arith.constant 0 : i32
      %dma_start3A_100 = arith.constant 0 : i32
      %dma_start3A_101 = tpu.memref_slice %arg7[%dma_start3A_99, %dma_start3A_100] : memref<10000x16xf32, #tpu.memory_space<vmem_shared>> -> memref<10000x16xf32, #tpu.memory_space<vmem_shared>>
      tpu.enqueue_indirect_dma source(%arg5 : memref<125x16xf32, #tpu.memory_space<vmem>>) target(%dma_start3A_101 : memref<10000x16xf32, #tpu.memory_space<vmem_shared>>) offsets(%dma_start3A_98 : memref<125xi32, #tpu.memory_space<vmem>>) semaphore(%arg8 : memref<!tpu.dma_semaphore, #tpu.memory_space<semaphore_mem>>) {add = true}
      %add3A_102 = arith.constant 9 : i32
      %add3A_103 = arith.addi %add3A_30, %add3A_102 : i32
      %dma_start3A_104 = arith.constant 0 : i32
      %dma_start3A_105 = tpu.memref_slice %arg4[%add3A_103, %dma_start3A_104] : memref<80x125xi32, #tpu.memory_space<vmem>> -> memref<1x125xi32, #tpu.memory_space<vmem>>
      %dma_start3A_106 = tpu.memref_squeeze %dma_start3A_105 : memref<1x125xi32, #tpu.memory_space<vmem>> -> memref<125xi32, #tpu.memory_space<vmem>>
      %dma_start3A_107 = arith.constant 0 : i32
      %dma_start3A_108 = arith.constant 0 : i32
      %dma_start3A_109 = tpu.memref_slice %arg7[%dma_start3A_107, %dma_start3A_108] : memref<10000x16xf32, #tpu.memory_space<vmem_shared>> -> memref<10000x16xf32, #tpu.memory_space<vmem_shared>>
      tpu.enqueue_indirect_dma source(%arg5 : memref<125x16xf32, #tpu.memory_space<vmem>>) target(%dma_start3A_109 : memref<10000x16xf32, #tpu.memory_space<vmem_shared>>) offsets(%dma_start3A_106 : memref<125xi32, #tpu.memory_space<vmem>>) semaphore(%arg8 : memref<!tpu.dma_semaphore, #tpu.memory_space<semaphore_mem>>) {add = true}
      %add3A_110 = arith.constant 0 : i32
      %add3A_111 = arith.addi %add3A_30, %add3A_110 : i32
      %dma_wait3A = arith.constant 0 : i32
      %dma_wait3A_112 = tpu.memref_slice %arg4[%add3A_111, %dma_wait3A] : memref<80x125xi32, #tpu.memory_space<vmem>> -> memref<1x125xi32, #tpu.memory_space<vmem>>
      %dma_wait3A_113 = tpu.memref_squeeze %dma_wait3A_112 : memref<1x125xi32, #tpu.memory_space<vmem>> -> memref<125xi32, #tpu.memory_space<vmem>>
      %dma_wait3A_114 = arith.constant 0 : i32
      %dma_wait3A_115 = arith.constant 0 : i32
      %dma_wait3A_116 = tpu.memref_slice %arg7[%dma_wait3A_114, %dma_wait3A_115] : memref<10000x16xf32, #tpu.memory_space<vmem_shared>> -> memref<10000x16xf32, #tpu.memory_space<vmem_shared>>
      tpu.wait_indirect_dma semaphore(%arg8 : memref<!tpu.dma_semaphore, #tpu.memory_space<semaphore_mem>>) src(%arg5 : memref<125x16xf32, #tpu.memory_space<vmem>>) dst(%dma_wait3A_116 : memref<10000x16xf32, #tpu.memory_space<vmem_shared>>)
      %add3A_117 = arith.constant 1 : i32
      %add3A_118 = arith.addi %add3A_30, %add3A_117 : i32
      %dma_wait3A_119 = arith.constant 0 : i32
      %dma_wait3A_120 = tpu.memref_slice %arg4[%add3A_118, %dma_wait3A_119] : memref<80x125xi32, #tpu.memory_space<vmem>> -> memref<1x125xi32, #tpu.memory_space<vmem>>
      %dma_wait3A_121 = tpu.memref_squeeze %dma_wait3A_120 : memref<1x125xi32, #tpu.memory_space<vmem>> -> memref<125xi32, #tpu.memory_space<vmem>>
      %dma_wait3A_122 = arith.constant 0 : i32
      %dma_wait3A_123 = arith.constant 0 : i32
      %dma_wait3A_124 = tpu.memref_slice %arg7[%dma_wait3A_122, %dma_wait3A_123] : memref<10000x16xf32, #tpu.memory_space<vmem_shared>> -> memref<10000x16xf32, #tpu.memory_space<vmem_shared>>
      tpu.wait_indirect_dma semaphore(%arg8 : memref<!tpu.dma_semaphore, #tpu.memory_space<semaphore_mem>>) src(%arg5 : memref<125x16xf32, #tpu.memory_space<vmem>>) dst(%dma_wait3A_124 : memref<10000x16xf32, #tpu.memory_space<vmem_shared>>)
      %add3A_125 = arith.constant 2 : i32
      %add3A_126 = arith.addi %add3A_30, %add3A_125 : i32
      %dma_wait3A_127 = arith.constant 0 : i32
      %dma_wait3A_128 = tpu.memref_slice %arg4[%add3A_126, %dma_wait3A_127] : memref<80x125xi32, #tpu.memory_space<vmem>> -> memref<1x125xi32, #tpu.memory_space<vmem>>
      %dma_wait3A_129 = tpu.memref_squeeze %dma_wait3A_128 : memref<1x125xi32, #tpu.memory_space<vmem>> -> memref<125xi32, #tpu.memory_space<vmem>>
      %dma_wait3A_130 = arith.constant 0 : i32
      %dma_wait3A_131 = arith.constant 0 : i32
      %dma_wait3A_132 = tpu.memref_slice %arg7[%dma_wait3A_130, %dma_wait3A_131] : memref<10000x16xf32, #tpu.memory_space<vmem_shared>> -> memref<10000x16xf32, #tpu.memory_space<vmem_shared>>
      tpu.wait_indirect_dma semaphore(%arg8 : memref<!tpu.dma_semaphore, #tpu.memory_space<semaphore_mem>>) src(%arg5 : memref<125x16xf32, #tpu.memory_space<vmem>>) dst(%dma_wait3A_132 : memref<10000x16xf32, #tpu.memory_space<vmem_shared>>)
      %add3A_133 = arith.constant 3 : i32
      %add3A_134 = arith.addi %add3A_30, %add3A_133 : i32
      %dma_wait3A_135 = arith.constant 0 : i32
      %dma_wait3A_136 = tpu.memref_slice %arg4[%add3A_134, %dma_wait3A_135] : memref<80x125xi32, #tpu.memory_space<vmem>> -> memref<1x125xi32, #tpu.memory_space<vmem>>
      %dma_wait3A_137 = tpu.memref_squeeze %dma_wait3A_136 : memref<1x125xi32, #tpu.memory_space<vmem>> -> memref<125xi32, #tpu.memory_space<vmem>>
      %dma_wait3A_138 = arith.constant 0 : i32
      %dma_wait3A_139 = arith.constant 0 : i32
      %dma_wait3A_140 = tpu.memref_slice %arg7[%dma_wait3A_138, %dma_wait3A_139] : memref<10000x16xf32, #tpu.memory_space<vmem_shared>> -> memref<10000x16xf32, #tpu.memory_space<vmem_shared>>
      tpu.wait_indirect_dma semaphore(%arg8 : memref<!tpu.dma_semaphore, #tpu.memory_space<semaphore_mem>>) src(%arg5 : memref<125x16xf32, #tpu.memory_space<vmem>>) dst(%dma_wait3A_140 : memref<10000x16xf32, #tpu.memory_space<vmem_shared>>)
      %add3A_141 = arith.constant 4 : i32
      %add3A_142 = arith.addi %add3A_30, %add3A_141 : i32
      %dma_wait3A_143 = arith.constant 0 : i32
      %dma_wait3A_144 = tpu.memref_slice %arg4[%add3A_142, %dma_wait3A_143] : memref<80x125xi32, #tpu.memory_space<vmem>> -> memref<1x125xi32, #tpu.memory_space<vmem>>
      %dma_wait3A_145 = tpu.memref_squeeze %dma_wait3A_144 : memref<1x125xi32, #tpu.memory_space<vmem>> -> memref<125xi32, #tpu.memory_space<vmem>>
      %dma_wait3A_146 = arith.constant 0 : i32
      %dma_wait3A_147 = arith.constant 0 : i32
      %dma_wait3A_148 = tpu.memref_slice %arg7[%dma_wait3A_146, %dma_wait3A_147] : memref<10000x16xf32, #tpu.memory_space<vmem_shared>> -> memref<10000x16xf32, #tpu.memory_space<vmem_shared>>
      tpu.wait_indirect_dma semaphore(%arg8 : memref<!tpu.dma_semaphore, #tpu.memory_space<semaphore_mem>>) src(%arg5 : memref<125x16xf32, #tpu.memory_space<vmem>>) dst(%dma_wait3A_148 : memref<10000x16xf32, #tpu.memory_space<vmem_shared>>)
      %add3A_149 = arith.constant 5 : i32
      %add3A_150 = arith.addi %add3A_30, %add3A_149 : i32
      %dma_wait3A_151 = arith.constant 0 : i32
      %dma_wait3A_152 = tpu.memref_slice %arg4[%add3A_150, %dma_wait3A_151] : memref<80x125xi32, #tpu.memory_space<vmem>> -> memref<1x125xi32, #tpu.memory_space<vmem>>
      %dma_wait3A_153 = tpu.memref_squeeze %dma_wait3A_152 : memref<1x125xi32, #tpu.memory_space<vmem>> -> memref<125xi32, #tpu.memory_space<vmem>>
      %dma_wait3A_154 = arith.constant 0 : i32
      %dma_wait3A_155 = arith.constant 0 : i32
      %dma_wait3A_156 = tpu.memref_slice %arg7[%dma_wait3A_154, %dma_wait3A_155] : memref<10000x16xf32, #tpu.memory_space<vmem_shared>> -> memref<10000x16xf32, #tpu.memory_space<vmem_shared>>
      tpu.wait_indirect_dma semaphore(%arg8 : memref<!tpu.dma_semaphore, #tpu.memory_space<semaphore_mem>>) src(%arg5 : memref<125x16xf32, #tpu.memory_space<vmem>>) dst(%dma_wait3A_156 : memref<10000x16xf32, #tpu.memory_space<vmem_shared>>)
      %add3A_157 = arith.constant 6 : i32
      %add3A_158 = arith.addi %add3A_30, %add3A_157 : i32
      %dma_wait3A_159 = arith.constant 0 : i32
      %dma_wait3A_160 = tpu.memref_slice %arg4[%add3A_158, %dma_wait3A_159] : memref<80x125xi32, #tpu.memory_space<vmem>> -> memref<1x125xi32, #tpu.memory_space<vmem>>
      %dma_wait3A_161 = tpu.memref_squeeze %dma_wait3A_160 : memref<1x125xi32, #tpu.memory_space<vmem>> -> memref<125xi32, #tpu.memory_space<vmem>>
      %dma_wait3A_162 = arith.constant 0 : i32
      %dma_wait3A_163 = arith.constant 0 : i32
      %dma_wait3A_164 = tpu.memref_slice %arg7[%dma_wait3A_162, %dma_wait3A_163] : memref<10000x16xf32, #tpu.memory_space<vmem_shared>> -> memref<10000x16xf32, #tpu.memory_space<vmem_shared>>
      tpu.wait_indirect_dma semaphore(%arg8 : memref<!tpu.dma_semaphore, #tpu.memory_space<semaphore_mem>>) src(%arg5 : memref<125x16xf32, #tpu.memory_space<vmem>>) dst(%dma_wait3A_164 : memref<10000x16xf32, #tpu.memory_space<vmem_shared>>)
      %add3A_165 = arith.constant 7 : i32
      %add3A_166 = arith.addi %add3A_30, %add3A_165 : i32
      %dma_wait3A_167 = arith.constant 0 : i32
      %dma_wait3A_168 = tpu.memref_slice %arg4[%add3A_166, %dma_wait3A_167] : memref<80x125xi32, #tpu.memory_space<vmem>> -> memref<1x125xi32, #tpu.memory_space<vmem>>
      %dma_wait3A_169 = tpu.memref_squeeze %dma_wait3A_168 : memref<1x125xi32, #tpu.memory_space<vmem>> -> memref<125xi32, #tpu.memory_space<vmem>>
      %dma_wait3A_170 = arith.constant 0 : i32
      %dma_wait3A_171 = arith.constant 0 : i32
      %dma_wait3A_172 = tpu.memref_slice %arg7[%dma_wait3A_170, %dma_wait3A_171] : memref<10000x16xf32, #tpu.memory_space<vmem_shared>> -> memref<10000x16xf32, #tpu.memory_space<vmem_shared>>
      tpu.wait_indirect_dma semaphore(%arg8 : memref<!tpu.dma_semaphore, #tpu.memory_space<semaphore_mem>>) src(%arg5 : memref<125x16xf32, #tpu.memory_space<vmem>>) dst(%dma_wait3A_172 : memref<10000x16xf32, #tpu.memory_space<vmem_shared>>)
      %add3A_173 = arith.constant 8 : i32
      %add3A_174 = arith.addi %add3A_30, %add3A_173 : i32
      %dma_wait3A_175 = arith.constant 0 : i32
      %dma_wait3A_176 = tpu.memref_slice %arg4[%add3A_174, %dma_wait3A_175] : memref<80x125xi32, #tpu.memory_space<vmem>> -> memref<1x125xi32, #tpu.memory_space<vmem>>
      %dma_wait3A_177 = tpu.memref_squeeze %dma_wait3A_176 : memref<1x125xi32, #tpu.memory_space<vmem>> -> memref<125xi32, #tpu.memory_space<vmem>>
      %dma_wait3A_178 = arith.constant 0 : i32
      %dma_wait3A_179 = arith.constant 0 : i32
      %dma_wait3A_180 = tpu.memref_slice %arg7[%dma_wait3A_178, %dma_wait3A_179] : memref<10000x16xf32, #tpu.memory_space<vmem_shared>> -> memref<10000x16xf32, #tpu.memory_space<vmem_shared>>
      tpu.wait_indirect_dma semaphore(%arg8 : memref<!tpu.dma_semaphore, #tpu.memory_space<semaphore_mem>>) src(%arg5 : memref<125x16xf32, #tpu.memory_space<vmem>>) dst(%dma_wait3A_180 : memref<10000x16xf32, #tpu.memory_space<vmem_shared>>)
      %add3A_181 = arith.constant 9 : i32
      %add3A_182 = arith.addi %add3A_30, %add3A_181 : i32
      %dma_wait3A_183 = arith.constant 0 : i32
      %dma_wait3A_184 = tpu.memref_slice %arg4[%add3A_182, %dma_wait3A_183] : memref<80x125xi32, #tpu.memory_space<vmem>> -> memref<1x125xi32, #tpu.memory_space<vmem>>
      %dma_wait3A_185 = tpu.memref_squeeze %dma_wait3A_184 : memref<1x125xi32, #tpu.memory_space<vmem>> -> memref<125xi32, #tpu.memory_space<vmem>>
      %dma_wait3A_186 = arith.constant 0 : i32
      %dma_wait3A_187 = arith.constant 0 : i32
      %dma_wait3A_188 = tpu.memref_slice %arg7[%dma_wait3A_186, %dma_wait3A_187] : memref<10000x16xf32, #tpu.memory_space<vmem_shared>> -> memref<10000x16xf32, #tpu.memory_space<vmem_shared>>
      tpu.wait_indirect_dma semaphore(%arg8 : memref<!tpu.dma_semaphore, #tpu.memory_space<semaphore_mem>>) src(%arg5 : memref<125x16xf32, #tpu.memory_space<vmem>>) dst(%dma_wait3A_188 : memref<10000x16xf32, #tpu.memory_space<vmem_shared>>)
    }
    %scan3A_21 = arith.constant 8 : i32
    %barrier3A_22 = arith.constant 0 : index
    tpu.barrier barrier_id(%barrier3A_22)
    %mul3A_23 = arith.constant 10000 : i32
    %mul3A_24 = arith.muli %arg0, %mul3A_23 : i32
    %add3A_25 = arith.addi %mul3A_24, %mul3A_2 : i32
    "tpu.region"() ({
      %run_scoped3A = tpu.sem_alloc : memref<!tpu.dma_semaphore, #tpu.memory_space<semaphore_mem>>
      %dma_start3A = arith.constant 0 : i32
      %dma_start3A_26 = tpu.memref_slice %arg3[%add3A_25, %dma_start3A] : memref<20000x16xf32, #tpu.memory_space<hbm>> -> memref<625x16xf32, #tpu.memory_space<hbm>>
      %dma_start3A_27 = arith.constant 0 : i32
      %dma_start3A_28 = tpu.memref_slice %arg7[%mul3A_2, %dma_start3A_27] : memref<10000x16xf32, #tpu.memory_space<vmem_shared>> -> memref<625x16xf32, #tpu.memory_space<vmem_shared>>
      tpu.enqueue_dma source(%dma_start3A_28 : memref<625x16xf32, #tpu.memory_space<vmem_shared>>) target(%dma_start3A_26 : memref<625x16xf32, #tpu.memory_space<hbm>>) target_semaphore(%run_scoped3A : memref<!tpu.dma_semaphore, #tpu.memory_space<semaphore_mem>>)
      %dma_wait3A = arith.constant 0 : i32
      %dma_wait3A_29 = tpu.memref_slice %arg3[%add3A_25, %dma_wait3A] : memref<20000x16xf32, #tpu.memory_space<hbm>> -> memref<625x16xf32, #tpu.memory_space<hbm>>
      %dma_wait3A_30 = arith.constant 0 : i32
      %dma_wait3A_31 = tpu.memref_slice %arg7[%mul3A_2, %dma_wait3A_30] : memref<10000x16xf32, #tpu.memory_space<vmem_shared>> -> memref<625x16xf32, #tpu.memory_space<vmem_shared>>
      tpu.wait_dma2 semaphore(%run_scoped3A : memref<!tpu.dma_semaphore, #tpu.memory_space<semaphore_mem>>) src(%dma_wait3A_31 : memref<625x16xf32, #tpu.memory_space<vmem_shared>>) dst(%dma_wait3A_29 : memref<625x16xf32, #tpu.memory_space<hbm>>)
      tpu.yield
    }) : () -> ()
    return
  }
}

#map = affine_map<(d0, d1) -> (0, 0)>
module attributes {stable_mosaic.version = 14 : i64} {
  func.func @agg(%arg0: i32, %arg1: i32, %arg2: memref<10000x64xf32, #tpu.memory_space<hbm>>, %arg3: memref<2560x125xi32, #tpu.memory_space<hbm>>, %arg4: memref<2560x125xi32, #tpu.memory_space<hbm>>, %arg5: memref<20000x64xf32, #tpu.memory_space<hbm>>, %arg6: memref<80x125xi32, #tpu.memory_space<vmem>>, %arg7: memref<80x125xi32, #tpu.memory_space<vmem>>, %arg8: memref<125x64xf32, #tpu.memory_space<vmem>>, %arg9: memref<125x64xf32, #tpu.memory_space<vmem>>, %arg10: memref<125x64xf32, #tpu.memory_space<vmem>>, %arg11: memref<125x64xf32, #tpu.memory_space<vmem>>, %arg12: memref<125x64xf32, #tpu.memory_space<vmem>>, %arg13: memref<10000x64xf32, #tpu.memory_space<vmem_shared>>, %arg14: memref<!tpu.dma_semaphore, #tpu.memory_space<semaphore_mem>>, %arg15: memref<!tpu.dma_semaphore, #tpu.memory_space<semaphore_mem>>, %arg16: memref<!tpu.dma_semaphore, #tpu.memory_space<semaphore_mem>>, %arg17: memref<!tpu.dma_semaphore, #tpu.memory_space<semaphore_mem>>, %arg18: memref<!tpu.dma_semaphore, #tpu.memory_space<semaphore_mem>>, %arg19: memref<!tpu.dma_semaphore, #tpu.memory_space<semaphore_mem>>, %arg20: memref<!tpu.dma_semaphore, #tpu.memory_space<semaphore_mem>>, %arg21: memref<!tpu.dma_semaphore, #tpu.memory_space<semaphore_mem>>, %arg22: memref<!tpu.dma_semaphore, #tpu.memory_space<semaphore_mem>>, %arg23: memref<!tpu.dma_semaphore, #tpu.memory_space<semaphore_mem>>) attributes {dimension_semantics = [#tpu.dimension_semantics<core_parallel>, #tpu.dimension_semantics<subcore_parallel>], iteration_bounds = array<i64: 2, 16>, scalar_prefetch = 0 : i64, scratch_operands = 18 : i64, tpu.core_type = #tpu.core_type<sc_vector_subcore>, window_params = [{transform_indices = #map}, {transform_indices = #map}, {transform_indices = #map}, {transform_indices = #map}]} {
    %mul3A = arith.constant 16 : i32
    %mul3A_0 = arith.muli %arg0, %mul3A : i32
    %add3A = arith.addi %mul3A_0, %arg1 : i32
    %mul3A_1 = arith.constant 625 : i32
    %mul3A_2 = arith.muli %arg1, %mul3A_1 : i32
    %mul3A_3 = arith.constant 80 : i32
    %mul3A_4 = arith.muli %add3A, %mul3A_3 : i32
    "tpu.region"() ({
      %run_scoped3A = tpu.sem_alloc : memref<!tpu.dma_semaphore, #tpu.memory_space<semaphore_mem>>
      %dma_start3A_151 = arith.constant 0 : i32
      %dma_start3A_152 = tpu.memref_slice %arg3[%mul3A_4, %dma_start3A_151] : memref<2560x125xi32, #tpu.memory_space<hbm>> -> memref<80x125xi32, #tpu.memory_space<hbm>>
      %dma_start3A_153 = arith.constant 0 : i32
      %dma_start3A_154 = tpu.memref_slice %arg3[%mul3A_4, %dma_start3A_153] : memref<2560x125xi32, #tpu.memory_space<hbm>> -> memref<80x125xi32, #tpu.memory_space<hbm>>
      tpu.enqueue_dma source(%dma_start3A_154 : memref<80x125xi32, #tpu.memory_space<hbm>>) target(%arg6 : memref<80x125xi32, #tpu.memory_space<vmem>>) target_semaphore(%run_scoped3A : memref<!tpu.dma_semaphore, #tpu.memory_space<semaphore_mem>>)
      %dma_wait3A_155 = arith.constant 0 : i32
      %dma_wait3A_156 = tpu.memref_slice %arg3[%mul3A_4, %dma_wait3A_155] : memref<2560x125xi32, #tpu.memory_space<hbm>> -> memref<80x125xi32, #tpu.memory_space<hbm>>
      %dma_wait3A_157 = arith.constant 0 : i32
      %dma_wait3A_158 = tpu.memref_slice %arg3[%mul3A_4, %dma_wait3A_157] : memref<2560x125xi32, #tpu.memory_space<hbm>> -> memref<80x125xi32, #tpu.memory_space<hbm>>
      tpu.wait_dma2 semaphore(%run_scoped3A : memref<!tpu.dma_semaphore, #tpu.memory_space<semaphore_mem>>) src(%dma_wait3A_158 : memref<80x125xi32, #tpu.memory_space<hbm>>) dst(%arg6 : memref<80x125xi32, #tpu.memory_space<vmem>>)
      tpu.yield
    }) : () -> ()
    "tpu.region"() ({
      %run_scoped3A = tpu.sem_alloc : memref<!tpu.dma_semaphore, #tpu.memory_space<semaphore_mem>>
      %dma_start3A_151 = arith.constant 0 : i32
      %dma_start3A_152 = tpu.memref_slice %arg4[%mul3A_4, %dma_start3A_151] : memref<2560x125xi32, #tpu.memory_space<hbm>> -> memref<80x125xi32, #tpu.memory_space<hbm>>
      %dma_start3A_153 = arith.constant 0 : i32
      %dma_start3A_154 = tpu.memref_slice %arg4[%mul3A_4, %dma_start3A_153] : memref<2560x125xi32, #tpu.memory_space<hbm>> -> memref<80x125xi32, #tpu.memory_space<hbm>>
      tpu.enqueue_dma source(%dma_start3A_154 : memref<80x125xi32, #tpu.memory_space<hbm>>) target(%arg7 : memref<80x125xi32, #tpu.memory_space<vmem>>) target_semaphore(%run_scoped3A : memref<!tpu.dma_semaphore, #tpu.memory_space<semaphore_mem>>)
      %dma_wait3A_155 = arith.constant 0 : i32
      %dma_wait3A_156 = tpu.memref_slice %arg4[%mul3A_4, %dma_wait3A_155] : memref<2560x125xi32, #tpu.memory_space<hbm>> -> memref<80x125xi32, #tpu.memory_space<hbm>>
      %dma_wait3A_157 = arith.constant 0 : i32
      %dma_wait3A_158 = tpu.memref_slice %arg4[%mul3A_4, %dma_wait3A_157] : memref<2560x125xi32, #tpu.memory_space<hbm>> -> memref<80x125xi32, #tpu.memory_space<hbm>>
      tpu.wait_dma2 semaphore(%run_scoped3A : memref<!tpu.dma_semaphore, #tpu.memory_space<semaphore_mem>>) src(%dma_wait3A_158 : memref<80x125xi32, #tpu.memory_space<hbm>>) dst(%arg7 : memref<80x125xi32, #tpu.memory_space<vmem>>)
      tpu.yield
    }) : () -> ()
    "tpu.region"() ({
      %run_scoped3A = tpu.sem_alloc : memref<!tpu.dma_semaphore, #tpu.memory_space<semaphore_mem>>
      %dma_start3A_151 = arith.constant 0 : i32
      %dma_start3A_152 = tpu.memref_slice %arg13[%mul3A_2, %dma_start3A_151] : memref<10000x64xf32, #tpu.memory_space<vmem_shared>> -> memref<625x64xf32, #tpu.memory_space<vmem_shared>>
      %dma_start3A_153 = arith.constant 0 : i32
      %dma_start3A_154 = tpu.memref_slice %arg2[%mul3A_2, %dma_start3A_153] : memref<10000x64xf32, #tpu.memory_space<hbm>> -> memref<625x64xf32, #tpu.memory_space<hbm>>
      tpu.enqueue_dma source(%dma_start3A_154 : memref<625x64xf32, #tpu.memory_space<hbm>>) target(%dma_start3A_152 : memref<625x64xf32, #tpu.memory_space<vmem_shared>>) target_semaphore(%run_scoped3A : memref<!tpu.dma_semaphore, #tpu.memory_space<semaphore_mem>>)
      %dma_wait3A_155 = arith.constant 0 : i32
      %dma_wait3A_156 = tpu.memref_slice %arg13[%mul3A_2, %dma_wait3A_155] : memref<10000x64xf32, #tpu.memory_space<vmem_shared>> -> memref<625x64xf32, #tpu.memory_space<vmem_shared>>
      %dma_wait3A_157 = arith.constant 0 : i32
      %dma_wait3A_158 = tpu.memref_slice %arg2[%mul3A_2, %dma_wait3A_157] : memref<10000x64xf32, #tpu.memory_space<hbm>> -> memref<625x64xf32, #tpu.memory_space<hbm>>
      tpu.wait_dma2 semaphore(%run_scoped3A : memref<!tpu.dma_semaphore, #tpu.memory_space<semaphore_mem>>) src(%dma_wait3A_158 : memref<625x64xf32, #tpu.memory_space<hbm>>) dst(%dma_wait3A_156 : memref<625x64xf32, #tpu.memory_space<vmem_shared>>)
      tpu.yield
    }) : () -> ()
    %barrier3A = arith.constant 0 : index
    tpu.barrier barrier_id(%barrier3A)
    %dma_start3A = arith.constant 0 : i32
    %dma_start3A_5 = arith.constant 0 : i32
    %dma_start3A_6 = tpu.memref_slice %arg6[%dma_start3A, %dma_start3A_5] : memref<80x125xi32, #tpu.memory_space<vmem>> -> memref<1x125xi32, #tpu.memory_space<vmem>>
    %dma_start3A_7 = tpu.memref_squeeze %dma_start3A_6 : memref<1x125xi32, #tpu.memory_space<vmem>> -> memref<125xi32, #tpu.memory_space<vmem>>
    %dma_start3A_8 = arith.constant 0 : i32
    %dma_start3A_9 = arith.constant 0 : i32
    %dma_start3A_10 = tpu.memref_slice %arg2[%dma_start3A_8, %dma_start3A_9] : memref<10000x64xf32, #tpu.memory_space<hbm>> -> memref<10000x64xf32, #tpu.memory_space<hbm>>
    tpu.enqueue_indirect_dma source(%dma_start3A_10 : memref<10000x64xf32, #tpu.memory_space<hbm>>) target(%arg8 : memref<125x64xf32, #tpu.memory_space<vmem>>) offsets(%dma_start3A_7 : memref<125xi32, #tpu.memory_space<vmem>>) semaphore(%arg14 : memref<!tpu.dma_semaphore, #tpu.memory_space<semaphore_mem>>)
    %dma_start3A_11 = arith.constant 1 : i32
    %dma_start3A_12 = arith.constant 0 : i32
    %dma_start3A_13 = tpu.memref_slice %arg6[%dma_start3A_11, %dma_start3A_12] : memref<80x125xi32, #tpu.memory_space<vmem>> -> memref<1x125xi32, #tpu.memory_space<vmem>>
    %dma_start3A_14 = tpu.memref_squeeze %dma_start3A_13 : memref<1x125xi32, #tpu.memory_space<vmem>> -> memref<125xi32, #tpu.memory_space<vmem>>
    %dma_start3A_15 = arith.constant 0 : i32
    %dma_start3A_16 = arith.constant 0 : i32
    %dma_start3A_17 = tpu.memref_slice %arg2[%dma_start3A_15, %dma_start3A_16] : memref<10000x64xf32, #tpu.memory_space<hbm>> -> memref<10000x64xf32, #tpu.memory_space<hbm>>
    tpu.enqueue_indirect_dma source(%dma_start3A_17 : memref<10000x64xf32, #tpu.memory_space<hbm>>) target(%arg9 : memref<125x64xf32, #tpu.memory_space<vmem>>) offsets(%dma_start3A_14 : memref<125xi32, #tpu.memory_space<vmem>>) semaphore(%arg15 : memref<!tpu.dma_semaphore, #tpu.memory_space<semaphore_mem>>)
    %dma_start3A_18 = arith.constant 2 : i32
    %dma_start3A_19 = arith.constant 0 : i32
    %dma_start3A_20 = tpu.memref_slice %arg6[%dma_start3A_18, %dma_start3A_19] : memref<80x125xi32, #tpu.memory_space<vmem>> -> memref<1x125xi32, #tpu.memory_space<vmem>>
    %dma_start3A_21 = tpu.memref_squeeze %dma_start3A_20 : memref<1x125xi32, #tpu.memory_space<vmem>> -> memref<125xi32, #tpu.memory_space<vmem>>
    %dma_start3A_22 = arith.constant 0 : i32
    %dma_start3A_23 = arith.constant 0 : i32
    %dma_start3A_24 = tpu.memref_slice %arg2[%dma_start3A_22, %dma_start3A_23] : memref<10000x64xf32, #tpu.memory_space<hbm>> -> memref<10000x64xf32, #tpu.memory_space<hbm>>
    tpu.enqueue_indirect_dma source(%dma_start3A_24 : memref<10000x64xf32, #tpu.memory_space<hbm>>) target(%arg10 : memref<125x64xf32, #tpu.memory_space<vmem>>) offsets(%dma_start3A_21 : memref<125xi32, #tpu.memory_space<vmem>>) semaphore(%arg16 : memref<!tpu.dma_semaphore, #tpu.memory_space<semaphore_mem>>)
    %dma_wait3A = arith.constant 0 : i32
    %dma_wait3A_25 = arith.constant 0 : i32
    %dma_wait3A_26 = tpu.memref_slice %arg6[%dma_wait3A, %dma_wait3A_25] : memref<80x125xi32, #tpu.memory_space<vmem>> -> memref<1x125xi32, #tpu.memory_space<vmem>>
    %dma_wait3A_27 = tpu.memref_squeeze %dma_wait3A_26 : memref<1x125xi32, #tpu.memory_space<vmem>> -> memref<125xi32, #tpu.memory_space<vmem>>
    %dma_wait3A_28 = arith.constant 0 : i32
    %dma_wait3A_29 = arith.constant 0 : i32
    %dma_wait3A_30 = tpu.memref_slice %arg2[%dma_wait3A_28, %dma_wait3A_29] : memref<10000x64xf32, #tpu.memory_space<hbm>> -> memref<10000x64xf32, #tpu.memory_space<hbm>>
    tpu.wait_indirect_dma semaphore(%arg14 : memref<!tpu.dma_semaphore, #tpu.memory_space<semaphore_mem>>) src(%dma_wait3A_30 : memref<10000x64xf32, #tpu.memory_space<hbm>>) dst(%arg8 : memref<125x64xf32, #tpu.memory_space<vmem>>)
    %dma_start3A_31 = arith.constant 0 : i32
    %dma_start3A_32 = arith.constant 0 : i32
    %dma_start3A_33 = tpu.memref_slice %arg7[%dma_start3A_31, %dma_start3A_32] : memref<80x125xi32, #tpu.memory_space<vmem>> -> memref<1x125xi32, #tpu.memory_space<vmem>>
    %dma_start3A_34 = tpu.memref_squeeze %dma_start3A_33 : memref<1x125xi32, #tpu.memory_space<vmem>> -> memref<125xi32, #tpu.memory_space<vmem>>
    %dma_start3A_35 = arith.constant 0 : i32
    %dma_start3A_36 = arith.constant 0 : i32
    %dma_start3A_37 = tpu.memref_slice %arg13[%dma_start3A_35, %dma_start3A_36] : memref<10000x64xf32, #tpu.memory_space<vmem_shared>> -> memref<10000x64xf32, #tpu.memory_space<vmem_shared>>
    tpu.enqueue_indirect_dma source(%arg8 : memref<125x64xf32, #tpu.memory_space<vmem>>) target(%dma_start3A_37 : memref<10000x64xf32, #tpu.memory_space<vmem_shared>>) offsets(%dma_start3A_34 : memref<125xi32, #tpu.memory_space<vmem>>) semaphore(%arg19 : memref<!tpu.dma_semaphore, #tpu.memory_space<semaphore_mem>>) {add = true}
    %dma_start3A_38 = arith.constant 3 : i32
    %dma_start3A_39 = arith.constant 0 : i32
    %dma_start3A_40 = tpu.memref_slice %arg6[%dma_start3A_38, %dma_start3A_39] : memref<80x125xi32, #tpu.memory_space<vmem>> -> memref<1x125xi32, #tpu.memory_space<vmem>>
    %dma_start3A_41 = tpu.memref_squeeze %dma_start3A_40 : memref<1x125xi32, #tpu.memory_space<vmem>> -> memref<125xi32, #tpu.memory_space<vmem>>
    %dma_start3A_42 = arith.constant 0 : i32
    %dma_start3A_43 = arith.constant 0 : i32
    %dma_start3A_44 = tpu.memref_slice %arg2[%dma_start3A_42, %dma_start3A_43] : memref<10000x64xf32, #tpu.memory_space<hbm>> -> memref<10000x64xf32, #tpu.memory_space<hbm>>
    tpu.enqueue_indirect_dma source(%dma_start3A_44 : memref<10000x64xf32, #tpu.memory_space<hbm>>) target(%arg11 : memref<125x64xf32, #tpu.memory_space<vmem>>) offsets(%dma_start3A_41 : memref<125xi32, #tpu.memory_space<vmem>>) semaphore(%arg17 : memref<!tpu.dma_semaphore, #tpu.memory_space<semaphore_mem>>)
    %dma_wait3A_45 = arith.constant 1 : i32
    %dma_wait3A_46 = arith.constant 0 : i32
    %dma_wait3A_47 = tpu.memref_slice %arg6[%dma_wait3A_45, %dma_wait3A_46] : memref<80x125xi32, #tpu.memory_space<vmem>> -> memref<1x125xi32, #tpu.memory_space<vmem>>
    %dma_wait3A_48 = tpu.memref_squeeze %dma_wait3A_47 : memref<1x125xi32, #tpu.memory_space<vmem>> -> memref<125xi32, #tpu.memory_space<vmem>>
    %dma_wait3A_49 = arith.constant 0 : i32
    %dma_wait3A_50 = arith.constant 0 : i32
    %dma_wait3A_51 = tpu.memref_slice %arg2[%dma_wait3A_49, %dma_wait3A_50] : memref<10000x64xf32, #tpu.memory_space<hbm>> -> memref<10000x64xf32, #tpu.memory_space<hbm>>
    tpu.wait_indirect_dma semaphore(%arg15 : memref<!tpu.dma_semaphore, #tpu.memory_space<semaphore_mem>>) src(%dma_wait3A_51 : memref<10000x64xf32, #tpu.memory_space<hbm>>) dst(%arg9 : memref<125x64xf32, #tpu.memory_space<vmem>>)
    %dma_start3A_52 = arith.constant 1 : i32
    %dma_start3A_53 = arith.constant 0 : i32
    %dma_start3A_54 = tpu.memref_slice %arg7[%dma_start3A_52, %dma_start3A_53] : memref<80x125xi32, #tpu.memory_space<vmem>> -> memref<1x125xi32, #tpu.memory_space<vmem>>
    %dma_start3A_55 = tpu.memref_squeeze %dma_start3A_54 : memref<1x125xi32, #tpu.memory_space<vmem>> -> memref<125xi32, #tpu.memory_space<vmem>>
    %dma_start3A_56 = arith.constant 0 : i32
    %dma_start3A_57 = arith.constant 0 : i32
    %dma_start3A_58 = tpu.memref_slice %arg13[%dma_start3A_56, %dma_start3A_57] : memref<10000x64xf32, #tpu.memory_space<vmem_shared>> -> memref<10000x64xf32, #tpu.memory_space<vmem_shared>>
    tpu.enqueue_indirect_dma source(%arg9 : memref<125x64xf32, #tpu.memory_space<vmem>>) target(%dma_start3A_58 : memref<10000x64xf32, #tpu.memory_space<vmem_shared>>) offsets(%dma_start3A_55 : memref<125xi32, #tpu.memory_space<vmem>>) semaphore(%arg20 : memref<!tpu.dma_semaphore, #tpu.memory_space<semaphore_mem>>) {add = true}
    %dma_start3A_59 = arith.constant 4 : i32
    %dma_start3A_60 = arith.constant 0 : i32
    %dma_start3A_61 = tpu.memref_slice %arg6[%dma_start3A_59, %dma_start3A_60] : memref<80x125xi32, #tpu.memory_space<vmem>> -> memref<1x125xi32, #tpu.memory_space<vmem>>
    %dma_start3A_62 = tpu.memref_squeeze %dma_start3A_61 : memref<1x125xi32, #tpu.memory_space<vmem>> -> memref<125xi32, #tpu.memory_space<vmem>>
    %dma_start3A_63 = arith.constant 0 : i32
    %dma_start3A_64 = arith.constant 0 : i32
    %dma_start3A_65 = tpu.memref_slice %arg2[%dma_start3A_63, %dma_start3A_64] : memref<10000x64xf32, #tpu.memory_space<hbm>> -> memref<10000x64xf32, #tpu.memory_space<hbm>>
    tpu.enqueue_indirect_dma source(%dma_start3A_65 : memref<10000x64xf32, #tpu.memory_space<hbm>>) target(%arg12 : memref<125x64xf32, #tpu.memory_space<vmem>>) offsets(%dma_start3A_62 : memref<125xi32, #tpu.memory_space<vmem>>) semaphore(%arg18 : memref<!tpu.dma_semaphore, #tpu.memory_space<semaphore_mem>>)
    %scan3A = arith.constant 0 : i32
    %scan3A_66 = arith.constant 15 : i32
    %scan3A_67 = arith.addi %scan3A, %scan3A_66 : i32
    %scan3A_68 = arith.constant 1 : i32
    scf.for %scan3A_151 = %scan3A to %scan3A_67 step %scan3A_68  : i32 {
      %mul3A_152 = arith.constant 5 : i32
      %mul3A_153 = arith.muli %scan3A_151, %mul3A_152 : i32
      %add3A_154 = arith.constant 2 : i32
      %add3A_155 = arith.addi %add3A_154, %mul3A_153 : i32
      %add3A_156 = arith.constant 0 : i32
      %add3A_157 = arith.addi %add3A_155, %add3A_156 : i32
      %dma_wait3A_158 = arith.constant 0 : i32
      %dma_wait3A_159 = tpu.memref_slice %arg6[%add3A_157, %dma_wait3A_158] : memref<80x125xi32, #tpu.memory_space<vmem>> -> memref<1x125xi32, #tpu.memory_space<vmem>>
      %dma_wait3A_160 = tpu.memref_squeeze %dma_wait3A_159 : memref<1x125xi32, #tpu.memory_space<vmem>> -> memref<125xi32, #tpu.memory_space<vmem>>
      %dma_wait3A_161 = arith.constant 0 : i32
      %dma_wait3A_162 = arith.constant 0 : i32
      %dma_wait3A_163 = tpu.memref_slice %arg2[%dma_wait3A_161, %dma_wait3A_162] : memref<10000x64xf32, #tpu.memory_space<hbm>> -> memref<10000x64xf32, #tpu.memory_space<hbm>>
      tpu.wait_indirect_dma semaphore(%arg16 : memref<!tpu.dma_semaphore, #tpu.memory_space<semaphore_mem>>) src(%dma_wait3A_163 : memref<10000x64xf32, #tpu.memory_space<hbm>>) dst(%arg10 : memref<125x64xf32, #tpu.memory_space<vmem>>)
      %dma_start3A_164 = arith.constant 0 : i32
      %dma_start3A_165 = tpu.memref_slice %arg7[%add3A_157, %dma_start3A_164] : memref<80x125xi32, #tpu.memory_space<vmem>> -> memref<1x125xi32, #tpu.memory_space<vmem>>
      %dma_start3A_166 = tpu.memref_squeeze %dma_start3A_165 : memref<1x125xi32, #tpu.memory_space<vmem>> -> memref<125xi32, #tpu.memory_space<vmem>>
      %dma_start3A_167 = arith.constant 0 : i32
      %dma_start3A_168 = arith.constant 0 : i32
      %dma_start3A_169 = tpu.memref_slice %arg13[%dma_start3A_167, %dma_start3A_168] : memref<10000x64xf32, #tpu.memory_space<vmem_shared>> -> memref<10000x64xf32, #tpu.memory_space<vmem_shared>>
      tpu.enqueue_indirect_dma source(%arg10 : memref<125x64xf32, #tpu.memory_space<vmem>>) target(%dma_start3A_169 : memref<10000x64xf32, #tpu.memory_space<vmem_shared>>) offsets(%dma_start3A_166 : memref<125xi32, #tpu.memory_space<vmem>>) semaphore(%arg21 : memref<!tpu.dma_semaphore, #tpu.memory_space<semaphore_mem>>) {add = true}
      %add3A_170 = arith.constant 3 : i32
      %add3A_171 = arith.addi %add3A_157, %add3A_170 : i32
      %sub3A = arith.constant 5 : i32
      %sub3A_172 = arith.subi %add3A_171, %sub3A : i32
      %dma_wait3A_173 = arith.constant 0 : i32
      %dma_wait3A_174 = tpu.memref_slice %arg7[%sub3A_172, %dma_wait3A_173] : memref<80x125xi32, #tpu.memory_space<vmem>> -> memref<1x125xi32, #tpu.memory_space<vmem>>
      %dma_wait3A_175 = tpu.memref_squeeze %dma_wait3A_174 : memref<1x125xi32, #tpu.memory_space<vmem>> -> memref<125xi32, #tpu.memory_space<vmem>>
      %dma_wait3A_176 = arith.constant 0 : i32
      %dma_wait3A_177 = arith.constant 0 : i32
      %dma_wait3A_178 = tpu.memref_slice %arg13[%dma_wait3A_176, %dma_wait3A_177] : memref<10000x64xf32, #tpu.memory_space<vmem_shared>> -> memref<10000x64xf32, #tpu.memory_space<vmem_shared>>
      tpu.wait_indirect_dma semaphore(%arg19 : memref<!tpu.dma_semaphore, #tpu.memory_space<semaphore_mem>>) src(%arg8 : memref<125x64xf32, #tpu.memory_space<vmem>>) dst(%dma_wait3A_178 : memref<10000x64xf32, #tpu.memory_space<vmem_shared>>)
      %add3A_179 = arith.constant 3 : i32
      %add3A_180 = arith.addi %add3A_157, %add3A_179 : i32
      %dma_start3A_181 = arith.constant 0 : i32
      %dma_start3A_182 = tpu.memref_slice %arg6[%add3A_180, %dma_start3A_181] : memref<80x125xi32, #tpu.memory_space<vmem>> -> memref<1x125xi32, #tpu.memory_space<vmem>>
      %dma_start3A_183 = tpu.memref_squeeze %dma_start3A_182 : memref<1x125xi32, #tpu.memory_space<vmem>> -> memref<125xi32, #tpu.memory_space<vmem>>
      %dma_start3A_184 = arith.constant 0 : i32
      %dma_start3A_185 = arith.constant 0 : i32
      %dma_start3A_186 = tpu.memref_slice %arg2[%dma_start3A_184, %dma_start3A_185] : memref<10000x64xf32, #tpu.memory_space<hbm>> -> memref<10000x64xf32, #tpu.memory_space<hbm>>
      tpu.enqueue_indirect_dma source(%dma_start3A_186 : memref<10000x64xf32, #tpu.memory_space<hbm>>) target(%arg8 : memref<125x64xf32, #tpu.memory_space<vmem>>) offsets(%dma_start3A_183 : memref<125xi32, #tpu.memory_space<vmem>>) semaphore(%arg14 : memref<!tpu.dma_semaphore, #tpu.memory_space<semaphore_mem>>)
      %add3A_187 = arith.constant 1 : i32
      %add3A_188 = arith.addi %add3A_155, %add3A_187 : i32
      %dma_wait3A_189 = arith.constant 0 : i32
      %dma_wait3A_190 = tpu.memref_slice %arg6[%add3A_188, %dma_wait3A_189] : memref<80x125xi32, #tpu.memory_space<vmem>> -> memref<1x125xi32, #tpu.memory_space<vmem>>
      %dma_wait3A_191 = tpu.memref_squeeze %dma_wait3A_190 : memref<1x125xi32, #tpu.memory_space<vmem>> -> memref<125xi32, #tpu.memory_space<vmem>>
      %dma_wait3A_192 = arith.constant 0 : i32
      %dma_wait3A_193 = arith.constant 0 : i32
      %dma_wait3A_194 = tpu.memref_slice %arg2[%dma_wait3A_192, %dma_wait3A_193] : memref<10000x64xf32, #tpu.memory_space<hbm>> -> memref<10000x64xf32, #tpu.memory_space<hbm>>
      tpu.wait_indirect_dma semaphore(%arg17 : memref<!tpu.dma_semaphore, #tpu.memory_space<semaphore_mem>>) src(%dma_wait3A_194 : memref<10000x64xf32, #tpu.memory_space<hbm>>) dst(%arg11 : memref<125x64xf32, #tpu.memory_space<vmem>>)
      %dma_start3A_195 = arith.constant 0 : i32
      %dma_start3A_196 = tpu.memref_slice %arg7[%add3A_188, %dma_start3A_195] : memref<80x125xi32, #tpu.memory_space<vmem>> -> memref<1x125xi32, #tpu.memory_space<vmem>>
      %dma_start3A_197 = tpu.memref_squeeze %dma_start3A_196 : memref<1x125xi32, #tpu.memory_space<vmem>> -> memref<125xi32, #tpu.memory_space<vmem>>
      %dma_start3A_198 = arith.constant 0 : i32
      %dma_start3A_199 = arith.constant 0 : i32
      %dma_start3A_200 = tpu.memref_slice %arg13[%dma_start3A_198, %dma_start3A_199] : memref<10000x64xf32, #tpu.memory_space<vmem_shared>> -> memref<10000x64xf32, #tpu.memory_space<vmem_shared>>
      tpu.enqueue_indirect_dma source(%arg11 : memref<125x64xf32, #tpu.memory_space<vmem>>) target(%dma_start3A_200 : memref<10000x64xf32, #tpu.memory_space<vmem_shared>>) offsets(%dma_start3A_197 : memref<125xi32, #tpu.memory_space<vmem>>) semaphore(%arg22 : memref<!tpu.dma_semaphore, #tpu.memory_space<semaphore_mem>>) {add = true}
      %add3A_201 = arith.constant 3 : i32
      %add3A_202 = arith.addi %add3A_188, %add3A_201 : i32
      %sub3A_203 = arith.constant 5 : i32
      %sub3A_204 = arith.subi %add3A_202, %sub3A_203 : i32
      %dma_wait3A_205 = arith.constant 0 : i32
      %dma_wait3A_206 = tpu.memref_slice %arg7[%sub3A_204, %dma_wait3A_205] : memref<80x125xi32, #tpu.memory_space<vmem>> -> memref<1x125xi32, #tpu.memory_space<vmem>>
      %dma_wait3A_207 = tpu.memref_squeeze %dma_wait3A_206 : memref<1x125xi32, #tpu.memory_space<vmem>> -> memref<125xi32, #tpu.memory_space<vmem>>
      %dma_wait3A_208 = arith.constant 0 : i32
      %dma_wait3A_209 = arith.constant 0 : i32
      %dma_wait3A_210 = tpu.memref_slice %arg13[%dma_wait3A_208, %dma_wait3A_209] : memref<10000x64xf32, #tpu.memory_space<vmem_shared>> -> memref<10000x64xf32, #tpu.memory_space<vmem_shared>>
      tpu.wait_indirect_dma semaphore(%arg20 : memref<!tpu.dma_semaphore, #tpu.memory_space<semaphore_mem>>) src(%arg9 : memref<125x64xf32, #tpu.memory_space<vmem>>) dst(%dma_wait3A_210 : memref<10000x64xf32, #tpu.memory_space<vmem_shared>>)
      %add3A_211 = arith.constant 3 : i32
      %add3A_212 = arith.addi %add3A_188, %add3A_211 : i32
      %dma_start3A_213 = arith.constant 0 : i32
      %dma_start3A_214 = tpu.memref_slice %arg6[%add3A_212, %dma_start3A_213] : memref<80x125xi32, #tpu.memory_space<vmem>> -> memref<1x125xi32, #tpu.memory_space<vmem>>
      %dma_start3A_215 = tpu.memref_squeeze %dma_start3A_214 : memref<1x125xi32, #tpu.memory_space<vmem>> -> memref<125xi32, #tpu.memory_space<vmem>>
      %dma_start3A_216 = arith.constant 0 : i32
      %dma_start3A_217 = arith.constant 0 : i32
      %dma_start3A_218 = tpu.memref_slice %arg2[%dma_start3A_216, %dma_start3A_217] : memref<10000x64xf32, #tpu.memory_space<hbm>> -> memref<10000x64xf32, #tpu.memory_space<hbm>>
      tpu.enqueue_indirect_dma source(%dma_start3A_218 : memref<10000x64xf32, #tpu.memory_space<hbm>>) target(%arg9 : memref<125x64xf32, #tpu.memory_space<vmem>>) offsets(%dma_start3A_215 : memref<125xi32, #tpu.memory_space<vmem>>) semaphore(%arg15 : memref<!tpu.dma_semaphore, #tpu.memory_space<semaphore_mem>>)
      %add3A_219 = arith.constant 2 : i32
      %add3A_220 = arith.addi %add3A_155, %add3A_219 : i32
      %dma_wait3A_221 = arith.constant 0 : i32
      %dma_wait3A_222 = tpu.memref_slice %arg6[%add3A_220, %dma_wait3A_221] : memref<80x125xi32, #tpu.memory_space<vmem>> -> memref<1x125xi32, #tpu.memory_space<vmem>>
      %dma_wait3A_223 = tpu.memref_squeeze %dma_wait3A_222 : memref<1x125xi32, #tpu.memory_space<vmem>> -> memref<125xi32, #tpu.memory_space<vmem>>
      %dma_wait3A_224 = arith.constant 0 : i32
      %dma_wait3A_225 = arith.constant 0 : i32
      %dma_wait3A_226 = tpu.memref_slice %arg2[%dma_wait3A_224, %dma_wait3A_225] : memref<10000x64xf32, #tpu.memory_space<hbm>> -> memref<10000x64xf32, #tpu.memory_space<hbm>>
      tpu.wait_indirect_dma semaphore(%arg18 : memref<!tpu.dma_semaphore, #tpu.memory_space<semaphore_mem>>) src(%dma_wait3A_226 : memref<10000x64xf32, #tpu.memory_space<hbm>>) dst(%arg12 : memref<125x64xf32, #tpu.memory_space<vmem>>)
      %dma_start3A_227 = arith.constant 0 : i32
      %dma_start3A_228 = tpu.memref_slice %arg7[%add3A_220, %dma_start3A_227] : memref<80x125xi32, #tpu.memory_space<vmem>> -> memref<1x125xi32, #tpu.memory_space<vmem>>
      %dma_start3A_229 = tpu.memref_squeeze %dma_start3A_228 : memref<1x125xi32, #tpu.memory_space<vmem>> -> memref<125xi32, #tpu.memory_space<vmem>>
      %dma_start3A_230 = arith.constant 0 : i32
      %dma_start3A_231 = arith.constant 0 : i32
      %dma_start3A_232 = tpu.memref_slice %arg13[%dma_start3A_230, %dma_start3A_231] : memref<10000x64xf32, #tpu.memory_space<vmem_shared>> -> memref<10000x64xf32, #tpu.memory_space<vmem_shared>>
      tpu.enqueue_indirect_dma source(%arg12 : memref<125x64xf32, #tpu.memory_space<vmem>>) target(%dma_start3A_232 : memref<10000x64xf32, #tpu.memory_space<vmem_shared>>) offsets(%dma_start3A_229 : memref<125xi32, #tpu.memory_space<vmem>>) semaphore(%arg23 : memref<!tpu.dma_semaphore, #tpu.memory_space<semaphore_mem>>) {add = true}
      %add3A_233 = arith.constant 3 : i32
      %add3A_234 = arith.addi %add3A_220, %add3A_233 : i32
      %sub3A_235 = arith.constant 5 : i32
      %sub3A_236 = arith.subi %add3A_234, %sub3A_235 : i32
      %dma_wait3A_237 = arith.constant 0 : i32
      %dma_wait3A_238 = tpu.memref_slice %arg7[%sub3A_236, %dma_wait3A_237] : memref<80x125xi32, #tpu.memory_space<vmem>> -> memref<1x125xi32, #tpu.memory_space<vmem>>
      %dma_wait3A_239 = tpu.memref_squeeze %dma_wait3A_238 : memref<1x125xi32, #tpu.memory_space<vmem>> -> memref<125xi32, #tpu.memory_space<vmem>>
      %dma_wait3A_240 = arith.constant 0 : i32
      %dma_wait3A_241 = arith.constant 0 : i32
      %dma_wait3A_242 = tpu.memref_slice %arg13[%dma_wait3A_240, %dma_wait3A_241] : memref<10000x64xf32, #tpu.memory_space<vmem_shared>> -> memref<10000x64xf32, #tpu.memory_space<vmem_shared>>
      tpu.wait_indirect_dma semaphore(%arg21 : memref<!tpu.dma_semaphore, #tpu.memory_space<semaphore_mem>>) src(%arg10 : memref<125x64xf32, #tpu.memory_space<vmem>>) dst(%dma_wait3A_242 : memref<10000x64xf32, #tpu.memory_space<vmem_shared>>)
      %add3A_243 = arith.constant 3 : i32
      %add3A_244 = arith.addi %add3A_220, %add3A_243 : i32
      %dma_start3A_245 = arith.constant 0 : i32
      %dma_start3A_246 = tpu.memref_slice %arg6[%add3A_244, %dma_start3A_245] : memref<80x125xi32, #tpu.memory_space<vmem>> -> memref<1x125xi32, #tpu.memory_space<vmem>>
      %dma_start3A_247 = tpu.memref_squeeze %dma_start3A_246 : memref<1x125xi32, #tpu.memory_space<vmem>> -> memref<125xi32, #tpu.memory_space<vmem>>
      %dma_start3A_248 = arith.constant 0 : i32
      %dma_start3A_249 = arith.constant 0 : i32
      %dma_start3A_250 = tpu.memref_slice %arg2[%dma_start3A_248, %dma_start3A_249] : memref<10000x64xf32, #tpu.memory_space<hbm>> -> memref<10000x64xf32, #tpu.memory_space<hbm>>
      tpu.enqueue_indirect_dma source(%dma_start3A_250 : memref<10000x64xf32, #tpu.memory_space<hbm>>) target(%arg10 : memref<125x64xf32, #tpu.memory_space<vmem>>) offsets(%dma_start3A_247 : memref<125xi32, #tpu.memory_space<vmem>>) semaphore(%arg16 : memref<!tpu.dma_semaphore, #tpu.memory_space<semaphore_mem>>)
      %add3A_251 = arith.constant 3 : i32
      %add3A_252 = arith.addi %add3A_155, %add3A_251 : i32
      %dma_wait3A_253 = arith.constant 0 : i32
      %dma_wait3A_254 = tpu.memref_slice %arg6[%add3A_252, %dma_wait3A_253] : memref<80x125xi32, #tpu.memory_space<vmem>> -> memref<1x125xi32, #tpu.memory_space<vmem>>
      %dma_wait3A_255 = tpu.memref_squeeze %dma_wait3A_254 : memref<1x125xi32, #tpu.memory_space<vmem>> -> memref<125xi32, #tpu.memory_space<vmem>>
      %dma_wait3A_256 = arith.constant 0 : i32
      %dma_wait3A_257 = arith.constant 0 : i32
      %dma_wait3A_258 = tpu.memref_slice %arg2[%dma_wait3A_256, %dma_wait3A_257] : memref<10000x64xf32, #tpu.memory_space<hbm>> -> memref<10000x64xf32, #tpu.memory_space<hbm>>
      tpu.wait_indirect_dma semaphore(%arg14 : memref<!tpu.dma_semaphore, #tpu.memory_space<semaphore_mem>>) src(%dma_wait3A_258 : memref<10000x64xf32, #tpu.memory_space<hbm>>) dst(%arg8 : memref<125x64xf32, #tpu.memory_space<vmem>>)
      %dma_start3A_259 = arith.constant 0 : i32
      %dma_start3A_260 = tpu.memref_slice %arg7[%add3A_252, %dma_start3A_259] : memref<80x125xi32, #tpu.memory_space<vmem>> -> memref<1x125xi32, #tpu.memory_space<vmem>>
      %dma_start3A_261 = tpu.memref_squeeze %dma_start3A_260 : memref<1x125xi32, #tpu.memory_space<vmem>> -> memref<125xi32, #tpu.memory_space<vmem>>
      %dma_start3A_262 = arith.constant 0 : i32
      %dma_start3A_263 = arith.constant 0 : i32
      %dma_start3A_264 = tpu.memref_slice %arg13[%dma_start3A_262, %dma_start3A_263] : memref<10000x64xf32, #tpu.memory_space<vmem_shared>> -> memref<10000x64xf32, #tpu.memory_space<vmem_shared>>
      tpu.enqueue_indirect_dma source(%arg8 : memref<125x64xf32, #tpu.memory_space<vmem>>) target(%dma_start3A_264 : memref<10000x64xf32, #tpu.memory_space<vmem_shared>>) offsets(%dma_start3A_261 : memref<125xi32, #tpu.memory_space<vmem>>) semaphore(%arg19 : memref<!tpu.dma_semaphore, #tpu.memory_space<semaphore_mem>>) {add = true}
      %add3A_265 = arith.constant 3 : i32
      %add3A_266 = arith.addi %add3A_252, %add3A_265 : i32
      %sub3A_267 = arith.constant 5 : i32
      %sub3A_268 = arith.subi %add3A_266, %sub3A_267 : i32
      %dma_wait3A_269 = arith.constant 0 : i32
      %dma_wait3A_270 = tpu.memref_slice %arg7[%sub3A_268, %dma_wait3A_269] : memref<80x125xi32, #tpu.memory_space<vmem>> -> memref<1x125xi32, #tpu.memory_space<vmem>>
      %dma_wait3A_271 = tpu.memref_squeeze %dma_wait3A_270 : memref<1x125xi32, #tpu.memory_space<vmem>> -> memref<125xi32, #tpu.memory_space<vmem>>
      %dma_wait3A_272 = arith.constant 0 : i32
      %dma_wait3A_273 = arith.constant 0 : i32
      %dma_wait3A_274 = tpu.memref_slice %arg13[%dma_wait3A_272, %dma_wait3A_273] : memref<10000x64xf32, #tpu.memory_space<vmem_shared>> -> memref<10000x64xf32, #tpu.memory_space<vmem_shared>>
      tpu.wait_indirect_dma semaphore(%arg22 : memref<!tpu.dma_semaphore, #tpu.memory_space<semaphore_mem>>) src(%arg11 : memref<125x64xf32, #tpu.memory_space<vmem>>) dst(%dma_wait3A_274 : memref<10000x64xf32, #tpu.memory_space<vmem_shared>>)
      %add3A_275 = arith.constant 3 : i32
      %add3A_276 = arith.addi %add3A_252, %add3A_275 : i32
      %dma_start3A_277 = arith.constant 0 : i32
      %dma_start3A_278 = tpu.memref_slice %arg6[%add3A_276, %dma_start3A_277] : memref<80x125xi32, #tpu.memory_space<vmem>> -> memref<1x125xi32, #tpu.memory_space<vmem>>
      %dma_start3A_279 = tpu.memref_squeeze %dma_start3A_278 : memref<1x125xi32, #tpu.memory_space<vmem>> -> memref<125xi32, #tpu.memory_space<vmem>>
      %dma_start3A_280 = arith.constant 0 : i32
      %dma_start3A_281 = arith.constant 0 : i32
      %dma_start3A_282 = tpu.memref_slice %arg2[%dma_start3A_280, %dma_start3A_281] : memref<10000x64xf32, #tpu.memory_space<hbm>> -> memref<10000x64xf32, #tpu.memory_space<hbm>>
      tpu.enqueue_indirect_dma source(%dma_start3A_282 : memref<10000x64xf32, #tpu.memory_space<hbm>>) target(%arg11 : memref<125x64xf32, #tpu.memory_space<vmem>>) offsets(%dma_start3A_279 : memref<125xi32, #tpu.memory_space<vmem>>) semaphore(%arg17 : memref<!tpu.dma_semaphore, #tpu.memory_space<semaphore_mem>>)
      %add3A_283 = arith.constant 4 : i32
      %add3A_284 = arith.addi %add3A_155, %add3A_283 : i32
      %dma_wait3A_285 = arith.constant 0 : i32
      %dma_wait3A_286 = tpu.memref_slice %arg6[%add3A_284, %dma_wait3A_285] : memref<80x125xi32, #tpu.memory_space<vmem>> -> memref<1x125xi32, #tpu.memory_space<vmem>>
      %dma_wait3A_287 = tpu.memref_squeeze %dma_wait3A_286 : memref<1x125xi32, #tpu.memory_space<vmem>> -> memref<125xi32, #tpu.memory_space<vmem>>
      %dma_wait3A_288 = arith.constant 0 : i32
      %dma_wait3A_289 = arith.constant 0 : i32
      %dma_wait3A_290 = tpu.memref_slice %arg2[%dma_wait3A_288, %dma_wait3A_289] : memref<10000x64xf32, #tpu.memory_space<hbm>> -> memref<10000x64xf32, #tpu.memory_space<hbm>>
      tpu.wait_indirect_dma semaphore(%arg15 : memref<!tpu.dma_semaphore, #tpu.memory_space<semaphore_mem>>) src(%dma_wait3A_290 : memref<10000x64xf32, #tpu.memory_space<hbm>>) dst(%arg9 : memref<125x64xf32, #tpu.memory_space<vmem>>)
      %dma_start3A_291 = arith.constant 0 : i32
      %dma_start3A_292 = tpu.memref_slice %arg7[%add3A_284, %dma_start3A_291] : memref<80x125xi32, #tpu.memory_space<vmem>> -> memref<1x125xi32, #tpu.memory_space<vmem>>
      %dma_start3A_293 = tpu.memref_squeeze %dma_start3A_292 : memref<1x125xi32, #tpu.memory_space<vmem>> -> memref<125xi32, #tpu.memory_space<vmem>>
      %dma_start3A_294 = arith.constant 0 : i32
      %dma_start3A_295 = arith.constant 0 : i32
      %dma_start3A_296 = tpu.memref_slice %arg13[%dma_start3A_294, %dma_start3A_295] : memref<10000x64xf32, #tpu.memory_space<vmem_shared>> -> memref<10000x64xf32, #tpu.memory_space<vmem_shared>>
      tpu.enqueue_indirect_dma source(%arg9 : memref<125x64xf32, #tpu.memory_space<vmem>>) target(%dma_start3A_296 : memref<10000x64xf32, #tpu.memory_space<vmem_shared>>) offsets(%dma_start3A_293 : memref<125xi32, #tpu.memory_space<vmem>>) semaphore(%arg20 : memref<!tpu.dma_semaphore, #tpu.memory_space<semaphore_mem>>) {add = true}
      %add3A_297 = arith.constant 3 : i32
      %add3A_298 = arith.addi %add3A_284, %add3A_297 : i32
      %sub3A_299 = arith.constant 5 : i32
      %sub3A_300 = arith.subi %add3A_298, %sub3A_299 : i32
      %dma_wait3A_301 = arith.constant 0 : i32
      %dma_wait3A_302 = tpu.memref_slice %arg7[%sub3A_300, %dma_wait3A_301] : memref<80x125xi32, #tpu.memory_space<vmem>> -> memref<1x125xi32, #tpu.memory_space<vmem>>
      %dma_wait3A_303 = tpu.memref_squeeze %dma_wait3A_302 : memref<1x125xi32, #tpu.memory_space<vmem>> -> memref<125xi32, #tpu.memory_space<vmem>>
      %dma_wait3A_304 = arith.constant 0 : i32
      %dma_wait3A_305 = arith.constant 0 : i32
      %dma_wait3A_306 = tpu.memref_slice %arg13[%dma_wait3A_304, %dma_wait3A_305] : memref<10000x64xf32, #tpu.memory_space<vmem_shared>> -> memref<10000x64xf32, #tpu.memory_space<vmem_shared>>
      tpu.wait_indirect_dma semaphore(%arg23 : memref<!tpu.dma_semaphore, #tpu.memory_space<semaphore_mem>>) src(%arg12 : memref<125x64xf32, #tpu.memory_space<vmem>>) dst(%dma_wait3A_306 : memref<10000x64xf32, #tpu.memory_space<vmem_shared>>)
      %add3A_307 = arith.constant 3 : i32
      %add3A_308 = arith.addi %add3A_284, %add3A_307 : i32
      %dma_start3A_309 = arith.constant 0 : i32
      %dma_start3A_310 = tpu.memref_slice %arg6[%add3A_308, %dma_start3A_309] : memref<80x125xi32, #tpu.memory_space<vmem>> -> memref<1x125xi32, #tpu.memory_space<vmem>>
      %dma_start3A_311 = tpu.memref_squeeze %dma_start3A_310 : memref<1x125xi32, #tpu.memory_space<vmem>> -> memref<125xi32, #tpu.memory_space<vmem>>
      %dma_start3A_312 = arith.constant 0 : i32
      %dma_start3A_313 = arith.constant 0 : i32
      %dma_start3A_314 = tpu.memref_slice %arg2[%dma_start3A_312, %dma_start3A_313] : memref<10000x64xf32, #tpu.memory_space<hbm>> -> memref<10000x64xf32, #tpu.memory_space<hbm>>
      tpu.enqueue_indirect_dma source(%dma_start3A_314 : memref<10000x64xf32, #tpu.memory_space<hbm>>) target(%arg12 : memref<125x64xf32, #tpu.memory_space<vmem>>) offsets(%dma_start3A_311 : memref<125xi32, #tpu.memory_space<vmem>>) semaphore(%arg18 : memref<!tpu.dma_semaphore, #tpu.memory_space<semaphore_mem>>)
    }
    %scan3A_69 = arith.constant 15 : i32
    %dma_wait3A_70 = arith.constant 77 : i32
    %dma_wait3A_71 = arith.constant 0 : i32
    %dma_wait3A_72 = tpu.memref_slice %arg6[%dma_wait3A_70, %dma_wait3A_71] : memref<80x125xi32, #tpu.memory_space<vmem>> -> memref<1x125xi32, #tpu.memory_space<vmem>>
    %dma_wait3A_73 = tpu.memref_squeeze %dma_wait3A_72 : memref<1x125xi32, #tpu.memory_space<vmem>> -> memref<125xi32, #tpu.memory_space<vmem>>
    %dma_wait3A_74 = arith.constant 0 : i32
    %dma_wait3A_75 = arith.constant 0 : i32
    %dma_wait3A_76 = tpu.memref_slice %arg2[%dma_wait3A_74, %dma_wait3A_75] : memref<10000x64xf32, #tpu.memory_space<hbm>> -> memref<10000x64xf32, #tpu.memory_space<hbm>>
    tpu.wait_indirect_dma semaphore(%arg16 : memref<!tpu.dma_semaphore, #tpu.memory_space<semaphore_mem>>) src(%dma_wait3A_76 : memref<10000x64xf32, #tpu.memory_space<hbm>>) dst(%arg10 : memref<125x64xf32, #tpu.memory_space<vmem>>)
    %dma_start3A_77 = arith.constant 77 : i32
    %dma_start3A_78 = arith.constant 0 : i32
    %dma_start3A_79 = tpu.memref_slice %arg7[%dma_start3A_77, %dma_start3A_78] : memref<80x125xi32, #tpu.memory_space<vmem>> -> memref<1x125xi32, #tpu.memory_space<vmem>>
    %dma_start3A_80 = tpu.memref_squeeze %dma_start3A_79 : memref<1x125xi32, #tpu.memory_space<vmem>> -> memref<125xi32, #tpu.memory_space<vmem>>
    %dma_start3A_81 = arith.constant 0 : i32
    %dma_start3A_82 = arith.constant 0 : i32
    %dma_start3A_83 = tpu.memref_slice %arg13[%dma_start3A_81, %dma_start3A_82] : memref<10000x64xf32, #tpu.memory_space<vmem_shared>> -> memref<10000x64xf32, #tpu.memory_space<vmem_shared>>
    tpu.enqueue_indirect_dma source(%arg10 : memref<125x64xf32, #tpu.memory_space<vmem>>) target(%dma_start3A_83 : memref<10000x64xf32, #tpu.memory_space<vmem_shared>>) offsets(%dma_start3A_80 : memref<125xi32, #tpu.memory_space<vmem>>) semaphore(%arg21 : memref<!tpu.dma_semaphore, #tpu.memory_space<semaphore_mem>>) {add = true}
    %dma_wait3A_84 = arith.constant 78 : i32
    %dma_wait3A_85 = arith.constant 0 : i32
    %dma_wait3A_86 = tpu.memref_slice %arg6[%dma_wait3A_84, %dma_wait3A_85] : memref<80x125xi32, #tpu.memory_space<vmem>> -> memref<1x125xi32, #tpu.memory_space<vmem>>
    %dma_wait3A_87 = tpu.memref_squeeze %dma_wait3A_86 : memref<1x125xi32, #tpu.memory_space<vmem>> -> memref<125xi32, #tpu.memory_space<vmem>>
    %dma_wait3A_88 = arith.constant 0 : i32
    %dma_wait3A_89 = arith.constant 0 : i32
    %dma_wait3A_90 = tpu.memref_slice %arg2[%dma_wait3A_88, %dma_wait3A_89] : memref<10000x64xf32, #tpu.memory_space<hbm>> -> memref<10000x64xf32, #tpu.memory_space<hbm>>
    tpu.wait_indirect_dma semaphore(%arg17 : memref<!tpu.dma_semaphore, #tpu.memory_space<semaphore_mem>>) src(%dma_wait3A_90 : memref<10000x64xf32, #tpu.memory_space<hbm>>) dst(%arg11 : memref<125x64xf32, #tpu.memory_space<vmem>>)
    %dma_start3A_91 = arith.constant 78 : i32
    %dma_start3A_92 = arith.constant 0 : i32
    %dma_start3A_93 = tpu.memref_slice %arg7[%dma_start3A_91, %dma_start3A_92] : memref<80x125xi32, #tpu.memory_space<vmem>> -> memref<1x125xi32, #tpu.memory_space<vmem>>
    %dma_start3A_94 = tpu.memref_squeeze %dma_start3A_93 : memref<1x125xi32, #tpu.memory_space<vmem>> -> memref<125xi32, #tpu.memory_space<vmem>>
    %dma_start3A_95 = arith.constant 0 : i32
    %dma_start3A_96 = arith.constant 0 : i32
    %dma_start3A_97 = tpu.memref_slice %arg13[%dma_start3A_95, %dma_start3A_96] : memref<10000x64xf32, #tpu.memory_space<vmem_shared>> -> memref<10000x64xf32, #tpu.memory_space<vmem_shared>>
    tpu.enqueue_indirect_dma source(%arg11 : memref<125x64xf32, #tpu.memory_space<vmem>>) target(%dma_start3A_97 : memref<10000x64xf32, #tpu.memory_space<vmem_shared>>) offsets(%dma_start3A_94 : memref<125xi32, #tpu.memory_space<vmem>>) semaphore(%arg22 : memref<!tpu.dma_semaphore, #tpu.memory_space<semaphore_mem>>) {add = true}
    %dma_wait3A_98 = arith.constant 79 : i32
    %dma_wait3A_99 = arith.constant 0 : i32
    %dma_wait3A_100 = tpu.memref_slice %arg6[%dma_wait3A_98, %dma_wait3A_99] : memref<80x125xi32, #tpu.memory_space<vmem>> -> memref<1x125xi32, #tpu.memory_space<vmem>>
    %dma_wait3A_101 = tpu.memref_squeeze %dma_wait3A_100 : memref<1x125xi32, #tpu.memory_space<vmem>> -> memref<125xi32, #tpu.memory_space<vmem>>
    %dma_wait3A_102 = arith.constant 0 : i32
    %dma_wait3A_103 = arith.constant 0 : i32
    %dma_wait3A_104 = tpu.memref_slice %arg2[%dma_wait3A_102, %dma_wait3A_103] : memref<10000x64xf32, #tpu.memory_space<hbm>> -> memref<10000x64xf32, #tpu.memory_space<hbm>>
    tpu.wait_indirect_dma semaphore(%arg18 : memref<!tpu.dma_semaphore, #tpu.memory_space<semaphore_mem>>) src(%dma_wait3A_104 : memref<10000x64xf32, #tpu.memory_space<hbm>>) dst(%arg12 : memref<125x64xf32, #tpu.memory_space<vmem>>)
    %dma_start3A_105 = arith.constant 79 : i32
    %dma_start3A_106 = arith.constant 0 : i32
    %dma_start3A_107 = tpu.memref_slice %arg7[%dma_start3A_105, %dma_start3A_106] : memref<80x125xi32, #tpu.memory_space<vmem>> -> memref<1x125xi32, #tpu.memory_space<vmem>>
    %dma_start3A_108 = tpu.memref_squeeze %dma_start3A_107 : memref<1x125xi32, #tpu.memory_space<vmem>> -> memref<125xi32, #tpu.memory_space<vmem>>
    %dma_start3A_109 = arith.constant 0 : i32
    %dma_start3A_110 = arith.constant 0 : i32
    %dma_start3A_111 = tpu.memref_slice %arg13[%dma_start3A_109, %dma_start3A_110] : memref<10000x64xf32, #tpu.memory_space<vmem_shared>> -> memref<10000x64xf32, #tpu.memory_space<vmem_shared>>
    tpu.enqueue_indirect_dma source(%arg12 : memref<125x64xf32, #tpu.memory_space<vmem>>) target(%dma_start3A_111 : memref<10000x64xf32, #tpu.memory_space<vmem_shared>>) offsets(%dma_start3A_108 : memref<125xi32, #tpu.memory_space<vmem>>) semaphore(%arg23 : memref<!tpu.dma_semaphore, #tpu.memory_space<semaphore_mem>>) {add = true}
    %dma_wait3A_112 = arith.constant 75 : i32
    %dma_wait3A_113 = arith.constant 0 : i32
    %dma_wait3A_114 = tpu.memref_slice %arg7[%dma_wait3A_112, %dma_wait3A_113] : memref<80x125xi32, #tpu.memory_space<vmem>> -> memref<1x125xi32, #tpu.memory_space<vmem>>
    %dma_wait3A_115 = tpu.memref_squeeze %dma_wait3A_114 : memref<1x125xi32, #tpu.memory_space<vmem>> -> memref<125xi32, #tpu.memory_space<vmem>>
    %dma_wait3A_116 = arith.constant 0 : i32
    %dma_wait3A_117 = arith.constant 0 : i32
    %dma_wait3A_118 = tpu.memref_slice %arg13[%dma_wait3A_116, %dma_wait3A_117] : memref<10000x64xf32, #tpu.memory_space<vmem_shared>> -> memref<10000x64xf32, #tpu.memory_space<vmem_shared>>
    tpu.wait_indirect_dma semaphore(%arg19 : memref<!tpu.dma_semaphore, #tpu.memory_space<semaphore_mem>>) src(%arg8 : memref<125x64xf32, #tpu.memory_space<vmem>>) dst(%dma_wait3A_118 : memref<10000x64xf32, #tpu.memory_space<vmem_shared>>)
    %dma_wait3A_119 = arith.constant 76 : i32
    %dma_wait3A_120 = arith.constant 0 : i32
    %dma_wait3A_121 = tpu.memref_slice %arg7[%dma_wait3A_119, %dma_wait3A_120] : memref<80x125xi32, #tpu.memory_space<vmem>> -> memref<1x125xi32, #tpu.memory_space<vmem>>
    %dma_wait3A_122 = tpu.memref_squeeze %dma_wait3A_121 : memref<1x125xi32, #tpu.memory_space<vmem>> -> memref<125xi32, #tpu.memory_space<vmem>>
    %dma_wait3A_123 = arith.constant 0 : i32
    %dma_wait3A_124 = arith.constant 0 : i32
    %dma_wait3A_125 = tpu.memref_slice %arg13[%dma_wait3A_123, %dma_wait3A_124] : memref<10000x64xf32, #tpu.memory_space<vmem_shared>> -> memref<10000x64xf32, #tpu.memory_space<vmem_shared>>
    tpu.wait_indirect_dma semaphore(%arg20 : memref<!tpu.dma_semaphore, #tpu.memory_space<semaphore_mem>>) src(%arg9 : memref<125x64xf32, #tpu.memory_space<vmem>>) dst(%dma_wait3A_125 : memref<10000x64xf32, #tpu.memory_space<vmem_shared>>)
    %dma_wait3A_126 = arith.constant 77 : i32
    %dma_wait3A_127 = arith.constant 0 : i32
    %dma_wait3A_128 = tpu.memref_slice %arg7[%dma_wait3A_126, %dma_wait3A_127] : memref<80x125xi32, #tpu.memory_space<vmem>> -> memref<1x125xi32, #tpu.memory_space<vmem>>
    %dma_wait3A_129 = tpu.memref_squeeze %dma_wait3A_128 : memref<1x125xi32, #tpu.memory_space<vmem>> -> memref<125xi32, #tpu.memory_space<vmem>>
    %dma_wait3A_130 = arith.constant 0 : i32
    %dma_wait3A_131 = arith.constant 0 : i32
    %dma_wait3A_132 = tpu.memref_slice %arg13[%dma_wait3A_130, %dma_wait3A_131] : memref<10000x64xf32, #tpu.memory_space<vmem_shared>> -> memref<10000x64xf32, #tpu.memory_space<vmem_shared>>
    tpu.wait_indirect_dma semaphore(%arg21 : memref<!tpu.dma_semaphore, #tpu.memory_space<semaphore_mem>>) src(%arg10 : memref<125x64xf32, #tpu.memory_space<vmem>>) dst(%dma_wait3A_132 : memref<10000x64xf32, #tpu.memory_space<vmem_shared>>)
    %dma_wait3A_133 = arith.constant 78 : i32
    %dma_wait3A_134 = arith.constant 0 : i32
    %dma_wait3A_135 = tpu.memref_slice %arg7[%dma_wait3A_133, %dma_wait3A_134] : memref<80x125xi32, #tpu.memory_space<vmem>> -> memref<1x125xi32, #tpu.memory_space<vmem>>
    %dma_wait3A_136 = tpu.memref_squeeze %dma_wait3A_135 : memref<1x125xi32, #tpu.memory_space<vmem>> -> memref<125xi32, #tpu.memory_space<vmem>>
    %dma_wait3A_137 = arith.constant 0 : i32
    %dma_wait3A_138 = arith.constant 0 : i32
    %dma_wait3A_139 = tpu.memref_slice %arg13[%dma_wait3A_137, %dma_wait3A_138] : memref<10000x64xf32, #tpu.memory_space<vmem_shared>> -> memref<10000x64xf32, #tpu.memory_space<vmem_shared>>
    tpu.wait_indirect_dma semaphore(%arg22 : memref<!tpu.dma_semaphore, #tpu.memory_space<semaphore_mem>>) src(%arg11 : memref<125x64xf32, #tpu.memory_space<vmem>>) dst(%dma_wait3A_139 : memref<10000x64xf32, #tpu.memory_space<vmem_shared>>)
    %dma_wait3A_140 = arith.constant 79 : i32
    %dma_wait3A_141 = arith.constant 0 : i32
    %dma_wait3A_142 = tpu.memref_slice %arg7[%dma_wait3A_140, %dma_wait3A_141] : memref<80x125xi32, #tpu.memory_space<vmem>> -> memref<1x125xi32, #tpu.memory_space<vmem>>
    %dma_wait3A_143 = tpu.memref_squeeze %dma_wait3A_142 : memref<1x125xi32, #tpu.memory_space<vmem>> -> memref<125xi32, #tpu.memory_space<vmem>>
    %dma_wait3A_144 = arith.constant 0 : i32
    %dma_wait3A_145 = arith.constant 0 : i32
    %dma_wait3A_146 = tpu.memref_slice %arg13[%dma_wait3A_144, %dma_wait3A_145] : memref<10000x64xf32, #tpu.memory_space<vmem_shared>> -> memref<10000x64xf32, #tpu.memory_space<vmem_shared>>
    tpu.wait_indirect_dma semaphore(%arg23 : memref<!tpu.dma_semaphore, #tpu.memory_space<semaphore_mem>>) src(%arg12 : memref<125x64xf32, #tpu.memory_space<vmem>>) dst(%dma_wait3A_146 : memref<10000x64xf32, #tpu.memory_space<vmem_shared>>)
    %barrier3A_147 = arith.constant 0 : index
    tpu.barrier barrier_id(%barrier3A_147)
    %mul3A_148 = arith.constant 10000 : i32
    %mul3A_149 = arith.muli %arg0, %mul3A_148 : i32
    %add3A_150 = arith.addi %mul3A_149, %mul3A_2 : i32
    "tpu.region"() ({
      %run_scoped3A = tpu.sem_alloc : memref<!tpu.dma_semaphore, #tpu.memory_space<semaphore_mem>>
      %dma_start3A_151 = arith.constant 0 : i32
      %dma_start3A_152 = tpu.memref_slice %arg5[%add3A_150, %dma_start3A_151] : memref<20000x64xf32, #tpu.memory_space<hbm>> -> memref<625x64xf32, #tpu.memory_space<hbm>>
      %dma_start3A_153 = arith.constant 0 : i32
      %dma_start3A_154 = tpu.memref_slice %arg13[%mul3A_2, %dma_start3A_153] : memref<10000x64xf32, #tpu.memory_space<vmem_shared>> -> memref<625x64xf32, #tpu.memory_space<vmem_shared>>
      tpu.enqueue_dma source(%dma_start3A_154 : memref<625x64xf32, #tpu.memory_space<vmem_shared>>) target(%dma_start3A_152 : memref<625x64xf32, #tpu.memory_space<hbm>>) target_semaphore(%run_scoped3A : memref<!tpu.dma_semaphore, #tpu.memory_space<semaphore_mem>>)
      %dma_wait3A_155 = arith.constant 0 : i32
      %dma_wait3A_156 = tpu.memref_slice %arg5[%add3A_150, %dma_wait3A_155] : memref<20000x64xf32, #tpu.memory_space<hbm>> -> memref<625x64xf32, #tpu.memory_space<hbm>>
      %dma_wait3A_157 = arith.constant 0 : i32
      %dma_wait3A_158 = tpu.memref_slice %arg13[%mul3A_2, %dma_wait3A_157] : memref<10000x64xf32, #tpu.memory_space<vmem_shared>> -> memref<625x64xf32, #tpu.memory_space<vmem_shared>>
      tpu.wait_dma2 semaphore(%run_scoped3A : memref<!tpu.dma_semaphore, #tpu.memory_space<semaphore_mem>>) src(%dma_wait3A_158 : memref<625x64xf32, #tpu.memory_space<vmem_shared>>) dst(%dma_wait3A_156 : memref<625x64xf32, #tpu.memory_space<hbm>>)
      tpu.yield
    }) : () -> ()
    return
  }
}

#map = affine_map<(d0, d1) -> (0, 0)>
module attributes {stable_mosaic.version = 14 : i64} {
  func.func @agg(%arg0: i32, %arg1: i32, %arg2: memref<10000x128xf32, #tpu.memory_space<hbm>>, %arg3: memref<4000x80xi32, #tpu.memory_space<hbm>>, %arg4: memref<4000x80xi32, #tpu.memory_space<hbm>>, %arg5: memref<20000x128xf32, #tpu.memory_space<hbm>>, %arg6: memref<125x80xi32, #tpu.memory_space<vmem>>, %arg7: memref<125x80xi32, #tpu.memory_space<vmem>>, %arg8: memref<80x128xf32, #tpu.memory_space<vmem>>, %arg9: memref<80x128xf32, #tpu.memory_space<vmem>>, %arg10: memref<80x128xf32, #tpu.memory_space<vmem>>, %arg11: memref<10000x128xf32, #tpu.memory_space<vmem_shared>>, %arg12: memref<!tpu.dma_semaphore, #tpu.memory_space<semaphore_mem>>, %arg13: memref<!tpu.dma_semaphore, #tpu.memory_space<semaphore_mem>>, %arg14: memref<!tpu.dma_semaphore, #tpu.memory_space<semaphore_mem>>, %arg15: memref<!tpu.dma_semaphore, #tpu.memory_space<semaphore_mem>>, %arg16: memref<!tpu.dma_semaphore, #tpu.memory_space<semaphore_mem>>, %arg17: memref<!tpu.dma_semaphore, #tpu.memory_space<semaphore_mem>>) attributes {dimension_semantics = [#tpu.dimension_semantics<core_parallel>, #tpu.dimension_semantics<subcore_parallel>], iteration_bounds = array<i64: 2, 16>, scalar_prefetch = 0 : i64, scratch_operands = 12 : i64, tpu.core_type = #tpu.core_type<sc_vector_subcore>, window_params = [{transform_indices = #map}, {transform_indices = #map}, {transform_indices = #map}, {transform_indices = #map}]} {
    %mul3A = arith.constant 16 : i32
    %mul3A_0 = arith.muli %arg0, %mul3A : i32
    %add3A = arith.addi %mul3A_0, %arg1 : i32
    %mul3A_1 = arith.constant 625 : i32
    %mul3A_2 = arith.muli %arg1, %mul3A_1 : i32
    %mul3A_3 = arith.constant 125 : i32
    %mul3A_4 = arith.muli %add3A, %mul3A_3 : i32
    "tpu.region"() ({
      %run_scoped3A = tpu.sem_alloc : memref<!tpu.dma_semaphore, #tpu.memory_space<semaphore_mem>>
      %dma_start3A_151 = arith.constant 0 : i32
      %dma_start3A_152 = tpu.memref_slice %arg3[%mul3A_4, %dma_start3A_151] : memref<4000x80xi32, #tpu.memory_space<hbm>> -> memref<125x80xi32, #tpu.memory_space<hbm>>
      %dma_start3A_153 = arith.constant 0 : i32
      %dma_start3A_154 = tpu.memref_slice %arg3[%mul3A_4, %dma_start3A_153] : memref<4000x80xi32, #tpu.memory_space<hbm>> -> memref<125x80xi32, #tpu.memory_space<hbm>>
      tpu.enqueue_dma source(%dma_start3A_154 : memref<125x80xi32, #tpu.memory_space<hbm>>) target(%arg6 : memref<125x80xi32, #tpu.memory_space<vmem>>) target_semaphore(%run_scoped3A : memref<!tpu.dma_semaphore, #tpu.memory_space<semaphore_mem>>)
      %dma_wait3A_155 = arith.constant 0 : i32
      %dma_wait3A_156 = tpu.memref_slice %arg3[%mul3A_4, %dma_wait3A_155] : memref<4000x80xi32, #tpu.memory_space<hbm>> -> memref<125x80xi32, #tpu.memory_space<hbm>>
      %dma_wait3A_157 = arith.constant 0 : i32
      %dma_wait3A_158 = tpu.memref_slice %arg3[%mul3A_4, %dma_wait3A_157] : memref<4000x80xi32, #tpu.memory_space<hbm>> -> memref<125x80xi32, #tpu.memory_space<hbm>>
      tpu.wait_dma2 semaphore(%run_scoped3A : memref<!tpu.dma_semaphore, #tpu.memory_space<semaphore_mem>>) src(%dma_wait3A_158 : memref<125x80xi32, #tpu.memory_space<hbm>>) dst(%arg6 : memref<125x80xi32, #tpu.memory_space<vmem>>)
      tpu.yield
    }) : () -> ()
    "tpu.region"() ({
      %run_scoped3A = tpu.sem_alloc : memref<!tpu.dma_semaphore, #tpu.memory_space<semaphore_mem>>
      %dma_start3A_151 = arith.constant 0 : i32
      %dma_start3A_152 = tpu.memref_slice %arg4[%mul3A_4, %dma_start3A_151] : memref<4000x80xi32, #tpu.memory_space<hbm>> -> memref<125x80xi32, #tpu.memory_space<hbm>>
      %dma_start3A_153 = arith.constant 0 : i32
      %dma_start3A_154 = tpu.memref_slice %arg4[%mul3A_4, %dma_start3A_153] : memref<4000x80xi32, #tpu.memory_space<hbm>> -> memref<125x80xi32, #tpu.memory_space<hbm>>
      tpu.enqueue_dma source(%dma_start3A_154 : memref<125x80xi32, #tpu.memory_space<hbm>>) target(%arg7 : memref<125x80xi32, #tpu.memory_space<vmem>>) target_semaphore(%run_scoped3A : memref<!tpu.dma_semaphore, #tpu.memory_space<semaphore_mem>>)
      %dma_wait3A_155 = arith.constant 0 : i32
      %dma_wait3A_156 = tpu.memref_slice %arg4[%mul3A_4, %dma_wait3A_155] : memref<4000x80xi32, #tpu.memory_space<hbm>> -> memref<125x80xi32, #tpu.memory_space<hbm>>
      %dma_wait3A_157 = arith.constant 0 : i32
      %dma_wait3A_158 = tpu.memref_slice %arg4[%mul3A_4, %dma_wait3A_157] : memref<4000x80xi32, #tpu.memory_space<hbm>> -> memref<125x80xi32, #tpu.memory_space<hbm>>
      tpu.wait_dma2 semaphore(%run_scoped3A : memref<!tpu.dma_semaphore, #tpu.memory_space<semaphore_mem>>) src(%dma_wait3A_158 : memref<125x80xi32, #tpu.memory_space<hbm>>) dst(%arg7 : memref<125x80xi32, #tpu.memory_space<vmem>>)
      tpu.yield
    }) : () -> ()
    "tpu.region"() ({
      %run_scoped3A = tpu.sem_alloc : memref<!tpu.dma_semaphore, #tpu.memory_space<semaphore_mem>>
      %dma_start3A_151 = arith.constant 0 : i32
      %dma_start3A_152 = tpu.memref_slice %arg11[%mul3A_2, %dma_start3A_151] : memref<10000x128xf32, #tpu.memory_space<vmem_shared>> -> memref<625x128xf32, #tpu.memory_space<vmem_shared>>
      %dma_start3A_153 = arith.constant 0 : i32
      %dma_start3A_154 = tpu.memref_slice %arg2[%mul3A_2, %dma_start3A_153] : memref<10000x128xf32, #tpu.memory_space<hbm>> -> memref<625x128xf32, #tpu.memory_space<hbm>>
      tpu.enqueue_dma source(%dma_start3A_154 : memref<625x128xf32, #tpu.memory_space<hbm>>) target(%dma_start3A_152 : memref<625x128xf32, #tpu.memory_space<vmem_shared>>) target_semaphore(%run_scoped3A : memref<!tpu.dma_semaphore, #tpu.memory_space<semaphore_mem>>)
      %dma_wait3A_155 = arith.constant 0 : i32
      %dma_wait3A_156 = tpu.memref_slice %arg11[%mul3A_2, %dma_wait3A_155] : memref<10000x128xf32, #tpu.memory_space<vmem_shared>> -> memref<625x128xf32, #tpu.memory_space<vmem_shared>>
      %dma_wait3A_157 = arith.constant 0 : i32
      %dma_wait3A_158 = tpu.memref_slice %arg2[%mul3A_2, %dma_wait3A_157] : memref<10000x128xf32, #tpu.memory_space<hbm>> -> memref<625x128xf32, #tpu.memory_space<hbm>>
      tpu.wait_dma2 semaphore(%run_scoped3A : memref<!tpu.dma_semaphore, #tpu.memory_space<semaphore_mem>>) src(%dma_wait3A_158 : memref<625x128xf32, #tpu.memory_space<hbm>>) dst(%dma_wait3A_156 : memref<625x128xf32, #tpu.memory_space<vmem_shared>>)
      tpu.yield
    }) : () -> ()
    %barrier3A = arith.constant 0 : index
    tpu.barrier barrier_id(%barrier3A)
    %dma_start3A = arith.constant 0 : i32
    %dma_start3A_5 = arith.constant 0 : i32
    %dma_start3A_6 = tpu.memref_slice %arg6[%dma_start3A, %dma_start3A_5] : memref<125x80xi32, #tpu.memory_space<vmem>> -> memref<1x80xi32, #tpu.memory_space<vmem>>
    %dma_start3A_7 = tpu.memref_squeeze %dma_start3A_6 : memref<1x80xi32, #tpu.memory_space<vmem>> -> memref<80xi32, #tpu.memory_space<vmem>>
    %dma_start3A_8 = arith.constant 0 : i32
    %dma_start3A_9 = arith.constant 0 : i32
    %dma_start3A_10 = tpu.memref_slice %arg2[%dma_start3A_8, %dma_start3A_9] : memref<10000x128xf32, #tpu.memory_space<hbm>> -> memref<10000x128xf32, #tpu.memory_space<hbm>>
    tpu.enqueue_indirect_dma source(%dma_start3A_10 : memref<10000x128xf32, #tpu.memory_space<hbm>>) target(%arg8 : memref<80x128xf32, #tpu.memory_space<vmem>>) offsets(%dma_start3A_7 : memref<80xi32, #tpu.memory_space<vmem>>) semaphore(%arg12 : memref<!tpu.dma_semaphore, #tpu.memory_space<semaphore_mem>>)
    %dma_start3A_11 = arith.constant 1 : i32
    %dma_start3A_12 = arith.constant 0 : i32
    %dma_start3A_13 = tpu.memref_slice %arg6[%dma_start3A_11, %dma_start3A_12] : memref<125x80xi32, #tpu.memory_space<vmem>> -> memref<1x80xi32, #tpu.memory_space<vmem>>
    %dma_start3A_14 = tpu.memref_squeeze %dma_start3A_13 : memref<1x80xi32, #tpu.memory_space<vmem>> -> memref<80xi32, #tpu.memory_space<vmem>>
    %dma_start3A_15 = arith.constant 0 : i32
    %dma_start3A_16 = arith.constant 0 : i32
    %dma_start3A_17 = tpu.memref_slice %arg2[%dma_start3A_15, %dma_start3A_16] : memref<10000x128xf32, #tpu.memory_space<hbm>> -> memref<10000x128xf32, #tpu.memory_space<hbm>>
    tpu.enqueue_indirect_dma source(%dma_start3A_17 : memref<10000x128xf32, #tpu.memory_space<hbm>>) target(%arg9 : memref<80x128xf32, #tpu.memory_space<vmem>>) offsets(%dma_start3A_14 : memref<80xi32, #tpu.memory_space<vmem>>) semaphore(%arg13 : memref<!tpu.dma_semaphore, #tpu.memory_space<semaphore_mem>>)
    %dma_wait3A = arith.constant 0 : i32
    %dma_wait3A_18 = arith.constant 0 : i32
    %dma_wait3A_19 = tpu.memref_slice %arg6[%dma_wait3A, %dma_wait3A_18] : memref<125x80xi32, #tpu.memory_space<vmem>> -> memref<1x80xi32, #tpu.memory_space<vmem>>
    %dma_wait3A_20 = tpu.memref_squeeze %dma_wait3A_19 : memref<1x80xi32, #tpu.memory_space<vmem>> -> memref<80xi32, #tpu.memory_space<vmem>>
    %dma_wait3A_21 = arith.constant 0 : i32
    %dma_wait3A_22 = arith.constant 0 : i32
    %dma_wait3A_23 = tpu.memref_slice %arg2[%dma_wait3A_21, %dma_wait3A_22] : memref<10000x128xf32, #tpu.memory_space<hbm>> -> memref<10000x128xf32, #tpu.memory_space<hbm>>
    tpu.wait_indirect_dma semaphore(%arg12 : memref<!tpu.dma_semaphore, #tpu.memory_space<semaphore_mem>>) src(%dma_wait3A_23 : memref<10000x128xf32, #tpu.memory_space<hbm>>) dst(%arg8 : memref<80x128xf32, #tpu.memory_space<vmem>>)
    %dma_start3A_24 = arith.constant 0 : i32
    %dma_start3A_25 = arith.constant 0 : i32
    %dma_start3A_26 = tpu.memref_slice %arg7[%dma_start3A_24, %dma_start3A_25] : memref<125x80xi32, #tpu.memory_space<vmem>> -> memref<1x80xi32, #tpu.memory_space<vmem>>
    %dma_start3A_27 = tpu.memref_squeeze %dma_start3A_26 : memref<1x80xi32, #tpu.memory_space<vmem>> -> memref<80xi32, #tpu.memory_space<vmem>>
    %dma_start3A_28 = arith.constant 0 : i32
    %dma_start3A_29 = arith.constant 0 : i32
    %dma_start3A_30 = tpu.memref_slice %arg11[%dma_start3A_28, %dma_start3A_29] : memref<10000x128xf32, #tpu.memory_space<vmem_shared>> -> memref<10000x128xf32, #tpu.memory_space<vmem_shared>>
    tpu.enqueue_indirect_dma source(%arg8 : memref<80x128xf32, #tpu.memory_space<vmem>>) target(%dma_start3A_30 : memref<10000x128xf32, #tpu.memory_space<vmem_shared>>) offsets(%dma_start3A_27 : memref<80xi32, #tpu.memory_space<vmem>>) semaphore(%arg15 : memref<!tpu.dma_semaphore, #tpu.memory_space<semaphore_mem>>) {add = true}
    %dma_start3A_31 = arith.constant 2 : i32
    %dma_start3A_32 = arith.constant 0 : i32
    %dma_start3A_33 = tpu.memref_slice %arg6[%dma_start3A_31, %dma_start3A_32] : memref<125x80xi32, #tpu.memory_space<vmem>> -> memref<1x80xi32, #tpu.memory_space<vmem>>
    %dma_start3A_34 = tpu.memref_squeeze %dma_start3A_33 : memref<1x80xi32, #tpu.memory_space<vmem>> -> memref<80xi32, #tpu.memory_space<vmem>>
    %dma_start3A_35 = arith.constant 0 : i32
    %dma_start3A_36 = arith.constant 0 : i32
    %dma_start3A_37 = tpu.memref_slice %arg2[%dma_start3A_35, %dma_start3A_36] : memref<10000x128xf32, #tpu.memory_space<hbm>> -> memref<10000x128xf32, #tpu.memory_space<hbm>>
    tpu.enqueue_indirect_dma source(%dma_start3A_37 : memref<10000x128xf32, #tpu.memory_space<hbm>>) target(%arg10 : memref<80x128xf32, #tpu.memory_space<vmem>>) offsets(%dma_start3A_34 : memref<80xi32, #tpu.memory_space<vmem>>) semaphore(%arg14 : memref<!tpu.dma_semaphore, #tpu.memory_space<semaphore_mem>>)
    %scan3A = arith.constant 0 : i32
    %scan3A_38 = arith.constant 40 : i32
    %scan3A_39 = arith.addi %scan3A, %scan3A_38 : i32
    %scan3A_40 = arith.constant 1 : i32
    scf.for %scan3A_151 = %scan3A to %scan3A_39 step %scan3A_40  : i32 {
      %mul3A_152 = arith.constant 3 : i32
      %mul3A_153 = arith.muli %scan3A_151, %mul3A_152 : i32
      %add3A_154 = arith.constant 1 : i32
      %add3A_155 = arith.addi %add3A_154, %mul3A_153 : i32
      %add3A_156 = arith.constant 0 : i32
      %add3A_157 = arith.addi %add3A_155, %add3A_156 : i32
      %dma_wait3A_158 = arith.constant 0 : i32
      %dma_wait3A_159 = tpu.memref_slice %arg6[%add3A_157, %dma_wait3A_158] : memref<125x80xi32, #tpu.memory_space<vmem>> -> memref<1x80xi32, #tpu.memory_space<vmem>>
      %dma_wait3A_160 = tpu.memref_squeeze %dma_wait3A_159 : memref<1x80xi32, #tpu.memory_space<vmem>> -> memref<80xi32, #tpu.memory_space<vmem>>
      %dma_wait3A_161 = arith.constant 0 : i32
      %dma_wait3A_162 = arith.constant 0 : i32
      %dma_wait3A_163 = tpu.memref_slice %arg2[%dma_wait3A_161, %dma_wait3A_162] : memref<10000x128xf32, #tpu.memory_space<hbm>> -> memref<10000x128xf32, #tpu.memory_space<hbm>>
      tpu.wait_indirect_dma semaphore(%arg13 : memref<!tpu.dma_semaphore, #tpu.memory_space<semaphore_mem>>) src(%dma_wait3A_163 : memref<10000x128xf32, #tpu.memory_space<hbm>>) dst(%arg9 : memref<80x128xf32, #tpu.memory_space<vmem>>)
      %dma_start3A_164 = arith.constant 0 : i32
      %dma_start3A_165 = tpu.memref_slice %arg7[%add3A_157, %dma_start3A_164] : memref<125x80xi32, #tpu.memory_space<vmem>> -> memref<1x80xi32, #tpu.memory_space<vmem>>
      %dma_start3A_166 = tpu.memref_squeeze %dma_start3A_165 : memref<1x80xi32, #tpu.memory_space<vmem>> -> memref<80xi32, #tpu.memory_space<vmem>>
      %dma_start3A_167 = arith.constant 0 : i32
      %dma_start3A_168 = arith.constant 0 : i32
      %dma_start3A_169 = tpu.memref_slice %arg11[%dma_start3A_167, %dma_start3A_168] : memref<10000x128xf32, #tpu.memory_space<vmem_shared>> -> memref<10000x128xf32, #tpu.memory_space<vmem_shared>>
      tpu.enqueue_indirect_dma source(%arg9 : memref<80x128xf32, #tpu.memory_space<vmem>>) target(%dma_start3A_169 : memref<10000x128xf32, #tpu.memory_space<vmem_shared>>) offsets(%dma_start3A_166 : memref<80xi32, #tpu.memory_space<vmem>>) semaphore(%arg16 : memref<!tpu.dma_semaphore, #tpu.memory_space<semaphore_mem>>) {add = true}
      %add3A_170 = arith.constant 2 : i32
      %add3A_171 = arith.addi %add3A_157, %add3A_170 : i32
      %sub3A = arith.constant 3 : i32
      %sub3A_172 = arith.subi %add3A_171, %sub3A : i32
      %dma_wait3A_173 = arith.constant 0 : i32
      %dma_wait3A_174 = tpu.memref_slice %arg7[%sub3A_172, %dma_wait3A_173] : memref<125x80xi32, #tpu.memory_space<vmem>> -> memref<1x80xi32, #tpu.memory_space<vmem>>
      %dma_wait3A_175 = tpu.memref_squeeze %dma_wait3A_174 : memref<1x80xi32, #tpu.memory_space<vmem>> -> memref<80xi32, #tpu.memory_space<vmem>>
      %dma_wait3A_176 = arith.constant 0 : i32
      %dma_wait3A_177 = arith.constant 0 : i32
      %dma_wait3A_178 = tpu.memref_slice %arg11[%dma_wait3A_176, %dma_wait3A_177] : memref<10000x128xf32, #tpu.memory_space<vmem_shared>> -> memref<10000x128xf32, #tpu.memory_space<vmem_shared>>
      tpu.wait_indirect_dma semaphore(%arg15 : memref<!tpu.dma_semaphore, #tpu.memory_space<semaphore_mem>>) src(%arg8 : memref<80x128xf32, #tpu.memory_space<vmem>>) dst(%dma_wait3A_178 : memref<10000x128xf32, #tpu.memory_space<vmem_shared>>)
      %add3A_179 = arith.constant 2 : i32
      %add3A_180 = arith.addi %add3A_157, %add3A_179 : i32
      %dma_start3A_181 = arith.constant 0 : i32
      %dma_start3A_182 = tpu.memref_slice %arg6[%add3A_180, %dma_start3A_181] : memref<125x80xi32, #tpu.memory_space<vmem>> -> memref<1x80xi32, #tpu.memory_space<vmem>>
      %dma_start3A_183 = tpu.memref_squeeze %dma_start3A_182 : memref<1x80xi32, #tpu.memory_space<vmem>> -> memref<80xi32, #tpu.memory_space<vmem>>
      %dma_start3A_184 = arith.constant 0 : i32
      %dma_start3A_185 = arith.constant 0 : i32
      %dma_start3A_186 = tpu.memref_slice %arg2[%dma_start3A_184, %dma_start3A_185] : memref<10000x128xf32, #tpu.memory_space<hbm>> -> memref<10000x128xf32, #tpu.memory_space<hbm>>
      tpu.enqueue_indirect_dma source(%dma_start3A_186 : memref<10000x128xf32, #tpu.memory_space<hbm>>) target(%arg8 : memref<80x128xf32, #tpu.memory_space<vmem>>) offsets(%dma_start3A_183 : memref<80xi32, #tpu.memory_space<vmem>>) semaphore(%arg12 : memref<!tpu.dma_semaphore, #tpu.memory_space<semaphore_mem>>)
      %add3A_187 = arith.constant 1 : i32
      %add3A_188 = arith.addi %add3A_155, %add3A_187 : i32
      %dma_wait3A_189 = arith.constant 0 : i32
      %dma_wait3A_190 = tpu.memref_slice %arg6[%add3A_188, %dma_wait3A_189] : memref<125x80xi32, #tpu.memory_space<vmem>> -> memref<1x80xi32, #tpu.memory_space<vmem>>
      %dma_wait3A_191 = tpu.memref_squeeze %dma_wait3A_190 : memref<1x80xi32, #tpu.memory_space<vmem>> -> memref<80xi32, #tpu.memory_space<vmem>>
      %dma_wait3A_192 = arith.constant 0 : i32
      %dma_wait3A_193 = arith.constant 0 : i32
      %dma_wait3A_194 = tpu.memref_slice %arg2[%dma_wait3A_192, %dma_wait3A_193] : memref<10000x128xf32, #tpu.memory_space<hbm>> -> memref<10000x128xf32, #tpu.memory_space<hbm>>
      tpu.wait_indirect_dma semaphore(%arg14 : memref<!tpu.dma_semaphore, #tpu.memory_space<semaphore_mem>>) src(%dma_wait3A_194 : memref<10000x128xf32, #tpu.memory_space<hbm>>) dst(%arg10 : memref<80x128xf32, #tpu.memory_space<vmem>>)
      %dma_start3A_195 = arith.constant 0 : i32
      %dma_start3A_196 = tpu.memref_slice %arg7[%add3A_188, %dma_start3A_195] : memref<125x80xi32, #tpu.memory_space<vmem>> -> memref<1x80xi32, #tpu.memory_space<vmem>>
      %dma_start3A_197 = tpu.memref_squeeze %dma_start3A_196 : memref<1x80xi32, #tpu.memory_space<vmem>> -> memref<80xi32, #tpu.memory_space<vmem>>
      %dma_start3A_198 = arith.constant 0 : i32
      %dma_start3A_199 = arith.constant 0 : i32
      %dma_start3A_200 = tpu.memref_slice %arg11[%dma_start3A_198, %dma_start3A_199] : memref<10000x128xf32, #tpu.memory_space<vmem_shared>> -> memref<10000x128xf32, #tpu.memory_space<vmem_shared>>
      tpu.enqueue_indirect_dma source(%arg10 : memref<80x128xf32, #tpu.memory_space<vmem>>) target(%dma_start3A_200 : memref<10000x128xf32, #tpu.memory_space<vmem_shared>>) offsets(%dma_start3A_197 : memref<80xi32, #tpu.memory_space<vmem>>) semaphore(%arg17 : memref<!tpu.dma_semaphore, #tpu.memory_space<semaphore_mem>>) {add = true}
      %add3A_201 = arith.constant 2 : i32
      %add3A_202 = arith.addi %add3A_188, %add3A_201 : i32
      %sub3A_203 = arith.constant 3 : i32
      %sub3A_204 = arith.subi %add3A_202, %sub3A_203 : i32
      %dma_wait3A_205 = arith.constant 0 : i32
      %dma_wait3A_206 = tpu.memref_slice %arg7[%sub3A_204, %dma_wait3A_205] : memref<125x80xi32, #tpu.memory_space<vmem>> -> memref<1x80xi32, #tpu.memory_space<vmem>>
      %dma_wait3A_207 = tpu.memref_squeeze %dma_wait3A_206 : memref<1x80xi32, #tpu.memory_space<vmem>> -> memref<80xi32, #tpu.memory_space<vmem>>
      %dma_wait3A_208 = arith.constant 0 : i32
      %dma_wait3A_209 = arith.constant 0 : i32
      %dma_wait3A_210 = tpu.memref_slice %arg11[%dma_wait3A_208, %dma_wait3A_209] : memref<10000x128xf32, #tpu.memory_space<vmem_shared>> -> memref<10000x128xf32, #tpu.memory_space<vmem_shared>>
      tpu.wait_indirect_dma semaphore(%arg16 : memref<!tpu.dma_semaphore, #tpu.memory_space<semaphore_mem>>) src(%arg9 : memref<80x128xf32, #tpu.memory_space<vmem>>) dst(%dma_wait3A_210 : memref<10000x128xf32, #tpu.memory_space<vmem_shared>>)
      %add3A_211 = arith.constant 2 : i32
      %add3A_212 = arith.addi %add3A_188, %add3A_211 : i32
      %dma_start3A_213 = arith.constant 0 : i32
      %dma_start3A_214 = tpu.memref_slice %arg6[%add3A_212, %dma_start3A_213] : memref<125x80xi32, #tpu.memory_space<vmem>> -> memref<1x80xi32, #tpu.memory_space<vmem>>
      %dma_start3A_215 = tpu.memref_squeeze %dma_start3A_214 : memref<1x80xi32, #tpu.memory_space<vmem>> -> memref<80xi32, #tpu.memory_space<vmem>>
      %dma_start3A_216 = arith.constant 0 : i32
      %dma_start3A_217 = arith.constant 0 : i32
      %dma_start3A_218 = tpu.memref_slice %arg2[%dma_start3A_216, %dma_start3A_217] : memref<10000x128xf32, #tpu.memory_space<hbm>> -> memref<10000x128xf32, #tpu.memory_space<hbm>>
      tpu.enqueue_indirect_dma source(%dma_start3A_218 : memref<10000x128xf32, #tpu.memory_space<hbm>>) target(%arg9 : memref<80x128xf32, #tpu.memory_space<vmem>>) offsets(%dma_start3A_215 : memref<80xi32, #tpu.memory_space<vmem>>) semaphore(%arg13 : memref<!tpu.dma_semaphore, #tpu.memory_space<semaphore_mem>>)
      %add3A_219 = arith.constant 2 : i32
      %add3A_220 = arith.addi %add3A_155, %add3A_219 : i32
      %dma_wait3A_221 = arith.constant 0 : i32
      %dma_wait3A_222 = tpu.memref_slice %arg6[%add3A_220, %dma_wait3A_221] : memref<125x80xi32, #tpu.memory_space<vmem>> -> memref<1x80xi32, #tpu.memory_space<vmem>>
      %dma_wait3A_223 = tpu.memref_squeeze %dma_wait3A_222 : memref<1x80xi32, #tpu.memory_space<vmem>> -> memref<80xi32, #tpu.memory_space<vmem>>
      %dma_wait3A_224 = arith.constant 0 : i32
      %dma_wait3A_225 = arith.constant 0 : i32
      %dma_wait3A_226 = tpu.memref_slice %arg2[%dma_wait3A_224, %dma_wait3A_225] : memref<10000x128xf32, #tpu.memory_space<hbm>> -> memref<10000x128xf32, #tpu.memory_space<hbm>>
      tpu.wait_indirect_dma semaphore(%arg12 : memref<!tpu.dma_semaphore, #tpu.memory_space<semaphore_mem>>) src(%dma_wait3A_226 : memref<10000x128xf32, #tpu.memory_space<hbm>>) dst(%arg8 : memref<80x128xf32, #tpu.memory_space<vmem>>)
      %dma_start3A_227 = arith.constant 0 : i32
      %dma_start3A_228 = tpu.memref_slice %arg7[%add3A_220, %dma_start3A_227] : memref<125x80xi32, #tpu.memory_space<vmem>> -> memref<1x80xi32, #tpu.memory_space<vmem>>
      %dma_start3A_229 = tpu.memref_squeeze %dma_start3A_228 : memref<1x80xi32, #tpu.memory_space<vmem>> -> memref<80xi32, #tpu.memory_space<vmem>>
      %dma_start3A_230 = arith.constant 0 : i32
      %dma_start3A_231 = arith.constant 0 : i32
      %dma_start3A_232 = tpu.memref_slice %arg11[%dma_start3A_230, %dma_start3A_231] : memref<10000x128xf32, #tpu.memory_space<vmem_shared>> -> memref<10000x128xf32, #tpu.memory_space<vmem_shared>>
      tpu.enqueue_indirect_dma source(%arg8 : memref<80x128xf32, #tpu.memory_space<vmem>>) target(%dma_start3A_232 : memref<10000x128xf32, #tpu.memory_space<vmem_shared>>) offsets(%dma_start3A_229 : memref<80xi32, #tpu.memory_space<vmem>>) semaphore(%arg15 : memref<!tpu.dma_semaphore, #tpu.memory_space<semaphore_mem>>) {add = true}
      %add3A_233 = arith.constant 2 : i32
      %add3A_234 = arith.addi %add3A_220, %add3A_233 : i32
      %sub3A_235 = arith.constant 3 : i32
      %sub3A_236 = arith.subi %add3A_234, %sub3A_235 : i32
      %dma_wait3A_237 = arith.constant 0 : i32
      %dma_wait3A_238 = tpu.memref_slice %arg7[%sub3A_236, %dma_wait3A_237] : memref<125x80xi32, #tpu.memory_space<vmem>> -> memref<1x80xi32, #tpu.memory_space<vmem>>
      %dma_wait3A_239 = tpu.memref_squeeze %dma_wait3A_238 : memref<1x80xi32, #tpu.memory_space<vmem>> -> memref<80xi32, #tpu.memory_space<vmem>>
      %dma_wait3A_240 = arith.constant 0 : i32
      %dma_wait3A_241 = arith.constant 0 : i32
      %dma_wait3A_242 = tpu.memref_slice %arg11[%dma_wait3A_240, %dma_wait3A_241] : memref<10000x128xf32, #tpu.memory_space<vmem_shared>> -> memref<10000x128xf32, #tpu.memory_space<vmem_shared>>
      tpu.wait_indirect_dma semaphore(%arg17 : memref<!tpu.dma_semaphore, #tpu.memory_space<semaphore_mem>>) src(%arg10 : memref<80x128xf32, #tpu.memory_space<vmem>>) dst(%dma_wait3A_242 : memref<10000x128xf32, #tpu.memory_space<vmem_shared>>)
      %add3A_243 = arith.constant 2 : i32
      %add3A_244 = arith.addi %add3A_220, %add3A_243 : i32
      %dma_start3A_245 = arith.constant 0 : i32
      %dma_start3A_246 = tpu.memref_slice %arg6[%add3A_244, %dma_start3A_245] : memref<125x80xi32, #tpu.memory_space<vmem>> -> memref<1x80xi32, #tpu.memory_space<vmem>>
      %dma_start3A_247 = tpu.memref_squeeze %dma_start3A_246 : memref<1x80xi32, #tpu.memory_space<vmem>> -> memref<80xi32, #tpu.memory_space<vmem>>
      %dma_start3A_248 = arith.constant 0 : i32
      %dma_start3A_249 = arith.constant 0 : i32
      %dma_start3A_250 = tpu.memref_slice %arg2[%dma_start3A_248, %dma_start3A_249] : memref<10000x128xf32, #tpu.memory_space<hbm>> -> memref<10000x128xf32, #tpu.memory_space<hbm>>
      tpu.enqueue_indirect_dma source(%dma_start3A_250 : memref<10000x128xf32, #tpu.memory_space<hbm>>) target(%arg10 : memref<80x128xf32, #tpu.memory_space<vmem>>) offsets(%dma_start3A_247 : memref<80xi32, #tpu.memory_space<vmem>>) semaphore(%arg14 : memref<!tpu.dma_semaphore, #tpu.memory_space<semaphore_mem>>)
    }
    %scan3A_41 = arith.constant 40 : i32
    %dma_wait3A_42 = arith.constant 121 : i32
    %dma_wait3A_43 = arith.constant 0 : i32
    %dma_wait3A_44 = tpu.memref_slice %arg6[%dma_wait3A_42, %dma_wait3A_43] : memref<125x80xi32, #tpu.memory_space<vmem>> -> memref<1x80xi32, #tpu.memory_space<vmem>>
    %dma_wait3A_45 = tpu.memref_squeeze %dma_wait3A_44 : memref<1x80xi32, #tpu.memory_space<vmem>> -> memref<80xi32, #tpu.memory_space<vmem>>
    %dma_wait3A_46 = arith.constant 0 : i32
    %dma_wait3A_47 = arith.constant 0 : i32
    %dma_wait3A_48 = tpu.memref_slice %arg2[%dma_wait3A_46, %dma_wait3A_47] : memref<10000x128xf32, #tpu.memory_space<hbm>> -> memref<10000x128xf32, #tpu.memory_space<hbm>>
    tpu.wait_indirect_dma semaphore(%arg13 : memref<!tpu.dma_semaphore, #tpu.memory_space<semaphore_mem>>) src(%dma_wait3A_48 : memref<10000x128xf32, #tpu.memory_space<hbm>>) dst(%arg9 : memref<80x128xf32, #tpu.memory_space<vmem>>)
    %dma_start3A_49 = arith.constant 121 : i32
    %dma_start3A_50 = arith.constant 0 : i32
    %dma_start3A_51 = tpu.memref_slice %arg7[%dma_start3A_49, %dma_start3A_50] : memref<125x80xi32, #tpu.memory_space<vmem>> -> memref<1x80xi32, #tpu.memory_space<vmem>>
    %dma_start3A_52 = tpu.memref_squeeze %dma_start3A_51 : memref<1x80xi32, #tpu.memory_space<vmem>> -> memref<80xi32, #tpu.memory_space<vmem>>
    %dma_start3A_53 = arith.constant 0 : i32
    %dma_start3A_54 = arith.constant 0 : i32
    %dma_start3A_55 = tpu.memref_slice %arg11[%dma_start3A_53, %dma_start3A_54] : memref<10000x128xf32, #tpu.memory_space<vmem_shared>> -> memref<10000x128xf32, #tpu.memory_space<vmem_shared>>
    tpu.enqueue_indirect_dma source(%arg9 : memref<80x128xf32, #tpu.memory_space<vmem>>) target(%dma_start3A_55 : memref<10000x128xf32, #tpu.memory_space<vmem_shared>>) offsets(%dma_start3A_52 : memref<80xi32, #tpu.memory_space<vmem>>) semaphore(%arg16 : memref<!tpu.dma_semaphore, #tpu.memory_space<semaphore_mem>>) {add = true}
    %dma_wait3A_56 = arith.constant 120 : i32
    %dma_wait3A_57 = arith.constant 0 : i32
    %dma_wait3A_58 = tpu.memref_slice %arg7[%dma_wait3A_56, %dma_wait3A_57] : memref<125x80xi32, #tpu.memory_space<vmem>> -> memref<1x80xi32, #tpu.memory_space<vmem>>
    %dma_wait3A_59 = tpu.memref_squeeze %dma_wait3A_58 : memref<1x80xi32, #tpu.memory_space<vmem>> -> memref<80xi32, #tpu.memory_space<vmem>>
    %dma_wait3A_60 = arith.constant 0 : i32
    %dma_wait3A_61 = arith.constant 0 : i32
    %dma_wait3A_62 = tpu.memref_slice %arg11[%dma_wait3A_60, %dma_wait3A_61] : memref<10000x128xf32, #tpu.memory_space<vmem_shared>> -> memref<10000x128xf32, #tpu.memory_space<vmem_shared>>
    tpu.wait_indirect_dma semaphore(%arg15 : memref<!tpu.dma_semaphore, #tpu.memory_space<semaphore_mem>>) src(%arg8 : memref<80x128xf32, #tpu.memory_space<vmem>>) dst(%dma_wait3A_62 : memref<10000x128xf32, #tpu.memory_space<vmem_shared>>)
    %dma_start3A_63 = arith.constant 123 : i32
    %dma_start3A_64 = arith.constant 0 : i32
    %dma_start3A_65 = tpu.memref_slice %arg6[%dma_start3A_63, %dma_start3A_64] : memref<125x80xi32, #tpu.memory_space<vmem>> -> memref<1x80xi32, #tpu.memory_space<vmem>>
    %dma_start3A_66 = tpu.memref_squeeze %dma_start3A_65 : memref<1x80xi32, #tpu.memory_space<vmem>> -> memref<80xi32, #tpu.memory_space<vmem>>
    %dma_start3A_67 = arith.constant 0 : i32
    %dma_start3A_68 = arith.constant 0 : i32
    %dma_start3A_69 = tpu.memref_slice %arg2[%dma_start3A_67, %dma_start3A_68] : memref<10000x128xf32, #tpu.memory_space<hbm>> -> memref<10000x128xf32, #tpu.memory_space<hbm>>
    tpu.enqueue_indirect_dma source(%dma_start3A_69 : memref<10000x128xf32, #tpu.memory_space<hbm>>) target(%arg8 : memref<80x128xf32, #tpu.memory_space<vmem>>) offsets(%dma_start3A_66 : memref<80xi32, #tpu.memory_space<vmem>>) semaphore(%arg12 : memref<!tpu.dma_semaphore, #tpu.memory_space<semaphore_mem>>)
    %dma_wait3A_70 = arith.constant 122 : i32
    %dma_wait3A_71 = arith.constant 0 : i32
    %dma_wait3A_72 = tpu.memref_slice %arg6[%dma_wait3A_70, %dma_wait3A_71] : memref<125x80xi32, #tpu.memory_space<vmem>> -> memref<1x80xi32, #tpu.memory_space<vmem>>
    %dma_wait3A_73 = tpu.memref_squeeze %dma_wait3A_72 : memref<1x80xi32, #tpu.memory_space<vmem>> -> memref<80xi32, #tpu.memory_space<vmem>>
    %dma_wait3A_74 = arith.constant 0 : i32
    %dma_wait3A_75 = arith.constant 0 : i32
    %dma_wait3A_76 = tpu.memref_slice %arg2[%dma_wait3A_74, %dma_wait3A_75] : memref<10000x128xf32, #tpu.memory_space<hbm>> -> memref<10000x128xf32, #tpu.memory_space<hbm>>
    tpu.wait_indirect_dma semaphore(%arg14 : memref<!tpu.dma_semaphore, #tpu.memory_space<semaphore_mem>>) src(%dma_wait3A_76 : memref<10000x128xf32, #tpu.memory_space<hbm>>) dst(%arg10 : memref<80x128xf32, #tpu.memory_space<vmem>>)
    %dma_start3A_77 = arith.constant 122 : i32
    %dma_start3A_78 = arith.constant 0 : i32
    %dma_start3A_79 = tpu.memref_slice %arg7[%dma_start3A_77, %dma_start3A_78] : memref<125x80xi32, #tpu.memory_space<vmem>> -> memref<1x80xi32, #tpu.memory_space<vmem>>
    %dma_start3A_80 = tpu.memref_squeeze %dma_start3A_79 : memref<1x80xi32, #tpu.memory_space<vmem>> -> memref<80xi32, #tpu.memory_space<vmem>>
    %dma_start3A_81 = arith.constant 0 : i32
    %dma_start3A_82 = arith.constant 0 : i32
    %dma_start3A_83 = tpu.memref_slice %arg11[%dma_start3A_81, %dma_start3A_82] : memref<10000x128xf32, #tpu.memory_space<vmem_shared>> -> memref<10000x128xf32, #tpu.memory_space<vmem_shared>>
    tpu.enqueue_indirect_dma source(%arg10 : memref<80x128xf32, #tpu.memory_space<vmem>>) target(%dma_start3A_83 : memref<10000x128xf32, #tpu.memory_space<vmem_shared>>) offsets(%dma_start3A_80 : memref<80xi32, #tpu.memory_space<vmem>>) semaphore(%arg17 : memref<!tpu.dma_semaphore, #tpu.memory_space<semaphore_mem>>) {add = true}
    %dma_wait3A_84 = arith.constant 121 : i32
    %dma_wait3A_85 = arith.constant 0 : i32
    %dma_wait3A_86 = tpu.memref_slice %arg7[%dma_wait3A_84, %dma_wait3A_85] : memref<125x80xi32, #tpu.memory_space<vmem>> -> memref<1x80xi32, #tpu.memory_space<vmem>>
    %dma_wait3A_87 = tpu.memref_squeeze %dma_wait3A_86 : memref<1x80xi32, #tpu.memory_space<vmem>> -> memref<80xi32, #tpu.memory_space<vmem>>
    %dma_wait3A_88 = arith.constant 0 : i32
    %dma_wait3A_89 = arith.constant 0 : i32
    %dma_wait3A_90 = tpu.memref_slice %arg11[%dma_wait3A_88, %dma_wait3A_89] : memref<10000x128xf32, #tpu.memory_space<vmem_shared>> -> memref<10000x128xf32, #tpu.memory_space<vmem_shared>>
    tpu.wait_indirect_dma semaphore(%arg16 : memref<!tpu.dma_semaphore, #tpu.memory_space<semaphore_mem>>) src(%arg9 : memref<80x128xf32, #tpu.memory_space<vmem>>) dst(%dma_wait3A_90 : memref<10000x128xf32, #tpu.memory_space<vmem_shared>>)
    %dma_start3A_91 = arith.constant 124 : i32
    %dma_start3A_92 = arith.constant 0 : i32
    %dma_start3A_93 = tpu.memref_slice %arg6[%dma_start3A_91, %dma_start3A_92] : memref<125x80xi32, #tpu.memory_space<vmem>> -> memref<1x80xi32, #tpu.memory_space<vmem>>
    %dma_start3A_94 = tpu.memref_squeeze %dma_start3A_93 : memref<1x80xi32, #tpu.memory_space<vmem>> -> memref<80xi32, #tpu.memory_space<vmem>>
    %dma_start3A_95 = arith.constant 0 : i32
    %dma_start3A_96 = arith.constant 0 : i32
    %dma_start3A_97 = tpu.memref_slice %arg2[%dma_start3A_95, %dma_start3A_96] : memref<10000x128xf32, #tpu.memory_space<hbm>> -> memref<10000x128xf32, #tpu.memory_space<hbm>>
    tpu.enqueue_indirect_dma source(%dma_start3A_97 : memref<10000x128xf32, #tpu.memory_space<hbm>>) target(%arg9 : memref<80x128xf32, #tpu.memory_space<vmem>>) offsets(%dma_start3A_94 : memref<80xi32, #tpu.memory_space<vmem>>) semaphore(%arg13 : memref<!tpu.dma_semaphore, #tpu.memory_space<semaphore_mem>>)
    %dma_wait3A_98 = arith.constant 123 : i32
    %dma_wait3A_99 = arith.constant 0 : i32
    %dma_wait3A_100 = tpu.memref_slice %arg6[%dma_wait3A_98, %dma_wait3A_99] : memref<125x80xi32, #tpu.memory_space<vmem>> -> memref<1x80xi32, #tpu.memory_space<vmem>>
    %dma_wait3A_101 = tpu.memref_squeeze %dma_wait3A_100 : memref<1x80xi32, #tpu.memory_space<vmem>> -> memref<80xi32, #tpu.memory_space<vmem>>
    %dma_wait3A_102 = arith.constant 0 : i32
    %dma_wait3A_103 = arith.constant 0 : i32
    %dma_wait3A_104 = tpu.memref_slice %arg2[%dma_wait3A_102, %dma_wait3A_103] : memref<10000x128xf32, #tpu.memory_space<hbm>> -> memref<10000x128xf32, #tpu.memory_space<hbm>>
    tpu.wait_indirect_dma semaphore(%arg12 : memref<!tpu.dma_semaphore, #tpu.memory_space<semaphore_mem>>) src(%dma_wait3A_104 : memref<10000x128xf32, #tpu.memory_space<hbm>>) dst(%arg8 : memref<80x128xf32, #tpu.memory_space<vmem>>)
    %dma_start3A_105 = arith.constant 123 : i32
    %dma_start3A_106 = arith.constant 0 : i32
    %dma_start3A_107 = tpu.memref_slice %arg7[%dma_start3A_105, %dma_start3A_106] : memref<125x80xi32, #tpu.memory_space<vmem>> -> memref<1x80xi32, #tpu.memory_space<vmem>>
    %dma_start3A_108 = tpu.memref_squeeze %dma_start3A_107 : memref<1x80xi32, #tpu.memory_space<vmem>> -> memref<80xi32, #tpu.memory_space<vmem>>
    %dma_start3A_109 = arith.constant 0 : i32
    %dma_start3A_110 = arith.constant 0 : i32
    %dma_start3A_111 = tpu.memref_slice %arg11[%dma_start3A_109, %dma_start3A_110] : memref<10000x128xf32, #tpu.memory_space<vmem_shared>> -> memref<10000x128xf32, #tpu.memory_space<vmem_shared>>
    tpu.enqueue_indirect_dma source(%arg8 : memref<80x128xf32, #tpu.memory_space<vmem>>) target(%dma_start3A_111 : memref<10000x128xf32, #tpu.memory_space<vmem_shared>>) offsets(%dma_start3A_108 : memref<80xi32, #tpu.memory_space<vmem>>) semaphore(%arg15 : memref<!tpu.dma_semaphore, #tpu.memory_space<semaphore_mem>>) {add = true}
    %dma_wait3A_112 = arith.constant 124 : i32
    %dma_wait3A_113 = arith.constant 0 : i32
    %dma_wait3A_114 = tpu.memref_slice %arg6[%dma_wait3A_112, %dma_wait3A_113] : memref<125x80xi32, #tpu.memory_space<vmem>> -> memref<1x80xi32, #tpu.memory_space<vmem>>
    %dma_wait3A_115 = tpu.memref_squeeze %dma_wait3A_114 : memref<1x80xi32, #tpu.memory_space<vmem>> -> memref<80xi32, #tpu.memory_space<vmem>>
    %dma_wait3A_116 = arith.constant 0 : i32
    %dma_wait3A_117 = arith.constant 0 : i32
    %dma_wait3A_118 = tpu.memref_slice %arg2[%dma_wait3A_116, %dma_wait3A_117] : memref<10000x128xf32, #tpu.memory_space<hbm>> -> memref<10000x128xf32, #tpu.memory_space<hbm>>
    tpu.wait_indirect_dma semaphore(%arg13 : memref<!tpu.dma_semaphore, #tpu.memory_space<semaphore_mem>>) src(%dma_wait3A_118 : memref<10000x128xf32, #tpu.memory_space<hbm>>) dst(%arg9 : memref<80x128xf32, #tpu.memory_space<vmem>>)
    %dma_start3A_119 = arith.constant 124 : i32
    %dma_start3A_120 = arith.constant 0 : i32
    %dma_start3A_121 = tpu.memref_slice %arg7[%dma_start3A_119, %dma_start3A_120] : memref<125x80xi32, #tpu.memory_space<vmem>> -> memref<1x80xi32, #tpu.memory_space<vmem>>
    %dma_start3A_122 = tpu.memref_squeeze %dma_start3A_121 : memref<1x80xi32, #tpu.memory_space<vmem>> -> memref<80xi32, #tpu.memory_space<vmem>>
    %dma_start3A_123 = arith.constant 0 : i32
    %dma_start3A_124 = arith.constant 0 : i32
    %dma_start3A_125 = tpu.memref_slice %arg11[%dma_start3A_123, %dma_start3A_124] : memref<10000x128xf32, #tpu.memory_space<vmem_shared>> -> memref<10000x128xf32, #tpu.memory_space<vmem_shared>>
    tpu.enqueue_indirect_dma source(%arg9 : memref<80x128xf32, #tpu.memory_space<vmem>>) target(%dma_start3A_125 : memref<10000x128xf32, #tpu.memory_space<vmem_shared>>) offsets(%dma_start3A_122 : memref<80xi32, #tpu.memory_space<vmem>>) semaphore(%arg16 : memref<!tpu.dma_semaphore, #tpu.memory_space<semaphore_mem>>) {add = true}
    %dma_wait3A_126 = arith.constant 122 : i32
    %dma_wait3A_127 = arith.constant 0 : i32
    %dma_wait3A_128 = tpu.memref_slice %arg7[%dma_wait3A_126, %dma_wait3A_127] : memref<125x80xi32, #tpu.memory_space<vmem>> -> memref<1x80xi32, #tpu.memory_space<vmem>>
    %dma_wait3A_129 = tpu.memref_squeeze %dma_wait3A_128 : memref<1x80xi32, #tpu.memory_space<vmem>> -> memref<80xi32, #tpu.memory_space<vmem>>
    %dma_wait3A_130 = arith.constant 0 : i32
    %dma_wait3A_131 = arith.constant 0 : i32
    %dma_wait3A_132 = tpu.memref_slice %arg11[%dma_wait3A_130, %dma_wait3A_131] : memref<10000x128xf32, #tpu.memory_space<vmem_shared>> -> memref<10000x128xf32, #tpu.memory_space<vmem_shared>>
    tpu.wait_indirect_dma semaphore(%arg17 : memref<!tpu.dma_semaphore, #tpu.memory_space<semaphore_mem>>) src(%arg10 : memref<80x128xf32, #tpu.memory_space<vmem>>) dst(%dma_wait3A_132 : memref<10000x128xf32, #tpu.memory_space<vmem_shared>>)
    %dma_wait3A_133 = arith.constant 123 : i32
    %dma_wait3A_134 = arith.constant 0 : i32
    %dma_wait3A_135 = tpu.memref_slice %arg7[%dma_wait3A_133, %dma_wait3A_134] : memref<125x80xi32, #tpu.memory_space<vmem>> -> memref<1x80xi32, #tpu.memory_space<vmem>>
    %dma_wait3A_136 = tpu.memref_squeeze %dma_wait3A_135 : memref<1x80xi32, #tpu.memory_space<vmem>> -> memref<80xi32, #tpu.memory_space<vmem>>
    %dma_wait3A_137 = arith.constant 0 : i32
    %dma_wait3A_138 = arith.constant 0 : i32
    %dma_wait3A_139 = tpu.memref_slice %arg11[%dma_wait3A_137, %dma_wait3A_138] : memref<10000x128xf32, #tpu.memory_space<vmem_shared>> -> memref<10000x128xf32, #tpu.memory_space<vmem_shared>>
    tpu.wait_indirect_dma semaphore(%arg15 : memref<!tpu.dma_semaphore, #tpu.memory_space<semaphore_mem>>) src(%arg8 : memref<80x128xf32, #tpu.memory_space<vmem>>) dst(%dma_wait3A_139 : memref<10000x128xf32, #tpu.memory_space<vmem_shared>>)
    %dma_wait3A_140 = arith.constant 124 : i32
    %dma_wait3A_141 = arith.constant 0 : i32
    %dma_wait3A_142 = tpu.memref_slice %arg7[%dma_wait3A_140, %dma_wait3A_141] : memref<125x80xi32, #tpu.memory_space<vmem>> -> memref<1x80xi32, #tpu.memory_space<vmem>>
    %dma_wait3A_143 = tpu.memref_squeeze %dma_wait3A_142 : memref<1x80xi32, #tpu.memory_space<vmem>> -> memref<80xi32, #tpu.memory_space<vmem>>
    %dma_wait3A_144 = arith.constant 0 : i32
    %dma_wait3A_145 = arith.constant 0 : i32
    %dma_wait3A_146 = tpu.memref_slice %arg11[%dma_wait3A_144, %dma_wait3A_145] : memref<10000x128xf32, #tpu.memory_space<vmem_shared>> -> memref<10000x128xf32, #tpu.memory_space<vmem_shared>>
    tpu.wait_indirect_dma semaphore(%arg16 : memref<!tpu.dma_semaphore, #tpu.memory_space<semaphore_mem>>) src(%arg9 : memref<80x128xf32, #tpu.memory_space<vmem>>) dst(%dma_wait3A_146 : memref<10000x128xf32, #tpu.memory_space<vmem_shared>>)
    %barrier3A_147 = arith.constant 0 : index
    tpu.barrier barrier_id(%barrier3A_147)
    %mul3A_148 = arith.constant 10000 : i32
    %mul3A_149 = arith.muli %arg0, %mul3A_148 : i32
    %add3A_150 = arith.addi %mul3A_149, %mul3A_2 : i32
    "tpu.region"() ({
      %run_scoped3A = tpu.sem_alloc : memref<!tpu.dma_semaphore, #tpu.memory_space<semaphore_mem>>
      %dma_start3A_151 = arith.constant 0 : i32
      %dma_start3A_152 = tpu.memref_slice %arg5[%add3A_150, %dma_start3A_151] : memref<20000x128xf32, #tpu.memory_space<hbm>> -> memref<625x128xf32, #tpu.memory_space<hbm>>
      %dma_start3A_153 = arith.constant 0 : i32
      %dma_start3A_154 = tpu.memref_slice %arg11[%mul3A_2, %dma_start3A_153] : memref<10000x128xf32, #tpu.memory_space<vmem_shared>> -> memref<625x128xf32, #tpu.memory_space<vmem_shared>>
      tpu.enqueue_dma source(%dma_start3A_154 : memref<625x128xf32, #tpu.memory_space<vmem_shared>>) target(%dma_start3A_152 : memref<625x128xf32, #tpu.memory_space<hbm>>) target_semaphore(%run_scoped3A : memref<!tpu.dma_semaphore, #tpu.memory_space<semaphore_mem>>)
      %dma_wait3A_155 = arith.constant 0 : i32
      %dma_wait3A_156 = tpu.memref_slice %arg5[%add3A_150, %dma_wait3A_155] : memref<20000x128xf32, #tpu.memory_space<hbm>> -> memref<625x128xf32, #tpu.memory_space<hbm>>
      %dma_wait3A_157 = arith.constant 0 : i32
      %dma_wait3A_158 = tpu.memref_slice %arg11[%mul3A_2, %dma_wait3A_157] : memref<10000x128xf32, #tpu.memory_space<vmem_shared>> -> memref<625x128xf32, #tpu.memory_space<vmem_shared>>
      tpu.wait_dma2 semaphore(%run_scoped3A : memref<!tpu.dma_semaphore, #tpu.memory_space<semaphore_mem>>) src(%dma_wait3A_158 : memref<625x128xf32, #tpu.memory_space<vmem_shared>>) dst(%dma_wait3A_156 : memref<625x128xf32, #tpu.memory_space<hbm>>)
      tpu.yield
    }) : () -> ()
    return
  }
}

module attributes {stable_mosaic.version = 14 : i64} {
  func.func @_mm1_body(%arg0: i32, %arg1: memref<2000x128xf32, #tpu.memory_space<vmem>>, %arg2: memref<128x128xf32, #tpu.memory_space<vmem>>, %arg3: memref<2000x128xf32, #tpu.memory_space<vmem>>) attributes {dimension_semantics = [#tpu.dimension_semantics<arbitrary>], iteration_bounds = array<i64: 5>, scalar_prefetch = 0 : i64, scratch_operands = 0 : i64, tpu.core_type = #tpu.core_type<tc>, window_params = [{transform_indices = @transform_0, window_bounds = array<i64: 2000, 128>}, {pipeline_mode = #tpu.pipeline_mode<synchronous>, transform_indices = @transform_1, window_bounds = array<i64: 128, 128>}, {transform_indices = @transform_2, window_bounds = array<i64: 2000, 128>}]} {
    %get3A = arith.constant 0 : index
    %get3A_0 = arith.constant 0 : index
    %get3A_1 = vector.load %arg1[%get3A, %get3A_0] : memref<2000x128xf32, #tpu.memory_space<vmem>>, vector<2000x128xf32>
    %get3A_2 = arith.constant 0 : index
    %get3A_3 = arith.constant 0 : index
    %get3A_4 = vector.load %arg2[%get3A_2, %get3A_3] : memref<128x128xf32, #tpu.memory_space<vmem>>, vector<128x128xf32>
    %dot_general3A = arith.constant dense<0.000000e+00> : vector<2000x128xf32>
    %dot_general3A_5 = tpu.matmul %get3A_1, %get3A_4, %dot_general3A {dimension_numbers = #tpu.dot_dimension_numbers<[1], [0], [0], [1], [0, 0, 1, 1], [], []>, transpose_lhs_hint = false} : vector<2000x128xf32>, vector<128x128xf32>, vector<2000x128xf32> -> vector<2000x128xf32>
    %swap3A = arith.constant 0 : index
    %swap3A_6 = arith.constant 0 : index
    %swap3A_7 = vector.load %arg3[%swap3A, %swap3A_6] : memref<2000x128xf32, #tpu.memory_space<vmem>>, vector<2000x128xf32>
    tpu.vector_store %arg3[%swap3A, %swap3A_6], %dot_general3A_5 {strides = array<i32>} : memref<2000x128xf32, #tpu.memory_space<vmem>>, vector<2000x128xf32>,
    return
  }
  func.func @transform_0(%arg0: i32) -> (i32, i32) {
    %c0_i32 = arith.constant 0 : i32
    %c0_i32_0 = arith.constant 0 : i32
    return %arg0, %c0_i32 : i32, i32
  }
  func.func @transform_1(%arg0: i32) -> (i32, i32) {
    %c0_i32 = arith.constant 0 : i32
    %c0_i32_0 = arith.constant 0 : i32
    %c0_i32_1 = arith.constant 0 : i32
    return %c0_i32, %c0_i32_0 : i32, i32
  }
  func.func @transform_2(%arg0: i32) -> (i32, i32) {
    %c0_i32 = arith.constant 0 : i32
    %c0_i32_0 = arith.constant 0 : i32
    return %arg0, %c0_i32 : i32, i32
  }
}

module attributes {stable_mosaic.version = 14 : i64} {
  func.func @_scale_body(%arg0: i32, %arg1: memref<2000x16xf32, #tpu.memory_space<vmem>>, %arg2: memref<2000x16xf32, #tpu.memory_space<vmem>>, %arg3: memref<2000x128xf32, #tpu.memory_space<vmem>>, %arg4: memref<2000x128xf32, #tpu.memory_space<vmem>>, %arg5: memref<2000x1xf32, #tpu.memory_space<vmem>>) attributes {dimension_semantics = [#tpu.dimension_semantics<arbitrary>], iteration_bounds = array<i64: 5>, scalar_prefetch = 0 : i64, scratch_operands = 0 : i64, tpu.core_type = #tpu.core_type<tc>, window_params = [{transform_indices = @transform_0, window_bounds = array<i64: 2000, 16>}, {transform_indices = @transform_1, window_bounds = array<i64: 2000, 16>}, {transform_indices = @transform_2, window_bounds = array<i64: 2000, 128>}, {transform_indices = @transform_3, window_bounds = array<i64: 2000, 128>}, {transform_indices = @transform_4, window_bounds = array<i64: 2000, 1>}]} {
    %get3A = arith.constant 0 : index
    %get3A_0 = arith.constant 0 : index
    %get3A_1 = vector.load %arg1[%get3A, %get3A_0] : memref<2000x16xf32, #tpu.memory_space<vmem>>, vector<2000x1xf32>
    %get3A_2 = arith.constant 0 : index
    %get3A_3 = arith.constant 0 : index
    %get3A_4 = vector.load %arg2[%get3A_2, %get3A_3] : memref<2000x16xf32, #tpu.memory_space<vmem>>, vector<2000x1xf32>
    %add3A = arith.addf %get3A_1, %get3A_4 : vector<2000x1xf32>
    %rsqrt3A = math.rsqrt %add3A : vector<2000x1xf32>
    %swap3A = arith.constant 0 : index
    %swap3A_5 = arith.constant 0 : index
    %swap3A_6 = vector.load %arg5[%swap3A, %swap3A_5] : memref<2000x1xf32, #tpu.memory_space<vmem>>, vector<2000x1xf32>
    tpu.vector_store %arg5[%swap3A, %swap3A_5], %rsqrt3A {strides = array<i32>} : memref<2000x1xf32, #tpu.memory_space<vmem>>, vector<2000x1xf32>,
    %get3A_7 = arith.constant 0 : index
    %get3A_8 = arith.constant 0 : index
    %get3A_9 = vector.load %arg3[%get3A_7, %get3A_8] : memref<2000x128xf32, #tpu.memory_space<vmem>>, vector<2000x128xf32>
    %mul3A = vector.broadcast %rsqrt3A : vector<2000x1xf32> to vector<2000x128xf32>
    %mul3A_10 = arith.mulf %get3A_9, %mul3A : vector<2000x128xf32>
    %swap3A_11 = arith.constant 0 : index
    %swap3A_12 = arith.constant 0 : index
    %swap3A_13 = vector.load %arg4[%swap3A_11, %swap3A_12] : memref<2000x128xf32, #tpu.memory_space<vmem>>, vector<2000x128xf32>
    tpu.vector_store %arg4[%swap3A_11, %swap3A_12], %mul3A_10 {strides = array<i32>} : memref<2000x128xf32, #tpu.memory_space<vmem>>, vector<2000x128xf32>,
    return
  }
  func.func @transform_0(%arg0: i32) -> (i32, i32) {
    %c0_i32 = arith.constant 0 : i32
    %c0_i32_0 = arith.constant 0 : i32
    return %arg0, %c0_i32 : i32, i32
  }
  func.func @transform_1(%arg0: i32) -> (i32, i32) {
    %add3A = arith.constant 5 : i32
    %add3A_0 = arith.addi %add3A, %arg0 : i32
    %c0_i32 = arith.constant 0 : i32
    %c0_i32_1 = arith.constant 0 : i32
    return %add3A_0, %c0_i32 : i32, i32
  }
  func.func @transform_2(%arg0: i32) -> (i32, i32) {
    %c0_i32 = arith.constant 0 : i32
    %c0_i32_0 = arith.constant 0 : i32
    return %arg0, %c0_i32 : i32, i32
  }
  func.func @transform_3(%arg0: i32) -> (i32, i32) {
    %c0_i32 = arith.constant 0 : i32
    %c0_i32_0 = arith.constant 0 : i32
    return %arg0, %c0_i32 : i32, i32
  }
  func.func @transform_4(%arg0: i32) -> (i32, i32) {
    %c0_i32 = arith.constant 0 : i32
    %c0_i32_0 = arith.constant 0 : i32
    return %arg0, %c0_i32 : i32, i32
  }
}

module attributes {stable_mosaic.version = 14 : i64} {
  func.func @_layer2_body(%arg0: i32, %arg1: memref<2000x128xf32, #tpu.memory_space<vmem>>, %arg2: memref<2000x128xf32, #tpu.memory_space<vmem>>, %arg3: memref<2000x128xf32, #tpu.memory_space<vmem>>, %arg4: memref<2000x1xf32, #tpu.memory_space<vmem>>, %arg5: memref<1x128xf32, #tpu.memory_space<vmem>>, %arg6: memref<128x64xf32, #tpu.memory_space<vmem>>, %arg7: memref<2000x64xf32, #tpu.memory_space<vmem>>) attributes {dimension_semantics = [#tpu.dimension_semantics<arbitrary>], iteration_bounds = array<i64: 5>, scalar_prefetch = 0 : i64, scratch_operands = 0 : i64, tpu.core_type = #tpu.core_type<tc>, window_params = [{transform_indices = @transform_0, window_bounds = array<i64: 2000, 128>}, {transform_indices = @transform_1, window_bounds = array<i64: 2000, 128>}, {transform_indices = @transform_2, window_bounds = array<i64: 2000, 128>}, {transform_indices = @transform_3, window_bounds = array<i64: 2000, 1>}, {pipeline_mode = #tpu.pipeline_mode<synchronous>, transform_indices = @transform_4, window_bounds = array<i64: 1, 128>}, {pipeline_mode = #tpu.pipeline_mode<synchronous>, transform_indices = @transform_5, window_bounds = array<i64: 128, 64>}, {transform_indices = @transform_6, window_bounds = array<i64: 2000, 64>}]} {
    %get3A = arith.constant 0 : index
    %get3A_0 = arith.constant 0 : index
    %get3A_1 = vector.load %arg4[%get3A, %get3A_0] : memref<2000x1xf32, #tpu.memory_space<vmem>>, vector<2000x1xf32>
    %get3A_2 = arith.constant 0 : index
    %get3A_3 = arith.constant 0 : index
    %get3A_4 = vector.load %arg1[%get3A_2, %get3A_3] : memref<2000x128xf32, #tpu.memory_space<vmem>>, vector<2000x128xf32>
    %get3A_5 = arith.constant 0 : index
    %get3A_6 = arith.constant 0 : index
    %get3A_7 = vector.load %arg2[%get3A_5, %get3A_6] : memref<2000x128xf32, #tpu.memory_space<vmem>>, vector<2000x128xf32>
    %add3A = arith.addf %get3A_4, %get3A_7 : vector<2000x128xf32>
    %get3A_8 = arith.constant 0 : index
    %get3A_9 = arith.constant 0 : index
    %get3A_10 = vector.load %arg3[%get3A_8, %get3A_9] : memref<2000x128xf32, #tpu.memory_space<vmem>>, vector<2000x128xf32>
    %sub3A = arith.subf %add3A, %get3A_10 : vector<2000x128xf32>
    %mul3A = vector.broadcast %get3A_1 : vector<2000x1xf32> to vector<2000x128xf32>
    %mul3A_11 = arith.mulf %mul3A, %sub3A : vector<2000x128xf32>
    %get3A_12 = arith.constant 0 : index
    %get3A_13 = arith.constant 0 : index
    %get3A_14 = vector.load %arg5[%get3A_12, %get3A_13] : memref<1x128xf32, #tpu.memory_space<vmem>>, vector<1x128xf32>
    %add3A_15 = vector.broadcast %get3A_14 : vector<1x128xf32> to vector<2000x128xf32>
    %add3A_16 = arith.addf %mul3A_11, %add3A_15 : vector<2000x128xf32>
    %max3A = arith.constant 0.000000e+00 : f32
    %max3A_17 = vector.broadcast %max3A : f32 to vector<2000x128xf32>
    %max3A_18 = arith.maximumf %add3A_16, %max3A_17 : vector<2000x128xf32>
    %get3A_19 = arith.constant 0 : index
    %get3A_20 = arith.constant 0 : index
    %get3A_21 = vector.load %arg6[%get3A_19, %get3A_20] : memref<128x64xf32, #tpu.memory_space<vmem>>, vector<128x64xf32>
    %dot_general3A = arith.constant dense<0.000000e+00> : vector<2000x64xf32>
    %dot_general3A_22 = tpu.matmul %max3A_18, %get3A_21, %dot_general3A {dimension_numbers = #tpu.dot_dimension_numbers<[1], [0], [0], [1], [0, 0, 1, 1], [], []>, transpose_lhs_hint = false} : vector<2000x128xf32>, vector<128x64xf32>, vector<2000x64xf32> -> vector<2000x64xf32>
    %mul3A_23 = vector.broadcast %get3A_1 : vector<2000x1xf32> to vector<2000x64xf32>
    %mul3A_24 = arith.mulf %dot_general3A_22, %mul3A_23 : vector<2000x64xf32>
    %swap3A = arith.constant 0 : index
    %swap3A_25 = arith.constant 0 : index
    %swap3A_26 = vector.load %arg7[%swap3A, %swap3A_25] : memref<2000x64xf32, #tpu.memory_space<vmem>>, vector<2000x64xf32>
    tpu.vector_store %arg7[%swap3A, %swap3A_25], %mul3A_24 {strides = array<i32>} : memref<2000x64xf32, #tpu.memory_space<vmem>>, vector<2000x64xf32>,
    return
  }
  func.func @transform_0(%arg0: i32) -> (i32, i32) {
    %c0_i32 = arith.constant 0 : i32
    %c0_i32_0 = arith.constant 0 : i32
    return %arg0, %c0_i32 : i32, i32
  }
  func.func @transform_1(%arg0: i32) -> (i32, i32) {
    %add3A = arith.constant 5 : i32
    %add3A_0 = arith.addi %add3A, %arg0 : i32
    %c0_i32 = arith.constant 0 : i32
    %c0_i32_1 = arith.constant 0 : i32
    return %add3A_0, %c0_i32 : i32, i32
  }
  func.func @transform_2(%arg0: i32) -> (i32, i32) {
    %c0_i32 = arith.constant 0 : i32
    %c0_i32_0 = arith.constant 0 : i32
    return %arg0, %c0_i32 : i32, i32
  }
  func.func @transform_3(%arg0: i32) -> (i32, i32) {
    %c0_i32 = arith.constant 0 : i32
    %c0_i32_0 = arith.constant 0 : i32
    return %arg0, %c0_i32 : i32, i32
  }
  func.func @transform_4(%arg0: i32) -> (i32, i32) {
    %c0_i32 = arith.constant 0 : i32
    %c0_i32_0 = arith.constant 0 : i32
    %c0_i32_1 = arith.constant 0 : i32
    return %c0_i32, %c0_i32_0 : i32, i32
  }
  func.func @transform_5(%arg0: i32) -> (i32, i32) {
    %c0_i32 = arith.constant 0 : i32
    %c0_i32_0 = arith.constant 0 : i32
    %c0_i32_1 = arith.constant 0 : i32
    return %c0_i32, %c0_i32_0 : i32, i32
  }
  func.func @transform_6(%arg0: i32) -> (i32, i32) {
    %c0_i32 = arith.constant 0 : i32
    %c0_i32_0 = arith.constant 0 : i32
    return %arg0, %c0_i32 : i32, i32
  }
}

module attributes {stable_mosaic.version = 14 : i64} {
  func.func @_final_body(%arg0: i32, %arg1: memref<2000x64xf32, #tpu.memory_space<vmem>>, %arg2: memref<2000x64xf32, #tpu.memory_space<vmem>>, %arg3: memref<2000x64xf32, #tpu.memory_space<vmem>>, %arg4: memref<2000x1xf32, #tpu.memory_space<vmem>>, %arg5: memref<1x64xf32, #tpu.memory_space<vmem>>, %arg6: memref<1x1x2000xi32, #tpu.memory_space<vmem>>, %arg7: memref<1x64xf32, #tpu.memory_space<vmem>>, %arg8: memref<1x64xf32, #tpu.memory_space<vmem>>, %arg9: memref<64x24xf32, #tpu.memory_space<vmem>>, %arg10: memref<1x24xf32, #tpu.memory_space<vmem>>, %arg11: memref<24x1xf32, #tpu.memory_space<vmem>>, %arg12: memref<1x1xf32, #tpu.memory_space<vmem>>, %arg13: memref<64x1xf32, #tpu.memory_space<vmem>>, %arg14: memref<64x64xf32, #tpu.memory_space<vmem>>, %arg15: memref<64x64xf32, #tpu.memory_space<vmem>>) attributes {dimension_semantics = [#tpu.dimension_semantics<arbitrary>], iteration_bounds = array<i64: 5>, scalar_prefetch = 0 : i64, scratch_operands = 1 : i64, tpu.core_type = #tpu.core_type<tc>, window_params = [{transform_indices = @transform_0, window_bounds = array<i64: 2000, 64>}, {transform_indices = @transform_1, window_bounds = array<i64: 2000, 64>}, {transform_indices = @transform_2, window_bounds = array<i64: 2000, 64>}, {transform_indices = @transform_3, window_bounds = array<i64: 2000, 1>}, {pipeline_mode = #tpu.pipeline_mode<synchronous>, transform_indices = @transform_4, window_bounds = array<i64: 1, 64>}, {transform_indices = @transform_5, window_bounds = array<i64: 1, 1, 2000>}, {pipeline_mode = #tpu.pipeline_mode<synchronous>, transform_indices = @transform_6, window_bounds = array<i64: 1, 64>}, {pipeline_mode = #tpu.pipeline_mode<synchronous>, transform_indices = @transform_7, window_bounds = array<i64: 1, 64>}, {pipeline_mode = #tpu.pipeline_mode<synchronous>, transform_indices = @transform_8, window_bounds = array<i64: 64, 24>}, {pipeline_mode = #tpu.pipeline_mode<synchronous>, transform_indices = @transform_9, window_bounds = array<i64: 1, 24>}, {pipeline_mode = #tpu.pipeline_mode<synchronous>, transform_indices = @transform_10, window_bounds = array<i64: 24, 1>}, {pipeline_mode = #tpu.pipeline_mode<synchronous>, transform_indices = @transform_11, window_bounds = array<i64: 1, 1>}, {pipeline_mode = #tpu.pipeline_mode<synchronous>, transform_indices = @transform_12, window_bounds = array<i64: 64, 1>}, {pipeline_mode = #tpu.pipeline_mode<synchronous>, transform_indices = @transform_13, window_bounds = array<i64: 64, 64>}]} {
    %get3A = arith.constant 0 : index
    %get3A_0 = arith.constant 0 : index
    %get3A_1 = vector.load %arg4[%get3A, %get3A_0] : memref<2000x1xf32, #tpu.memory_space<vmem>>, vector<2000x1xf32>
    %get3A_2 = arith.constant 0 : index
    %get3A_3 = arith.constant 0 : index
    %get3A_4 = vector.load %arg1[%get3A_2, %get3A_3] : memref<2000x64xf32, #tpu.memory_space<vmem>>, vector<2000x64xf32>
    %get3A_5 = arith.constant 0 : index
    %get3A_6 = arith.constant 0 : index
    %get3A_7 = vector.load %arg2[%get3A_5, %get3A_6] : memref<2000x64xf32, #tpu.memory_space<vmem>>, vector<2000x64xf32>
    %add3A = arith.addf %get3A_4, %get3A_7 : vector<2000x64xf32>
    %get3A_8 = arith.constant 0 : index
    %get3A_9 = arith.constant 0 : index
    %get3A_10 = vector.load %arg3[%get3A_8, %get3A_9] : memref<2000x64xf32, #tpu.memory_space<vmem>>, vector<2000x64xf32>
    %sub3A = arith.subf %add3A, %get3A_10 : vector<2000x64xf32>
    %mul3A = vector.broadcast %get3A_1 : vector<2000x1xf32> to vector<2000x64xf32>
    %mul3A_11 = arith.mulf %mul3A, %sub3A : vector<2000x64xf32>
    %get3A_12 = arith.constant 0 : index
    %get3A_13 = arith.constant 0 : index
    %get3A_14 = vector.load %arg5[%get3A_12, %get3A_13] : memref<1x64xf32, #tpu.memory_space<vmem>>, vector<1x64xf32>
    %add3A_15 = vector.broadcast %get3A_14 : vector<1x64xf32> to vector<2000x64xf32>
    %add3A_16 = arith.addf %mul3A_11, %add3A_15 : vector<2000x64xf32>
    %max3A = arith.constant 0.000000e+00 : f32
    %max3A_17 = vector.broadcast %max3A : f32 to vector<2000x64xf32>
    %max3A_18 = arith.maximumf %add3A_16, %max3A_17 : vector<2000x64xf32>
    %get3A_19 = arith.constant 0 : index
    %get3A_20 = arith.constant 0 : index
    %get3A_21 = arith.constant 0 : index
    %get3A_22 = vector.load %arg6[%get3A_19, %get3A_20, %get3A_21] : memref<1x1x2000xi32, #tpu.memory_space<vmem>>, vector<1x1x2000xi32>
    %get3A_23 = vector.shape_cast %get3A_22 : vector<1x1x2000xi32> to vector<1x2000xi32>
    %iota3A = tpu.iota {dimensions = array<i32: 0>} : vector<64x2000xi32>
    %eq3A = vector.broadcast %get3A_23 : vector<1x2000xi32> to vector<64x2000xi32>
    %eq3A_24 = arith.cmpi eq, %eq3A, %iota3A : vector<64x2000xi32>
    %convert_element_type3A = arith.extui %eq3A_24 : vector<64x2000xi1> to vector<64x2000xi32>
    %convert_element_type3A_25 = arith.sitofp %convert_element_type3A : vector<64x2000xi32> to vector<64x2000xf32>
    %convert_element_type3A_26 = arith.truncf %convert_element_type3A_25 : vector<64x2000xf32> to vector<64x2000xbf16>
    %convert_element_type3A_27 = arith.truncf %max3A_18 : vector<2000x64xf32> to vector<2000x64xbf16>
    %dot_general3A = arith.constant dense<0.000000e+00> : vector<64x64xf32>
    %dot_general3A_28 = tpu.matmul %convert_element_type3A_26, %convert_element_type3A_27, %dot_general3A {dimension_numbers = #tpu.dot_dimension_numbers<[1], [0], [0], [1], [0, 0, 1, 1], [], []>, transpose_lhs_hint = false} : vector<64x2000xbf16>, vector<2000x64xbf16>, vector<64x64xf32> -> vector<64x64xf32>
    %eq3A_29 = arith.constant 0 : i32
    %eq3A_30 = arith.cmpi eq, %arg0, %eq3A_29 : i32
    %convert_element_type3A_31 = arith.extui %eq3A_30 : i1 to i32
    %cond3A = arith.constant 0 : i32
    %cond3A_32 = arith.cmpi ne, %convert_element_type3A_31, %cond3A : i32
    scf.if %cond3A_32 {
      %broadcast_in_dim3A = arith.constant 0.000000e+00 : f32
      %broadcast_in_dim3A_44 = vector.broadcast %broadcast_in_dim3A : f32 to vector<64x64xf32>
      %swap3A_45 = arith.constant 0 : index
      %swap3A_46 = arith.constant 0 : index
      %swap3A_47 = vector.load %arg15[%swap3A_45, %swap3A_46] : memref<64x64xf32, #tpu.memory_space<vmem>>, vector<64x64xf32>
      tpu.vector_store %arg15[%swap3A_45, %swap3A_46], %broadcast_in_dim3A_44 {strides = array<i32>} : memref<64x64xf32, #tpu.memory_space<vmem>>, vector<64x64xf32>,
    } else {
    }
    %get3A_33 = arith.constant 0 : index
    %get3A_34 = arith.constant 0 : index
    %get3A_35 = vector.load %arg15[%get3A_33, %get3A_34] : memref<64x64xf32, #tpu.memory_space<vmem>>, vector<64x64xf32>
    %add3A_36 = arith.addf %get3A_35, %dot_general3A_28 : vector<64x64xf32>
    %swap3A = arith.constant 0 : index
    %swap3A_37 = arith.constant 0 : index
    %swap3A_38 = vector.load %arg15[%swap3A, %swap3A_37] : memref<64x64xf32, #tpu.memory_space<vmem>>, vector<64x64xf32>
    tpu.vector_store %arg15[%swap3A, %swap3A_37], %add3A_36 {strides = array<i32>} : memref<64x64xf32, #tpu.memory_space<vmem>>, vector<64x64xf32>,
    %eq3A_39 = arith.constant 4 : i32
    %eq3A_40 = arith.cmpi eq, %arg0, %eq3A_39 : i32
    %convert_element_type3A_41 = arith.extui %eq3A_40 : i1 to i32
    %cond3A_42 = arith.constant 0 : i32
    %cond3A_43 = arith.cmpi ne, %convert_element_type3A_41, %cond3A_42 : i32
    scf.if %cond3A_43 {
      %get3A_44 = arith.constant 0 : index
      %get3A_45 = arith.constant 0 : index
      %get3A_46 = vector.load %arg15[%get3A_44, %get3A_45] : memref<64x64xf32, #tpu.memory_space<vmem>>, vector<64x64xf32>
      %reduce_sum3A = arith.constant dense<0.000000e+00> : vector<64xf32>
      %reduce_sum3A_47 = vector.multi_reduction <add>, %get3A_46, %reduce_sum3A [0] : vector<64x64xf32> to vector<64xf32>
      %broadcast_in_dim3A = vector.shape_cast %reduce_sum3A_47 : vector<64xf32> to vector<1x64xf32>
      %div3A = arith.constant 6.400000e+01 : f32
      %div3A_48 = vector.broadcast %div3A : f32 to vector<1x64xf32>
      %div3A_49 = arith.divf %broadcast_in_dim3A, %div3A_48 : vector<1x64xf32>
      %sub3A_50 = vector.broadcast %div3A_49 : vector<1x64xf32> to vector<64x64xf32>
      %sub3A_51 = arith.subf %get3A_46, %sub3A_50 : vector<64x64xf32>
      %integer_pow3A = arith.mulf %sub3A_51, %sub3A_51 : vector<64x64xf32>
      %reduce_sum3A_52 = arith.constant dense<0.000000e+00> : vector<64xf32>
      %reduce_sum3A_53 = vector.multi_reduction <add>, %integer_pow3A, %reduce_sum3A_52 [0] : vector<64x64xf32> to vector<64xf32>
      %broadcast_in_dim3A_54 = vector.shape_cast %reduce_sum3A_53 : vector<64xf32> to vector<1x64xf32>
      %div3A_55 = arith.constant 6.400000e+01 : f32
      %div3A_56 = vector.broadcast %div3A_55 : f32 to vector<1x64xf32>
      %div3A_57 = arith.divf %broadcast_in_dim3A_54, %div3A_56 : vector<1x64xf32>
      %sub3A_58 = vector.broadcast %div3A_49 : vector<1x64xf32> to vector<64x64xf32>
      %sub3A_59 = arith.subf %get3A_46, %sub3A_58 : vector<64x64xf32>
      %add3A_60 = arith.constant 9.99999974E-6 : f32
      %add3A_61 = vector.broadcast %add3A_60 : f32 to vector<1x64xf32>
      %add3A_62 = arith.addf %div3A_57, %add3A_61 : vector<1x64xf32>
      %sqrt3A = math.sqrt %add3A_62 : vector<1x64xf32>
      %div3A_63 = vector.broadcast %sqrt3A : vector<1x64xf32> to vector<64x64xf32>
      %div3A_64 = arith.divf %sub3A_59, %div3A_63 : vector<64x64xf32>
      %get3A_65 = arith.constant 0 : index
      %get3A_66 = arith.constant 0 : index
      %get3A_67 = vector.load %arg7[%get3A_65, %get3A_66] : memref<1x64xf32, #tpu.memory_space<vmem>>, vector<1x64xf32>
      %mul3A_68 = vector.broadcast %get3A_67 : vector<1x64xf32> to vector<64x64xf32>
      %mul3A_69 = arith.mulf %div3A_64, %mul3A_68 : vector<64x64xf32>
      %get3A_70 = arith.constant 0 : index
      %get3A_71 = arith.constant 0 : index
      %get3A_72 = vector.load %arg8[%get3A_70, %get3A_71] : memref<1x64xf32, #tpu.memory_space<vmem>>, vector<1x64xf32>
      %add3A_73 = vector.broadcast %get3A_72 : vector<1x64xf32> to vector<64x64xf32>
      %add3A_74 = arith.addf %mul3A_69, %add3A_73 : vector<64x64xf32>
      %get3A_75 = arith.constant 0 : index
      %get3A_76 = arith.constant 0 : index
      %get3A_77 = vector.load %arg9[%get3A_75, %get3A_76] : memref<64x24xf32, #tpu.memory_space<vmem>>, vector<64x24xf32>
      %dot_general3A_78 = arith.constant dense<0.000000e+00> : vector<64x24xf32>
      %dot_general3A_79 = tpu.matmul %add3A_74, %get3A_77, %dot_general3A_78 {dimension_numbers = #tpu.dot_dimension_numbers<[1], [0], [0], [1], [0, 0, 1, 1], [], []>, transpose_lhs_hint = false} : vector<64x64xf32>, vector<64x24xf32>, vector<64x24xf32> -> vector<64x24xf32>
      %get3A_80 = arith.constant 0 : index
      %get3A_81 = arith.constant 0 : index
      %get3A_82 = vector.load %arg10[%get3A_80, %get3A_81] : memref<1x24xf32, #tpu.memory_space<vmem>>, vector<1x24xf32>
      %add3A_83 = vector.broadcast %get3A_82 : vector<1x24xf32> to vector<64x24xf32>
      %add3A_84 = arith.addf %dot_general3A_79, %add3A_83 : vector<64x24xf32>
      %max3A_85 = arith.constant 0.000000e+00 : f32
      %max3A_86 = vector.broadcast %max3A_85 : f32 to vector<64x24xf32>
      %max3A_87 = arith.maximumf %add3A_84, %max3A_86 : vector<64x24xf32>
      %get3A_88 = arith.constant 0 : index
      %get3A_89 = arith.constant 0 : index
      %get3A_90 = vector.load %arg11[%get3A_88, %get3A_89] : memref<24x1xf32, #tpu.memory_space<vmem>>, vector<24x1xf32>
      %dot_general3A_91 = arith.constant dense<0.000000e+00> : vector<64x1xf32>
      %dot_general3A_92 = tpu.matmul %max3A_87, %get3A_90, %dot_general3A_91 {dimension_numbers = #tpu.dot_dimension_numbers<[1], [0], [0], [1], [0, 0, 1, 1], [], []>, transpose_lhs_hint = false} : vector<64x24xf32>, vector<24x1xf32>, vector<64x1xf32> -> vector<64x1xf32>
      %get3A_93 = arith.constant 0 : index
      %get3A_94 = arith.constant 0 : index
      %get3A_95 = vector.load %arg12[%get3A_93, %get3A_94] : memref<1x1xf32, #tpu.memory_space<vmem>>, vector<1x1xf32>
      %add3A_96 = vector.broadcast %get3A_95 : vector<1x1xf32> to vector<64x1xf32>
      %add3A_97 = arith.addf %dot_general3A_92, %add3A_96 : vector<64x1xf32>
      %swap3A_98 = arith.constant 0 : index
      %swap3A_99 = arith.constant 0 : index
      %swap3A_100 = vector.load %arg13[%swap3A_98, %swap3A_99] : memref<64x1xf32, #tpu.memory_space<vmem>>, vector<64x1xf32>
      tpu.vector_store %arg13[%swap3A_98, %swap3A_99], %add3A_97 {strides = array<i32>} : memref<64x1xf32, #tpu.memory_space<vmem>>, vector<64x1xf32>,
      %swap3A_101 = arith.constant 0 : index
      %swap3A_102 = arith.constant 0 : index
      %swap3A_103 = vector.load %arg14[%swap3A_101, %swap3A_102] : memref<64x64xf32, #tpu.memory_space<vmem>>, vector<64x64xf32>
      tpu.vector_store %arg14[%swap3A_101, %swap3A_102], %get3A_46 {strides = array<i32>} : memref<64x64xf32, #tpu.memory_space<vmem>>, vector<64x64xf32>,
    } else {
    }
    return
  }
  func.func @transform_0(%arg0: i32) -> (i32, i32) {
    %c0_i32 = arith.constant 0 : i32
    %c0_i32_0 = arith.constant 0 : i32
    return %arg0, %c0_i32 : i32, i32
  }
  func.func @transform_1(%arg0: i32) -> (i32, i32) {
    %add3A = arith.constant 5 : i32
    %add3A_0 = arith.addi %add3A, %arg0 : i32
    %c0_i32 = arith.constant 0 : i32
    %c0_i32_1 = arith.constant 0 : i32
    return %add3A_0, %c0_i32 : i32, i32
  }
  func.func @transform_2(%arg0: i32) -> (i32, i32) {
    %c0_i32 = arith.constant 0 : i32
    %c0_i32_0 = arith.constant 0 : i32
    return %arg0, %c0_i32 : i32, i32
  }
  func.func @transform_3(%arg0: i32) -> (i32, i32) {
    %c0_i32 = arith.constant 0 : i32
    %c0_i32_0 = arith.constant 0 : i32
    return %arg0, %c0_i32 : i32, i32
  }
  func.func @transform_4(%arg0: i32) -> (i32, i32) {
    %c0_i32 = arith.constant 0 : i32
    %c0_i32_0 = arith.constant 0 : i32
    %c0_i32_1 = arith.constant 0 : i32
    return %c0_i32, %c0_i32_0 : i32, i32
  }
  func.func @transform_5(%arg0: i32) -> (i32, i32, i32) {
    %c0_i32 = arith.constant 0 : i32
    %c0_i32_0 = arith.constant 0 : i32
    %c0_i32_1 = arith.constant 0 : i32
    return %arg0, %c0_i32, %c0_i32_0 : i32, i32, i32
  }
  func.func @transform_6(%arg0: i32) -> (i32, i32) {
    %c0_i32 = arith.constant 0 : i32
    %c0_i32_0 = arith.constant 0 : i32
    %c0_i32_1 = arith.constant 0 : i32
    return %c0_i32, %c0_i32_0 : i32, i32
  }
  func.func @transform_7(%arg0: i32) -> (i32, i32) {
    %c0_i32 = arith.constant 0 : i32
    %c0_i32_0 = arith.constant 0 : i32
    %c0_i32_1 = arith.constant 0 : i32
    return %c0_i32, %c0_i32_0 : i32, i32
  }
  func.func @transform_8(%arg0: i32) -> (i32, i32) {
    %c0_i32 = arith.constant 0 : i32
    %c0_i32_0 = arith.constant 0 : i32
    %c0_i32_1 = arith.constant 0 : i32
    return %c0_i32, %c0_i32_0 : i32, i32
  }
  func.func @transform_9(%arg0: i32) -> (i32, i32) {
    %c0_i32 = arith.constant 0 : i32
    %c0_i32_0 = arith.constant 0 : i32
    %c0_i32_1 = arith.constant 0 : i32
    return %c0_i32, %c0_i32_0 : i32, i32
  }
  func.func @transform_10(%arg0: i32) -> (i32, i32) {
    %c0_i32 = arith.constant 0 : i32
    %c0_i32_0 = arith.constant 0 : i32
    %c0_i32_1 = arith.constant 0 : i32
    return %c0_i32, %c0_i32_0 : i32, i32
  }
  func.func @transform_11(%arg0: i32) -> (i32, i32) {
    %c0_i32 = arith.constant 0 : i32
    %c0_i32_0 = arith.constant 0 : i32
    %c0_i32_1 = arith.constant 0 : i32
    return %c0_i32, %c0_i32_0 : i32, i32
  }
  func.func @transform_12(%arg0: i32) -> (i32, i32) {
    %c0_i32 = arith.constant 0 : i32
    %c0_i32_0 = arith.constant 0 : i32
    %c0_i32_1 = arith.constant 0 : i32
    return %c0_i32, %c0_i32_0 : i32, i32
  }
  func.func @transform_13(%arg0: i32) -> (i32, i32) {
    %c0_i32 = arith.constant 0 : i32
    %c0_i32_0 = arith.constant 0 : i32
    %c0_i32_1 = arith.constant 0 : i32
    return %c0_i32, %c0_i32_0 : i32, i32
  }
}

</mosaic_0001>

<sc_bundles>
// kernel: kernel.12.cloned.1.call-start
scs
__scs_entry_jumppad:
0x0: {  	(pc) =	sbr.rel $0x88, $3  }
0x1: {  	(tag) =	ssettag $0x0;
	lr =	simm.s32 $0x1  }
0x2: {  	[smem:$0x3F94] =	sst lr;
	_ =	strace $0xD0000000  }
0x3: {  	_ = 	snop  }
0x4: {  	_ = 	snop  }
0x5: {  	_ = 	snop  }
0x6: {  	_ = 	snop  }
0x7: {  	_ = 	snop  }
__scs_overlays_trampoline_lowered:
0x8: {  	[smem:$0x3FA3] =	sst s0  }
0x9: {  	[smem:$0x3FA4] =	sst s1  }
0xa: {  	[smem:$0x3FA5] =	sst s2  }
0xb: {  	[smem:$0x3FA6] =	sst s3  }
0xc: {  	[smem:$0x3FA7] =	sst s4  }
0xd: {  	[smem:$0x3FA8] =	sst s5  }
0xe: {  	[smem:$0x3FA9] =	sst s6  }
0xf: {  	[smem:$0x3FAA] =	sst s7  }
0x10: {  	[smem:$0x3FAB] =	sst s8  }
0x11: {  	[smem:$0x3FAC] =	sst s9;
	s0 =	simm.s32 @!p0 $0x0  }
0x12: {  	s1 =	sld [smem:$0x3F92];
	s0 =	simm.s32 @p0 $0x1  }
0x13: {  	[smem:$0x3FAD] =	sst s0;
	s0 =	simm.s32 @!p1 $0x0  }
0x14: {  	s2 =	sld [smem:$0x3F91];
	s0 =	simm.s32 @p1 $0x1  }
0x15: {  	[smem:$0x3FAE] =	sst s0;
	s0 =	simm.s32 @!p2 $0x0  }
0x16: {  	s3 =	sld [smem:$0x3FDB];
	s0 =	simm.s32 @p2 $0x1  }
0x17: {  	s4 =	simm.s32 $0x1BF5;
	[smem:$0x3FB0] =	sst s0  }
0x18: {  	s0 =	sld [smem:$0x3F93];
	_ =	swait.ge [sflag:s4], $0x0  }
0x19: {  	s7 =	sld [smem:$0x3F94]  }
0x1a: {  	s8 =	sadd.s32 $0xFFFFE003, lr  }
0x1b: {  	s9 =	sadd.s32 $0xFFFFFEF7, lr;
	s5 =	simm.s32 $0xFFFFFFFF;
	p2 =	slt.u32 s8, $0xFFFFF086  }
0x1c: {  	p1 =	slt.u32 s9, $0xF7A;
	s5 =	simm.s32 @!p2 $0x0  }
0x1d: {  	s5 =	simm.s32 @p1 $0x1;
	p0 =	seq.s32 s7, s2  }
0x1e: {  	s7 =	smul.u32 @!p0 $0xF7A, s2;
	p2 =	seq.s32 @!p0 s5, $0x0  }
0x1f: {  	s9 =	smul.u32 $0xF7A, s1;
	s8 =	simm.s32 @!p0 $0x1BF5;
	p2 =	por !p2, p0  }
0x20: {  	[sflag:s8] =	ssyncset.s32 @!p0 $0xFFFFF086;
	s6 =	sadd.s32 @!p0 s3, s7;
	s7 =	simm.s32 @!p0 $0x108  }
0x21: {  	s3 =	sadd.s32 s3, s9;
	s6 =	sadd.s32 @!p0 $0x88, s6;
	s7 =	simm.s32 @p2 $0x1082  }
0x22: {  	[simem:s7], [sflag:s8] =	dma.local @!p0 [hbm:s6], $0xF7A  }
0x23: {  	s9 =	sor.u32 $0xD0000000, s2;
	s6 =	simm.s32 $0x108;
	_ =	swait.ge @!p0 [sflag:s8], $0x0  }
0x24: {  	s3 =	sadd.s32 $0x88, s3;
	s6 =	simm.s32 @!p1 $0x1082;
	[sflag:s4] =	ssyncset.s32 $0xFFFFF086  }
0x25: {  	[simem:s6], [sflag:s4] =	dma.local [hbm:s3], $0xF7A  }
0x26: {  	[smem:$0x3F94] =	sst s1;
	(tag) =	ssettag s2;
	_ =	strace s9  }
0x27: {  	s1 =	sld [smem:$0x3FA4]  }
0x28: {  	s2 =	sld [smem:$0x3FA5]  }
0x29: {  	s4 =	sld [smem:$0x3FA7]  }
0x2a: {  	p0 =	seq.s32 s5, $0x0;
	s5 =	sld [smem:$0x3FA8]  }
0x2b: {  	s6 =	sld [smem:$0x3FA9]  }
0x2c: {  	s7 =	sld [smem:$0x3FAA]  }
0x2d: {  	s3 =	simm.s32 $0x108;
	s8 =	sld [smem:$0x3FAB]  }
0x2e: {  	s3 =	simm.s32 @!p0 $0x1082;
	s9 =	sld [smem:$0x3FAC]  }
0x2f: {  	lr =	sadd.s32 s0, s3;
	s0 =	sld [smem:$0x3FA3]  }
0x30: {  	s3 =	sld [smem:$0x3FA6]  }
0x31: {  	[smem:$0x3FAF] =	sst s10  }
0x32: {  	s10 =	sld [smem:$0x3FAD];
	_ =	sdelay $0x3  }
0x33: {  	p0 =	seq.s32 s10, $0x1;
	s10 =	sld [smem:$0x3FAF];
	_ =	sdelay $0x3  }
0x34: {  	[smem:$0x3FAF] =	sst s10  }
0x35: {  	s10 =	sld [smem:$0x3FAE];
	_ =	sdelay $0x3  }
0x36: {  	p1 =	seq.s32 s10, $0x1;
	s10 =	sld [smem:$0x3FAF];
	_ =	sdelay $0x3  }
0x37: {  	[smem:$0x3FAF] =	sst s10  }
0x38: {  	s10 =	sld [smem:$0x3FB0]  }
0x39: {  	_ = 	snop;
	(pc) =	sbr.ind lr, $3  }
0x3a: {  	_ = 	snop  }
0x3b: {  	_ = 	snop  }
0x3c: {  	p2 =	seq.s32 s10, $0x1;
	s10 =	sld [smem:$0x3FAF]  }
0x3d: {  	_ =	shalt  }
0x3e: {  	_ =	shalt  }
0x3f: {  	_ =	shalt  }
0x40: {  	_ =	shalt  }
0x41: {  	_ =	shalt  }
0x42: {  	_ =	shalt  }
0x43: {  	_ =	shalt  }
0x44: {  	_ =	shalt  }
0x45: {  	_ =	shalt  }
0x46: {  	_ =	shalt  }
0x47: {  	_ =	shalt  }
0x48: {  	_ =	shalt  }
0x49: {  	_ =	shalt  }
0x4a: {  	_ =	shalt  }
0x4b: {  	_ =	shalt  }
0x4c: {  	_ =	shalt  }
0x4d: {  	_ =	shalt  }
0x4e: {  	_ =	shalt  }
0x4f: {  	_ =	shalt  }
0x50: {  	_ =	shalt  }
0x51: {  	_ =	shalt  }
0x52: {  	_ =	shalt  }
0x53: {  	_ =	shalt  }
0x54: {  	_ =	shalt  }
0x55: {  	_ =	shalt  }
0x56: {  	_ =	shalt  }
0x57: {  	_ =	shalt  }
0x58: {  	_ =	shalt  }
0x59: {  	_ =	shalt  }
0x5a: {  	_ =	shalt  }
0x5b: {  	_ =	shalt  }
0x5c: {  	_ =	shalt  }
0x5d: {  	_ =	shalt  }
0x5e: {  	_ =	shalt  }
0x5f: {  	_ =	shalt  }
0x60: {  	_ =	shalt  }
0x61: {  	_ =	shalt  }
0x62: {  	_ =	shalt  }
0x63: {  	_ =	shalt  }
0x64: {  	_ =	shalt  }
0x65: {  	_ =	shalt  }
0x66: {  	_ =	shalt  }
0x67: {  	_ =	shalt  }
0x68: {  	_ =	shalt  }
0x69: {  	_ =	shalt  }
0x6a: {  	_ =	shalt  }
0x6b: {  	_ =	shalt  }
0x6c: {  	_ =	shalt  }
0x6d: {  	_ =	shalt  }
0x6e: {  	_ =	shalt  }
0x6f: {  	_ =	shalt  }
0x70: {  	_ =	shalt  }
0x71: {  	_ =	shalt  }
0x72: {  	_ =	shalt  }
0x73: {  	_ =	shalt  }
0x74: {  	_ =	shalt  }
0x75: {  	_ =	shalt  }
0x76: {  	_ =	shalt  }
0x77: {  	_ =	shalt  }
0x78: {  	_ =	shalt  }
0x79: {  	_ =	shalt  }
0x7a: {  	_ =	shalt  }
0x7b: {  	_ =	shalt  }
0x7c: {  	_ =	shalt  }
0x7d: {  	_ =	shalt  }
0x7e: {  	_ =	shalt  }
0x7f: {  	_ =	shalt  }
0x80: {  	_ =	shalt  }
0x81: {  	_ =	shalt  }
0x82: {  	_ =	shalt  }
0x83: {  	_ =	shalt  }
0x84: {  	_ =	shalt  }
0x85: {  	_ =	shalt  }
0x86: {  	_ =	shalt  }
0x87: {  	_ =	shalt  }
.Lfunc_end0:
.L_simem_size_0:
called_computation.1_lowered:
.L_overlay_start_0:
0x88: {  	s2 =	sld [smem:$0x3FD9]  }
0x89: {  	s3 =	sld [smem:$0x3FFE];
	_ =	sdelay $0x1  }
0x8a: {  	s1 =	srdreg.scid  }
0x8b: {  	s0 =	sand.u32 $0x1, s1  }
0x8c: {  	s16 =	sshll.u32 s0, $0xA;
	s2 =	sadd.s32 s3, s2  }
0x8d: {  	s2 =	sadd.s32 s2, s16  }
0x8e: {  	[smem:$0x3FBB] =	sst s2  }
0x8f: {  	_ = 	snop  }
0x90: {  	(tm) =	ssettm $0x1  }
0x91: {  	s17 =	sld [smem:$0x3FFB];
	_ =	sdelay $0x3  }
0x92: {  	_ =	strace s17  }
0x93: {  	s2 =	sld [smem:$0x3FFC];
	_ =	sdelay $0x3  }
0x94: {  	_ =	strace s2  }
0x95: {  	s2 =	sld [smem:$0x3FFD];
	_ =	sdelay $0x3  }
0x96: {  	_ =	strace s2  }
0x97: {  	_ =	strace $0x8FFFFFFF  }
0x98: {  	s18 =	sld [smem:$0x3FDB];
	_ =	sdelay $0x1  }
0x99: {  	s19 =	simm.s32 $_scs_section_size  }
0x9a: {  	s4 =	simm.s32 $_size__tile_overlayer_lowered;
	s5 =	simm.s32 $_tile_overlayer_lowered  }
0x9b: {  	s22 =	simm.s32 $0x1BFF;
	s21 =	sshll.u32 s5, $0x1;
	s2 =	sadd.s32 s19, s18  }
0x9c: {  	s6 =	simm.s32 $0x0;
	s20 =	sshll.u32 s4, $0x1;
	s4 =	sadd.s32 s21, s2  }
0x9d: {  	[timem:s6], [sflag:s22] =	dma.local [hbm:s4], s20  }
0x9e: {  	_ =	swait.ge [sflag:s22], s20  }
0x9f: {  	s3 =	ssub.s32 $0x0, s20;
	[sflag:s22] =	ssyncset.done $0x0  }
0xa0: {  	[sflag:s22] =	ssyncadd.s32 s3;
	_ =	sdelay $0x1  }
0xa1: {  	s23 =	simm.s32 $0x1B8B  }
0xa2: {  	_ =	swait.ge [sflag:s23], $0x1  }
0xa3: {  	[sflag:s23] =	ssyncset.done $0x0  }
0xa4: {  	s25 =	simm.s32 $0x1B8E;
	s24 =	sld [smem:$0x3FFE];
	[sflag:s23] =	ssyncadd.s32 $0xFFFFFFFF  }
0xa5: {  	s26 =	simm.s32 $execute0_lowered;
	[smem:$0x3FD2] =	sst s25  }
0xa6: {  	s4 =	sshll.u32 s26, $0x1;
	_ =	strace $0x80000049;
	[dreg:$0x1] =	wrdreg $0xFFFFFFFF  }
0xa7: {  	s28 =	simm.s32 $_size_execute0_lowered;
	s2 =	sadd.s32 s2, s4;
	[dreg:$0x0] =	wrdreg $0x0  }
0xa8: {  	s4 =	sshll.u32 s28, $0x1;
	[dreg:$0x2] =	wrdreg s2  }
0xa9: {  	[dreg:$0x3] =	wrdreg s4  }
0xaa: {  	[dreg:$0x4] =	wrdreg $0xC0  }
0xab: {  	_ =	task [dreg:s6], $0x5FFFF  }
0xac: {  	[dreg:$0x1] =	wrdreg $0xFFFFFFFF  }
0xad: {  	[dreg:$0x0] =	wrdreg $0x60  }
0xae: {  	[dreg:$0x2] =	wrdreg s24  }
0xaf: {  	[dreg:$0x3] =	wrdreg $0xC6200  }
0xb0: {  	[dreg:$0x4] =	wrdreg $0x9  }
0xb1: {  	_ =	task.clear_ibuf [dreg:s6], $0x5FFFF;
	_ =	strace $0x90000049  }
0xb2: {  	s29 =	simm.s32 $0x9;
	_ =	strace $0x8000004B  }
0xb3: {  	_ =	swait.ge [sflag:s29], $0x1  }
0xb4: {  	[sflag:s29] =	ssyncadd.s32 $0xFFFFFFFF  }
0xb5: {  	_ =	strace $0x9000004B  }
0xb6: {  	_ =	sfence  }
0xb7: {  	s30 =	sld [smem:$0x0];
	_ =	sdelay $0x2  }
0xb8: {  	s31 =	sshll.u32 s1, $0xD;
	s1 =	sshrl.u32 s1, $0x2  }
0xb9: {  	s3 =	sand.u32 $0x4000, s31;
	s1 =	sadd.s32 s1, s30  }
0xba: {  	s0 =	sor.u32 s3, s0;
	s1 =	sshll.u32 s1, $0x11  }
0xbb: {  	s0 =	sor.u32 s1, s0  }
0xbc: {  	s0 =	sadd.s32 $0x8F2B, s0  }
0xbd: {  	[sflag:s0] =	ssyncadd.remote.s32 $0x1  }
0xbe: {  	_ =	sfence.sel $0xFFFF  }
0xbf: {  	[dreg:$0x0] =	wrdreg $0xFFFFFFFF;
	(pc) =	sbr.abs _section_cstart, $3  }
0xc0: {  	[dreg:$0x1] =	wrdreg $0xFFFFFFFF  }
0xc1: {  	_ =	task.clear_ibuf [dreg:s6], $0x2FFFF;
	_ =	strace $0x9FFFFFFF  }
0xc2: {  	(tm) =	ssettm $0x7FFFFFFF  }
0xc3: {  	_ =	shalt  }
tec
execute0_lowered:
.L_overlay_start_1:
0x0: {  	(tag) =	ssettag $0x1  }
0x1: {  	s0 =	rddreg [dreg:$0x0]  }
0x2: {  	s2 =	rddreg [dreg:$0x1];
	s1 =	srdreg.scid;
	s3 =	simm.s32 $0x0  }
0x3: {  	s11 =	stileid.u32;
	s10 =	simm.s32 $0x7;
	s14 =	simm.s32 $0x50  }
0x4: {  	s15 =	simm.s32 $0x4E20;
	s16 =	simm.s32 $0x7620;
	s17 =	simm.s32 $0x1  }
0x5: {  	s19 =	simm.s32 $0x9E20;
	s20 =	simm.s32 $0x2;
	s21 =	simm.s32 $0x4  }
0x6: {  	s22 =	simm.s32 $0x3;
	s23 =	simm.s32 $0x5;
	s28 =	simm.s32 $0x4D30  }
0x7: {  	s29 =	simm.s32 $0x26C0;
	s30 =	simm.s32 $0x4D80;
	s31 =	simm.s32 $0x4DD0  }
0x8: {  	s1 =	sand.u32 $0x1, s1;
	[smem:$0x7FF] =	sst s3;
	s5 =	smul.u32 $0x2710, s11  }
0x9: {  	s8 =	smul.u32 $0x13880, s11;
	s26 =	sshll.u32 s11, $0x6;
	s4 =	sshll.u32 s1, $0x4  }
0xa: {  	_ =	strace $0x8000004A;
	s7 =	smul.u32 $0x27100, s1;
	s1 =	ssub.s32 $0x2, s1  }
0xb: {  	s12 =	sor.u32 $0x1C07, s26;
	s26 =	simm.s32 $0x2670;
	s6 =	sor.u32 s11, s4  }
0xc: {  	s4 =	sadd.s32 $0x20E00, s0;
	s24 =	sshrl.u32 s1, $0x1;
	s25 =	sshrl.u32 s8, $0x3  }
0xd: {  	s13 =	sadd.s32 s8, s2;
	s11 =	simm.s32 $0x2710;
	s6 =	smul.u32 $0x4E2, s6  }
0xe: {  	s5 =	sadd.s32 s5, s7;
	s1 =	ssub.s32 s1, s24;
	s7 =	sadd.s32 s4, s25  }
0xf: {  	s13 =	sshrl.u32 s13, $0x3;
	s24 =	simm.s32 $0x6;
	s6 =	sadd.s32 s6, s0  }
0x10: {  	s9 =	smax.u32 s1, $0x1;
	s0 =	sadd.s32 s5, s0;
	s5 =	sadd.s32 $0x3200, s6  }
0x11: {  	s6 =	sadd.s32 $0xD000, s6;
	s8 =	sadd.s32 $0x48000, s0;
	s0 =	simm.s32 $0x0  }
.LBB2_1:
0x12: {  	[tilespmem:s3], [sflag:$0x7] =	stream.linear.gather [hbm4b:s5+s3], $0x2710, $0x38;
	[tilespmem:$0x1FEA0] =	vst v63  }
0x13: {  	_ =	swait.ge [sflag:s10], $0x2710  }
0x14: {  	[sflag:s10] =	ssyncset.done $0x0  }
0x15: {  	[sflag:s10] =	ssyncadd.s32 $0xFFFFD8F0  }
0x16: {  	[tilespmem:s11], [sflag:$0x7] =	stream.linear.gather [hbm4b:s6+s3], $0x2710, $0x38;
	[tilespmem:$0x1FEA0] =	vst v63  }
0x17: {  	_ =	swait.ge [sflag:s10], $0x2710  }
0x18: {  	[sflag:s10] =	ssyncset.done $0x0  }
0x19: {  	[sflag:s10] =	ssyncadd.s32 $0xFFFFD8F0  }
0x1a: {  	[spmem:s13], [sflag:s12] =	dma.local [hbm:s7], $0x2710  }
0x1b: {  	_ =	swait.ge [sflag:s10], $0x2710  }
0x1c: {  	[sflag:s10] =	ssyncset.done $0x0  }
0x1d: {  	[sflag:s10] =	ssyncadd.s32 $0xFFFFD8F0  }
0x1e: {  	[bflag:$0x0] =	sbarrier.arrive $0xFFFF  }
0x1f: {  	[tilespmem:s15], [sflag:$0x1] =	stream.indirect.gather [hbm4b:s4+s14], $0x80, s3, s14, $0xb8;
	[tilespmem:$0x1FEA0] =	vst v63  }
0x20: {  	_ = 	snop  }
0x21: {  	[tilespmem:s16], [sflag:$0x2] =	stream.indirect.gather [hbm4b:s4+s14], $0x80, s14, s14, $0xb8;
	[tilespmem:$0x1FEA0] =	vst v63  }
0x22: {  	_ =	swait.ge [sflag:s17], $0x2800  }
0x23: {  	[sflag:s17] =	ssyncset.done $0x0  }
0x24: {  	[sflag:s17] =	ssyncadd.s32 $0xFFFFD800  }
0x25: {  	[spmem:s2] =	stream.indirect.scatter.add.f32 [tilespmem:s15], [sflag:$0x4], $0x80, s11, s14, $0xb8;
	[tilespmem:$0x1FEA0] =	vst v63  }
0x26: {  	s1 =	simm.s32 $0xA0  }
0x27: {  	[tilespmem:s19], [sflag:$0x3] =	stream.indirect.gather [hbm4b:s4+s14], $0x80, s1, s14, $0xb8;
	[tilespmem:$0x1FEA0] =	vst v63  }
0x28: {  	_ =	swait.ge [sflag:s20], $0x2800  }
0x29: {  	[sflag:s20] =	ssyncset.done $0x0  }
0x2a: {  	s25 =	simm.s32 $0x2760;
	[sflag:s20] =	ssyncadd.s32 $0xFFFFD800  }
0x2b: {  	[spmem:s2] =	stream.indirect.scatter.add.f32 [tilespmem:s16], [sflag:$0x5], $0x80, s25, s14, $0xb8;
	[tilespmem:$0x1FEA0] =	vst v63  }
0x2c: {  	_ =	swait.ge [sflag:s21], $0x2800  }
0x2d: {  	[sflag:s21] =	ssyncset.done $0x0  }
0x2e: {  	s18 =	simm.s32 $0xF0;
	[sflag:s21] =	ssyncadd.s32 $0xFFFFD800  }
0x2f: {  	[tilespmem:s15], [sflag:$0x1] =	stream.indirect.gather [hbm4b:s4+s14], $0x80, s18, s14, $0xb8;
	[tilespmem:$0x1FEA0] =	vst v63  }
0x30: {  	_ =	swait.ge [sflag:s22], $0x2800  }
0x31: {  	[sflag:s22] =	ssyncset.done $0x0  }
0x32: {  	s25 =	simm.s32 $0x27B0;
	[sflag:s22] =	ssyncadd.s32 $0xFFFFD800  }
0x33: {  	[spmem:s2] =	stream.indirect.scatter.add.f32 [tilespmem:s19], [sflag:$0x6], $0x80, s25, s14, $0xb8;
	[tilespmem:$0x1FEA0] =	vst v63  }
0x34: {  	_ =	swait.ge [sflag:s23], $0x2800  }
0x35: {  	[sflag:s23] =	ssyncset.done $0x0  }
0x36: {  	s18 =	simm.s32 $0x140;
	[sflag:s23] =	ssyncadd.s32 $0xFFFFD800  }
0x37: {  	[tilespmem:s16], [sflag:$0x2] =	stream.indirect.gather [hbm4b:s4+s14], $0x80, s18, s14, $0xb8;
	[tilespmem:$0x1FEA0] =	vst v63  }
0x38: {  	_ =	swait.ge [sflag:s17], $0x2800  }
0x39: {  	[sflag:s17] =	ssyncset.done $0x0  }
0x3a: {  	s25 =	simm.s32 $0x2800;
	[sflag:s17] =	ssyncadd.s32 $0xFFFFD800  }
0x3b: {  	[spmem:s2] =	stream.indirect.scatter.add.f32 [tilespmem:s15], [sflag:$0x4], $0x80, s25, s14, $0xb8;
	[tilespmem:$0x1FEA0] =	vst v63  }
0x3c: {  	_ =	swait.ge [sflag:s24], $0x2800  }
0x3d: {  	[sflag:s24] =	ssyncset.done $0x0  }
0x3e: {  	s1 =	simm.s32 $0x3C0;
	s18 =	simm.s32 $0x190;
	[sflag:s24] =	ssyncadd.s32 $0xFFFFD800  }
.LBB2_2:
0x3f: {  	[tilespmem:s19], [sflag:$0x3] =	stream.indirect.gather [hbm4b:s4+s14], $0x80, s18, s14, $0xb8;
	[tilespmem:$0x1FEA0] =	vst v63  }
0x40: {  	s18 =	smov.u32 s1  }
0x41: {  	p0 =	sne.s32 s1, $0x9240;
	s1 =	sadd.s32 $0x3C0, s1;
	_ =	swait.ge [sflag:s20], $0x2800  }
0x42: {  	s18 =	sshra.s32 s18, $0x2;
	[sflag:s20] =	ssyncset.done $0x0  }
0x43: {  	s25 =	sadd.s32 $0x2760, s18;
	[sflag:s20] =	ssyncadd.s32 $0xFFFFD800  }
0x44: {  	[spmem:s2] =	stream.indirect.scatter.add.f32 [tilespmem:s16], [sflag:$0x5], $0x80, s25, s14, $0xb8;
	[tilespmem:$0x1FEA0] =	vst v63  }
0x45: {  	_ =	swait.ge [sflag:s21], $0x2800  }
0x46: {  	[sflag:s21] =	ssyncset.done $0x0  }
0x47: {  	s25 =	sadd.s32 $0xF0, s18;
	[sflag:s21] =	ssyncadd.s32 $0xFFFFD800  }
0x48: {  	[tilespmem:s15], [sflag:$0x1] =	stream.indirect.gather [hbm4b:s4+s14], $0x80, s25, s14, $0xb8;
	[tilespmem:$0x1FEA0] =	vst v63  }
0x49: {  	_ =	swait.ge [sflag:s22], $0x2800  }
0x4a: {  	[sflag:s22] =	ssyncset.done $0x0  }
0x4b: {  	s25 =	sadd.s32 $0x27B0, s18;
	[sflag:s22] =	ssyncadd.s32 $0xFFFFD800  }
0x4c: {  	[spmem:s2] =	stream.indirect.scatter.add.f32 [tilespmem:s19], [sflag:$0x6], $0x80, s25, s14, $0xb8;
	[tilespmem:$0x1FEA0] =	vst v63  }
0x4d: {  	_ =	swait.ge [sflag:s23], $0x2800  }
0x4e: {  	[sflag:s23] =	ssyncset.done $0x0  }
0x4f: {  	s25 =	sadd.s32 $0x140, s18;
	[sflag:s23] =	ssyncadd.s32 $0xFFFFD800  }
0x50: {  	[tilespmem:s16], [sflag:$0x2] =	stream.indirect.gather [hbm4b:s4+s14], $0x80, s25, s14, $0xb8;
	[tilespmem:$0x1FEA0] =	vst v63  }
0x51: {  	_ =	swait.ge [sflag:s17], $0x2800  }
0x52: {  	[sflag:s17] =	ssyncset.done $0x0  }
.Ltmp0:
0x53: {  	s25 =	sadd.s32 $0x2800, s18;
	[sflag:s17] =	ssyncadd.s32 $0xFFFFD800;
	(pc) =	sbr.rel @p0 .LBB2_2-.Ltmp0, $4  }
0x54: {  	[spmem:s2] =	stream.indirect.scatter.add.f32 [tilespmem:s15], [sflag:$0x4], $0x80, s25, s14, $0xb8;
	[tilespmem:$0x1FEA0] =	vst v63  }
0x55: {  	_ =	swait.ge [sflag:s24], $0x2800  }
0x56: {  	[sflag:s24] =	ssyncset.done $0x0  }
0x57: {  	s18 =	sadd.s32 $0x190, s18;
	[sflag:s24] =	ssyncadd.s32 $0xFFFFD800  }
0x58: {  	[tilespmem:s19], [sflag:$0x3] =	stream.indirect.gather [hbm4b:s4+s14], $0x80, s18, s14, $0xb8;
	[tilespmem:$0x1FEA0] =	vst v63  }
0x59: {  	_ =	swait.ge [sflag:s20], $0x2800  }
0x5a: {  	[sflag:s20] =	ssyncset.done $0x0  }
0x5b: {  	s1 =	simm.s32 $0x4CE0;
	[sflag:s20] =	ssyncadd.s32 $0xFFFFD800  }
0x5c: {  	[spmem:s2] =	stream.indirect.scatter.add.f32 [tilespmem:s16], [sflag:$0x5], $0x80, s1, s14, $0xb8;
	[tilespmem:$0x1FEA0] =	vst v63  }
0x5d: {  	_ =	swait.ge [sflag:s21], $0x2800  }
0x5e: {  	[sflag:s21] =	ssyncset.done $0x0  }
0x5f: {  	[sflag:s21] =	ssyncadd.s32 $0xFFFFD800  }
0x60: {  	[tilespmem:s15], [sflag:$0x1] =	stream.indirect.gather [hbm4b:s4+s14], $0x80, s26, s14, $0xb8;
	[tilespmem:$0x1FEA0] =	vst v63  }
0x61: {  	_ =	swait.ge [sflag:s22], $0x2800  }
0x62: {  	[sflag:s22] =	ssyncset.done $0x0  }
0x63: {  	[sflag:s22] =	ssyncadd.s32 $0xFFFFD800  }
0x64: {  	[spmem:s2] =	stream.indirect.scatter.add.f32 [tilespmem:s19], [sflag:$0x6], $0x80, s28, s14, $0xb8;
	[tilespmem:$0x1FEA0] =	vst v63  }
0x65: {  	_ =	swait.ge [sflag:s23], $0x2800  }
0x66: {  	[sflag:s23] =	ssyncset.done $0x0  }
0x67: {  	[sflag:s23] =	ssyncadd.s32 $0xFFFFD800  }
0x68: {  	[tilespmem:s16], [sflag:$0x2] =	stream.indirect.gather [hbm4b:s4+s14], $0x80, s29, s14, $0xb8;
	[tilespmem:$0x1FEA0] =	vst v63  }
0x69: {  	_ =	swait.ge [sflag:s17], $0x2800  }
0x6a: {  	[sflag:s17] =	ssyncset.done $0x0  }
0x6b: {  	[sflag:s17] =	ssyncadd.s32 $0xFFFFD800  }
0x6c: {  	[spmem:s2] =	stream.indirect.scatter.add.f32 [tilespmem:s15], [sflag:$0x4], $0x80, s30, s14, $0xb8;
	[tilespmem:$0x1FEA0] =	vst v63  }
0x6d: {  	_ =	swait.ge [sflag:s20], $0x2800  }
0x6e: {  	[sflag:s20] =	ssyncset.done $0x0  }
0x6f: {  	[sflag:s20] =	ssyncadd.s32 $0xFFFFD800  }
0x70: {  	[spmem:s2] =	stream.indirect.scatter.add.f32 [tilespmem:s16], [sflag:$0x5], $0x80, s31, s14, $0xb8;
	[tilespmem:$0x1FEA0] =	vst v63  }
0x71: {  	_ =	swait.ge [sflag:s24], $0x2800  }
0x72: {  	[sflag:s24] =	ssyncset.done $0x0  }
0x73: {  	[sflag:s24] =	ssyncadd.s32 $0xFFFFD800  }
0x74: {  	_ =	swait.ge [sflag:s21], $0x2800  }
0x75: {  	[sflag:s21] =	ssyncset.done $0x0  }
0x76: {  	[sflag:s21] =	ssyncadd.s32 $0xFFFFD800  }
0x77: {  	_ =	swait.ge [sflag:s23], $0x2800  }
0x78: {  	s0 =	sadd.s32 $0x1, s0;
	[sflag:s23] =	ssyncset.done $0x0  }
0x79: {  	p0 =	sne.s32 s0, s9;
	[sflag:s23] =	ssyncadd.s32 $0xFFFFD800  }
.Ltmp1:
0x7a: {  	[bflag:$0x0] =	sbarrier.arrive $0xFFFF;
	(pc) =	sbr.rel @p0 .LBB2_1-.Ltmp1, $4  }
0x7b: {  	[hbm:s8], [sflag:s12] =	dma.local [spmem:s13], $0x2710  }
0x7c: {  	_ =	swait.ge [sflag:s10], $0x2710  }
0x7d: {  	[sflag:s10] =	ssyncset.done $0x0  }
0x7e: {  	[sflag:s10] =	ssyncadd.s32 $0xFFFFD8F0  }
0x7f: {  	_ =	sfence.sel $0x180000  }
0x80: {  	[bflag:$0x0] =	sbarrier.arrive $0xFFFF  }
0x81: {  	_ =	strace $0x9000004A  }
0x82: {  	s0 =	stileid.u32;
	[bflag:$0x2] =	sbarrier.arrive $0xFFFF  }
0x83: {  	p0 =	sne.s32 s0, $0x0;
	s0 =	rddreg [dreg:$0x2]  }
0x84: {  	s0 =	sadd.s32 @!p0 $0x100000, s0  }
0x85: {  	[sflag:s0] =	ssyncadd.tile.s32 @!p0 $0x1;
	_ =	shalt  }
.Lfunc_end2:
_tile_overlayer_lowered:
.L_overlay_start_2:
0x86: {  	(tag) =	ssettag $0x2  }
0x87: {  	s0 =	rddreg [dreg:$0x0];
	s2 =	stileid.u32  }
0x88: {  	s1 =	rddreg [dreg:$0x1];
	p0 =	sne.s32 s2, $0x0  }
0x89: {  	s3 =	rddreg [dreg:$0x2];
	[bflag:$0x3] =	sbarrier.arrive $0xFFFF;
	s2 =	simm.s32 @!p0 $0x1C07  }
0x8a: {  	[timem:s3], [sflag:s2] =	dma.local @!p0 [hbm:s0], s1  }
0x8b: {  	s0 =	simm.s32 @!p0 $0x7  }
0x8c: {  	_ =	swait.ge @!p0 [sflag:s0], s1  }
0x8d: {  	s1 =	ssub.s32 @!p0 $0x0, s1;
	[sflag:s0] =	ssyncset.done @!p0 $0x0  }
0x8e: {  	[sflag:s0] =	ssyncadd.s32 @!p0 s1  }
0x8f: {  	[bflag:$0x3] =	sbarrier.arrive $0xFFFF  }
0x90: {  	_ =	shalt  }

// kernel: kernel.15.cloned.1.call-start
scs
__scs_entry_jumppad:
0x0: {  	(pc) =	sbr.rel $0x88, $3  }
0x1: {  	(tag) =	ssettag $0x0;
	lr =	simm.s32 $0x1  }
0x2: {  	[smem:$0x3F94] =	sst lr;
	_ =	strace $0xD0000000  }
0x3: {  	_ = 	snop  }
0x4: {  	_ = 	snop  }
0x5: {  	_ = 	snop  }
0x6: {  	_ = 	snop  }
0x7: {  	_ = 	snop  }
__scs_overlays_trampoline_lowered:
0x8: {  	[smem:$0x3FA3] =	sst s0  }
0x9: {  	[smem:$0x3FA4] =	sst s1  }
0xa: {  	[smem:$0x3FA5] =	sst s2  }
0xb: {  	[smem:$0x3FA6] =	sst s3  }
0xc: {  	[smem:$0x3FA7] =	sst s4  }
0xd: {  	[smem:$0x3FA8] =	sst s5  }
0xe: {  	[smem:$0x3FA9] =	sst s6  }
0xf: {  	[smem:$0x3FAA] =	sst s7  }
0x10: {  	[smem:$0x3FAB] =	sst s8  }
0x11: {  	[smem:$0x3FAC] =	sst s9;
	s0 =	simm.s32 @!p0 $0x0  }
0x12: {  	s1 =	sld [smem:$0x3F92];
	s0 =	simm.s32 @p0 $0x1  }
0x13: {  	[smem:$0x3FAD] =	sst s0;
	s0 =	simm.s32 @!p1 $0x0  }
0x14: {  	s2 =	sld [smem:$0x3F91];
	s0 =	simm.s32 @p1 $0x1  }
0x15: {  	[smem:$0x3FAE] =	sst s0;
	s0 =	simm.s32 @!p2 $0x0  }
0x16: {  	s3 =	sld [smem:$0x3FDB];
	s0 =	simm.s32 @p2 $0x1  }
0x17: {  	s4 =	simm.s32 $0x1BF5;
	[smem:$0x3FB0] =	sst s0  }
0x18: {  	s0 =	sld [smem:$0x3F93];
	_ =	swait.ge [sflag:s4], $0x0  }
0x19: {  	s7 =	sld [smem:$0x3F94]  }
0x1a: {  	s8 =	sadd.s32 $0xFFFFE003, lr  }
0x1b: {  	s9 =	sadd.s32 $0xFFFFFEF7, lr;
	s5 =	simm.s32 $0xFFFFFFFF;
	p2 =	slt.u32 s8, $0xFFFFF086  }
0x1c: {  	p1 =	slt.u32 s9, $0xF7A;
	s5 =	simm.s32 @!p2 $0x0  }
0x1d: {  	s5 =	simm.s32 @p1 $0x1;
	p0 =	seq.s32 s7, s2  }
0x1e: {  	s7 =	smul.u32 @!p0 $0xF7A, s2;
	p2 =	seq.s32 @!p0 s5, $0x0  }
0x1f: {  	s9 =	smul.u32 $0xF7A, s1;
	s8 =	simm.s32 @!p0 $0x1BF5;
	p2 =	por !p2, p0  }
0x20: {  	[sflag:s8] =	ssyncset.s32 @!p0 $0xFFFFF086;
	s6 =	sadd.s32 @!p0 s3, s7;
	s7 =	simm.s32 @!p0 $0x108  }
0x21: {  	s3 =	sadd.s32 s3, s9;
	s6 =	sadd.s32 @!p0 $0x88, s6;
	s7 =	simm.s32 @p2 $0x1082  }
0x22: {  	[simem:s7], [sflag:s8] =	dma.local @!p0 [hbm:s6], $0xF7A  }
0x23: {  	s9 =	sor.u32 $0xD0000000, s2;
	s6 =	simm.s32 $0x108;
	_ =	swait.ge @!p0 [sflag:s8], $0x0  }
0x24: {  	s3 =	sadd.s32 $0x88, s3;
	s6 =	simm.s32 @!p1 $0x1082;
	[sflag:s4] =	ssyncset.s32 $0xFFFFF086  }
0x25: {  	[simem:s6], [sflag:s4] =	dma.local [hbm:s3], $0xF7A  }
0x26: {  	[smem:$0x3F94] =	sst s1;
	(tag) =	ssettag s2;
	_ =	strace s9  }
0x27: {  	s1 =	sld [smem:$0x3FA4]  }
0x28: {  	s2 =	sld [smem:$0x3FA5]  }
0x29: {  	s4 =	sld [smem:$0x3FA7]  }
0x2a: {  	p0 =	seq.s32 s5, $0x0;
	s5 =	sld [smem:$0x3FA8]  }
0x2b: {  	s6 =	sld [smem:$0x3FA9]  }
0x2c: {  	s7 =	sld [smem:$0x3FAA]  }
0x2d: {  	s3 =	simm.s32 $0x108;
	s8 =	sld [smem:$0x3FAB]  }
0x2e: {  	s3 =	simm.s32 @!p0 $0x1082;
	s9 =	sld [smem:$0x3FAC]  }
0x2f: {  	lr =	sadd.s32 s0, s3;
	s0 =	sld [smem:$0x3FA3]  }
0x30: {  	s3 =	sld [smem:$0x3FA6]  }
0x31: {  	[smem:$0x3FAF] =	sst s10  }
0x32: {  	s10 =	sld [smem:$0x3FAD];
	_ =	sdelay $0x3  }
0x33: {  	p0 =	seq.s32 s10, $0x1;
	s10 =	sld [smem:$0x3FAF];
	_ =	sdelay $0x3  }
0x34: {  	[smem:$0x3FAF] =	sst s10  }
0x35: {  	s10 =	sld [smem:$0x3FAE];
	_ =	sdelay $0x3  }
0x36: {  	p1 =	seq.s32 s10, $0x1;
	s10 =	sld [smem:$0x3FAF];
	_ =	sdelay $0x3  }
0x37: {  	[smem:$0x3FAF] =	sst s10  }
0x38: {  	s10 =	sld [smem:$0x3FB0]  }
0x39: {  	_ = 	snop;
	(pc) =	sbr.ind lr, $3  }
0x3a: {  	_ = 	snop  }
0x3b: {  	_ = 	snop  }
0x3c: {  	p2 =	seq.s32 s10, $0x1;
	s10 =	sld [smem:$0x3FAF]  }
0x3d: {  	_ =	shalt  }
0x3e: {  	_ =	shalt  }
0x3f: {  	_ =	shalt  }
0x40: {  	_ =	shalt  }
0x41: {  	_ =	shalt  }
0x42: {  	_ =	shalt  }
0x43: {  	_ =	shalt  }
0x44: {  	_ =	shalt  }
0x45: {  	_ =	shalt  }
0x46: {  	_ =	shalt  }
0x47: {  	_ =	shalt  }
0x48: {  	_ =	shalt  }
0x49: {  	_ =	shalt  }
0x4a: {  	_ =	shalt  }
0x4b: {  	_ =	shalt  }
0x4c: {  	_ =	shalt  }
0x4d: {  	_ =	shalt  }
0x4e: {  	_ =	shalt  }
0x4f: {  	_ =	shalt  }
0x50: {  	_ =	shalt  }
0x51: {  	_ =	shalt  }
0x52: {  	_ =	shalt  }
0x53: {  	_ =	shalt  }
0x54: {  	_ =	shalt  }
0x55: {  	_ =	shalt  }
0x56: {  	_ =	shalt  }
0x57: {  	_ =	shalt  }
0x58: {  	_ =	shalt  }
0x59: {  	_ =	shalt  }
0x5a: {  	_ =	shalt  }
0x5b: {  	_ =	shalt  }
0x5c: {  	_ =	shalt  }
0x5d: {  	_ =	shalt  }
0x5e: {  	_ =	shalt  }
0x5f: {  	_ =	shalt  }
0x60: {  	_ =	shalt  }
0x61: {  	_ =	shalt  }
0x62: {  	_ =	shalt  }
0x63: {  	_ =	shalt  }
0x64: {  	_ =	shalt  }
0x65: {  	_ =	shalt  }
0x66: {  	_ =	shalt  }
0x67: {  	_ =	shalt  }
0x68: {  	_ =	shalt  }
0x69: {  	_ =	shalt  }
0x6a: {  	_ =	shalt  }
0x6b: {  	_ =	shalt  }
0x6c: {  	_ =	shalt  }
0x6d: {  	_ =	shalt  }
0x6e: {  	_ =	shalt  }
0x6f: {  	_ =	shalt  }
0x70: {  	_ =	shalt  }
0x71: {  	_ =	shalt  }
0x72: {  	_ =	shalt  }
0x73: {  	_ =	shalt  }
0x74: {  	_ =	shalt  }
0x75: {  	_ =	shalt  }
0x76: {  	_ =	shalt  }
0x77: {  	_ =	shalt  }
0x78: {  	_ =	shalt  }
0x79: {  	_ =	shalt  }
0x7a: {  	_ =	shalt  }
0x7b: {  	_ =	shalt  }
0x7c: {  	_ =	shalt  }
0x7d: {  	_ =	shalt  }
0x7e: {  	_ =	shalt  }
0x7f: {  	_ =	shalt  }
0x80: {  	_ =	shalt  }
0x81: {  	_ =	shalt  }
0x82: {  	_ =	shalt  }
0x83: {  	_ =	shalt  }
0x84: {  	_ =	shalt  }
0x85: {  	_ =	shalt  }
0x86: {  	_ =	shalt  }
0x87: {  	_ =	shalt  }
.Lfunc_end0:
.L_simem_size_0:
called_computation.2_lowered:
.L_overlay_start_0:
0x88: {  	s2 =	sld [smem:$0x3FD9]  }
0x89: {  	s3 =	sld [smem:$0x3FFE];
	_ =	sdelay $0x1  }
0x8a: {  	s1 =	srdreg.scid  }
0x8b: {  	s0 =	sand.u32 $0x1, s1  }
0x8c: {  	s16 =	sshll.u32 s0, $0xA;
	s2 =	sadd.s32 s3, s2  }
0x8d: {  	s2 =	sadd.s32 s2, s16  }
0x8e: {  	[smem:$0x3FBB] =	sst s2  }
0x8f: {  	_ = 	snop  }
0x90: {  	(tm) =	ssettm $0x1  }
0x91: {  	s17 =	sld [smem:$0x3FFB];
	_ =	sdelay $0x3  }
0x92: {  	_ =	strace s17  }
0x93: {  	s2 =	sld [smem:$0x3FFC];
	_ =	sdelay $0x3  }
0x94: {  	_ =	strace s2  }
0x95: {  	s2 =	sld [smem:$0x3FFD];
	_ =	sdelay $0x3  }
0x96: {  	_ =	strace s2  }
0x97: {  	_ =	strace $0x8FFFFFFF  }
0x98: {  	s18 =	sld [smem:$0x3FDB];
	_ =	sdelay $0x1  }
0x99: {  	s19 =	simm.s32 $_scs_section_size  }
0x9a: {  	s4 =	simm.s32 $_size__tile_overlayer_lowered;
	s5 =	simm.s32 $_tile_overlayer_lowered  }
0x9b: {  	s22 =	simm.s32 $0x1BFF;
	s21 =	sshll.u32 s5, $0x1;
	s2 =	sadd.s32 s19, s18  }
0x9c: {  	s6 =	simm.s32 $0x0;
	s20 =	sshll.u32 s4, $0x1;
	s4 =	sadd.s32 s21, s2  }
0x9d: {  	[timem:s6], [sflag:s22] =	dma.local [hbm:s4], s20  }
0x9e: {  	_ =	swait.ge [sflag:s22], s20  }
0x9f: {  	s3 =	ssub.s32 $0x0, s20;
	[sflag:s22] =	ssyncset.done $0x0  }
0xa0: {  	[sflag:s22] =	ssyncadd.s32 s3;
	_ =	sdelay $0x1  }
0xa1: {  	s23 =	simm.s32 $0x1B8B  }
0xa2: {  	_ =	swait.ge [sflag:s23], $0x1  }
0xa3: {  	[sflag:s23] =	ssyncset.done $0x0  }
0xa4: {  	s25 =	simm.s32 $0x1B8E;
	s24 =	sld [smem:$0x3FFE];
	[sflag:s23] =	ssyncadd.s32 $0xFFFFFFFF  }
0xa5: {  	s26 =	simm.s32 $execute0_lowered;
	[smem:$0x3FD2] =	sst s25  }
0xa6: {  	s4 =	sshll.u32 s26, $0x1;
	_ =	strace $0x8000004C;
	[dreg:$0x1] =	wrdreg $0xFFFFFFFF  }
0xa7: {  	s28 =	simm.s32 $_size_execute0_lowered;
	s2 =	sadd.s32 s2, s4;
	[dreg:$0x0] =	wrdreg $0x0  }
0xa8: {  	s4 =	sshll.u32 s28, $0x1;
	[dreg:$0x2] =	wrdreg s2  }
0xa9: {  	[dreg:$0x3] =	wrdreg s4  }
0xaa: {  	[dreg:$0x4] =	wrdreg $0xC0  }
0xab: {  	_ =	task [dreg:s6], $0x5FFFF  }
0xac: {  	[dreg:$0x1] =	wrdreg $0xFFFFFFFF  }
0xad: {  	[dreg:$0x0] =	wrdreg $0x60  }
0xae: {  	[dreg:$0x2] =	wrdreg s24  }
0xaf: {  	[dreg:$0x3] =	wrdreg $0xEC400  }
0xb0: {  	[dreg:$0x4] =	wrdreg $0x9  }
0xb1: {  	_ =	task.clear_ibuf [dreg:s6], $0x5FFFF;
	_ =	strace $0x9000004C  }
0xb2: {  	s29 =	simm.s32 $0x9;
	_ =	strace $0x8000004E  }
0xb3: {  	_ =	swait.ge [sflag:s29], $0x1  }
0xb4: {  	[sflag:s29] =	ssyncadd.s32 $0xFFFFFFFF  }
0xb5: {  	_ =	strace $0x9000004E  }
0xb6: {  	_ =	sfence  }
0xb7: {  	s30 =	sld [smem:$0x0];
	_ =	sdelay $0x2  }
0xb8: {  	s31 =	sshll.u32 s1, $0xD;
	s1 =	sshrl.u32 s1, $0x2  }
0xb9: {  	s3 =	sand.u32 $0x4000, s31;
	s1 =	sadd.s32 s1, s30  }
0xba: {  	s0 =	sor.u32 s3, s0;
	s1 =	sshll.u32 s1, $0x11  }
0xbb: {  	s0 =	sor.u32 s1, s0  }
0xbc: {  	s0 =	sadd.s32 $0x8F2B, s0  }
0xbd: {  	[sflag:s0] =	ssyncadd.remote.s32 $0x1  }
0xbe: {  	_ =	sfence.sel $0xFFFF  }
0xbf: {  	[dreg:$0x0] =	wrdreg $0xFFFFFFFF;
	(pc) =	sbr.abs _section_cstart, $3  }
0xc0: {  	[dreg:$0x1] =	wrdreg $0xFFFFFFFF  }
0xc1: {  	_ =	task.clear_ibuf [dreg:s6], $0x2FFFF;
	_ =	strace $0x9FFFFFFF  }
0xc2: {  	(tm) =	ssettm $0x7FFFFFFF  }
0xc3: {  	_ =	shalt  }
tec
execute0_lowered:
.L_overlay_start_1:
0x0: {  	(tag) =	ssettag $0x1  }
0x1: {  	s0 =	srdreg.scid  }
0x2: {  	s1 =	rddreg [dreg:$0x0];
	s12 =	stileid.u32  }
0x3: {  	s2 =	rddreg [dreg:$0x1];
	s10 =	simm.s32 $0xB;
	s11 =	simm.s32 $0x2800  }
0x4: {  	s14 =	simm.s32 $0x7D;
	s15 =	simm.s32 $0x5000;
	s17 =	simm.s32 $0x6F40  }
0x5: {  	s19 =	simm.s32 $0x8E80;
	s20 =	simm.s32 $0x1;
	s28 =	simm.s32 $0x3  }
0x6: {  	s29 =	simm.s32 $0x6;
	s30 =	simm.s32 $0x4;
	s31 =	simm.s32 $0x7  }
0x7: {  	s16 =	simm.s32 $0x9;
	s18 =	simm.s32 $0xA;
	s6 =	smul.u32 $0x1388, s12  }
0x8: {  	s21 =	simm.s32 $0x0;
	s0 =	sand.u32 $0x1, s0;
	s24 =	smul.u32 $0x9C40, s12  }
0x9: {  	s26 =	sshll.u32 s12, $0x6;
	s3 =	sshll.u32 s0, $0x4;
	s7 =	smul.u32 $0x13880, s0  }
0xa: {  	s0 =	ssub.s32 $0x2, s0;
	s4 =	sor.u32 s12, s3;
	s3 =	simm.s32 $0x0  }
0xb: {  	s23 =	sshrl.u32 s0, $0x1;
	s13 =	sadd.s32 s24, s2;
	s12 =	sor.u32 $0x1C0B, s26  }
0xc: {  	s26 =	simm.s32 $0xCD00;
	s5 =	smul.u32 $0x500, s4;
	[smem:$0x7FF] =	sst s3  }
0xd: {  	s4 =	sadd.s32 $0x3200, s1;
	s22 =	sadd.s32 s6, s7;
	s0 =	ssub.s32 s0, s23  }
0xe: {  	s7 =	sshrl.u32 s24, $0x3;
	s13 =	sshrl.u32 s13, $0x3;
	s23 =	simm.s32 $0x2  }
0xf: {  	_ =	strace $0x8000004D;
	s7 =	sadd.s32 s4, s7;
	s9 =	smax.u32 s0, $0x1  }
0x10: {  	s0 =	simm.s32 $0x8;
	s8 =	sadd.s32 s5, s1;
	s1 =	sadd.s32 s22, s1  }
0x11: {  	s22 =	simm.s32 $0xADC0;
	s25 =	sadd.s32 $0x96200, s8;
	s6 =	sadd.s32 $0x16E00, s8  }
0x12: {  	s8 =	sadd.s32 $0x20E00, s1;
	s1 =	simm.s32 $0x5;
	[dreg:$0x3] =	wrdreg s25  }
.LBB2_1:
0x13: {  	s5 =	rddreg [dreg:$0x3]  }
0x14: {  	[tilespmem:s3], [sflag:$0xB] =	stream.linear.gather [hbm4b:s5+s3], $0x2800, $0x38;
	[tilespmem:$0x18880] =	vst v63  }
0x15: {  	_ =	swait.ge [sflag:s10], $0x2800  }
0x16: {  	[sflag:s10] =	ssyncset.done $0x0  }
0x17: {  	[sflag:s10] =	ssyncadd.s32 $0xFFFFD800  }
0x18: {  	[tilespmem:s11], [sflag:$0xB] =	stream.linear.gather [hbm4b:s6+s3], $0x2800, $0x38;
	[tilespmem:$0x18880] =	vst v63  }
0x19: {  	_ =	swait.ge [sflag:s10], $0x2800  }
0x1a: {  	[sflag:s10] =	ssyncset.done $0x0  }
0x1b: {  	[sflag:s10] =	ssyncadd.s32 $0xFFFFD800  }
0x1c: {  	[spmem:s13], [sflag:s12] =	dma.local [hbm:s7], $0x1388  }
0x1d: {  	_ =	swait.ge [sflag:s10], $0x1388  }
0x1e: {  	[sflag:s10] =	ssyncset.done $0x0  }
0x1f: {  	[sflag:s10] =	ssyncadd.s32 $0xFFFFEC78  }
0x20: {  	[bflag:$0x0] =	sbarrier.arrive $0xFFFF  }
0x21: {  	[tilespmem:s15], [sflag:$0x1] =	stream.indirect.gather [hbm4b:s4+s14], $0x40, s3, s14, $0xb8;
	[tilespmem:$0x18880] =	vst v63  }
0x22: {  	s25 =	simm.s32 $0x80  }
0x23: {  	[tilespmem:s17], [sflag:$0x2] =	stream.indirect.gather [hbm4b:s4+s14], $0x40, s25, s14, $0xb8;
	[tilespmem:$0x18880] =	vst v63  }
0x24: {  	s24 =	simm.s32 $0x100  }
0x25: {  	[tilespmem:s19], [sflag:$0x3] =	stream.indirect.gather [hbm4b:s4+s14], $0x40, s24, s14, $0xb8;
	[tilespmem:$0x18880] =	vst v63  }
0x26: {  	_ =	swait.ge [sflag:s20], $0x1F40  }
0x27: {  	[sflag:s20] =	ssyncset.done $0x0  }
0x28: {  	[sflag:s20] =	ssyncadd.s32 $0xFFFFE0C0  }
0x29: {  	[spmem:s2] =	stream.indirect.scatter.add.f32 [tilespmem:s15], [sflag:$0x6], $0x40, s11, s14, $0xb8;
	[tilespmem:$0x18880] =	vst v63  }
0x2a: {  	s25 =	simm.s32 $0x180  }
0x2b: {  	[tilespmem:s22], [sflag:$0x4] =	stream.indirect.gather [hbm4b:s4+s14], $0x40, s25, s14, $0xb8;
	[tilespmem:$0x18880] =	vst v63  }
0x2c: {  	_ =	swait.ge [sflag:s23], $0x1F40  }
0x2d: {  	[sflag:s23] =	ssyncset.done $0x0  }
0x2e: {  	s24 =	simm.s32 $0x2880;
	[sflag:s23] =	ssyncadd.s32 $0xFFFFE0C0  }
0x2f: {  	[spmem:s2] =	stream.indirect.scatter.add.f32 [tilespmem:s17], [sflag:$0x7], $0x40, s24, s14, $0xb8;
	[tilespmem:$0x18880] =	vst v63  }
0x30: {  	s25 =	simm.s32 $0x200  }
0x31: {  	[tilespmem:s26], [sflag:$0x5] =	stream.indirect.gather [hbm4b:s4+s14], $0x40, s25, s14, $0xb8;
	[tilespmem:$0x18880] =	vst v63  }
0x32: {  	_ =	swait.ge [sflag:s28], $0x1F40  }
0x33: {  	[sflag:s28] =	ssyncset.done $0x0  }
0x34: {  	s24 =	simm.s32 $0x2900;
	[sflag:s28] =	ssyncadd.s32 $0xFFFFE0C0  }
0x35: {  	[spmem:s2] =	stream.indirect.scatter.add.f32 [tilespmem:s19], [sflag:$0x8], $0x40, s24, s14, $0xb8;
	[tilespmem:$0x18880] =	vst v63  }
0x36: {  	_ =	swait.ge [sflag:s29], $0x1F40  }
0x37: {  	[sflag:s29] =	ssyncset.done $0x0  }
0x38: {  	s5 =	simm.s32 $0x280;
	[sflag:s29] =	ssyncadd.s32 $0xFFFFE0C0  }
0x39: {  	[tilespmem:s15], [sflag:$0x1] =	stream.indirect.gather [hbm4b:s4+s14], $0x40, s5, s14, $0xb8;
	[tilespmem:$0x18880] =	vst v63  }
0x3a: {  	_ =	swait.ge [sflag:s30], $0x1F40  }
0x3b: {  	[sflag:s30] =	ssyncset.done $0x0  }
0x3c: {  	s25 =	simm.s32 $0x2980;
	[sflag:s30] =	ssyncadd.s32 $0xFFFFE0C0  }
0x3d: {  	[spmem:s2] =	stream.indirect.scatter.add.f32 [tilespmem:s22], [sflag:$0x9], $0x40, s25, s14, $0xb8;
	[tilespmem:$0x18880] =	vst v63  }
0x3e: {  	_ =	swait.ge [sflag:s31], $0x1F40  }
0x3f: {  	[sflag:s31] =	ssyncset.done $0x0  }
0x40: {  	s5 =	simm.s32 $0x300;
	[sflag:s31] =	ssyncadd.s32 $0xFFFFE0C0  }
0x41: {  	[tilespmem:s17], [sflag:$0x2] =	stream.indirect.gather [hbm4b:s4+s14], $0x40, s5, s14, $0xb8;
	[tilespmem:$0x18880] =	vst v63  }
0x42: {  	_ =	swait.ge [sflag:s1], $0x1F40  }
0x43: {  	[sflag:s1] =	ssyncset.done $0x0  }
0x44: {  	s25 =	simm.s32 $0x2A00;
	[sflag:s1] =	ssyncadd.s32 $0xFFFFE0C0  }
0x45: {  	[spmem:s2] =	stream.indirect.scatter.add.f32 [tilespmem:s26], [sflag:$0xA], $0x40, s25, s14, $0xb8;
	[tilespmem:$0x18880] =	vst v63  }
0x46: {  	_ =	swait.ge [sflag:s0], $0x1F40  }
0x47: {  	[sflag:s0] =	ssyncset.done $0x0  }
0x48: {  	s5 =	simm.s32 $0x380;
	[sflag:s0] =	ssyncadd.s32 $0xFFFFE0C0  }
0x49: {  	[tilespmem:s19], [sflag:$0x3] =	stream.indirect.gather [hbm4b:s4+s14], $0x40, s5, s14, $0xb8;
	[tilespmem:$0x18880] =	vst v63  }
0x4a: {  	_ =	swait.ge [sflag:s20], $0x1F40  }
0x4b: {  	[sflag:s20] =	ssyncset.done $0x0  }
0x4c: {  	s25 =	simm.s32 $0x2A80;
	[sflag:s20] =	ssyncadd.s32 $0xFFFFE0C0  }
0x4d: {  	[spmem:s2] =	stream.indirect.scatter.add.f32 [tilespmem:s15], [sflag:$0x6], $0x40, s25, s14, $0xb8;
	[tilespmem:$0x18880] =	vst v63  }
0x4e: {  	_ =	swait.ge [sflag:s16], $0x1F40  }
0x4f: {  	[sflag:s16] =	ssyncset.done $0x0  }
0x50: {  	s5 =	simm.s32 $0x400;
	[sflag:s16] =	ssyncadd.s32 $0xFFFFE0C0  }
0x51: {  	[tilespmem:s22], [sflag:$0x4] =	stream.indirect.gather [hbm4b:s4+s14], $0x40, s5, s14, $0xb8;
	[tilespmem:$0x18880] =	vst v63  }
0x52: {  	_ =	swait.ge [sflag:s23], $0x1F40  }
0x53: {  	[sflag:s23] =	ssyncset.done $0x0  }
0x54: {  	s25 =	simm.s32 $0x2B00;
	[sflag:s23] =	ssyncadd.s32 $0xFFFFE0C0  }
0x55: {  	[spmem:s2] =	stream.indirect.scatter.add.f32 [tilespmem:s17], [sflag:$0x7], $0x40, s25, s14, $0xb8;
	[tilespmem:$0x18880] =	vst v63  }
0x56: {  	_ =	swait.ge [sflag:s18], $0x1F40  }
0x57: {  	[sflag:s18] =	ssyncset.done $0x0  }
0x58: {  	s24 =	simm.s32 $0xA00;
	s25 =	simm.s32 $0x480;
	[sflag:s18] =	ssyncadd.s32 $0xFFFFE0C0  }
.LBB2_2:
0x59: {  	[tilespmem:s26], [sflag:$0x5] =	stream.indirect.gather [hbm4b:s4+s14], $0x40, s25, s14, $0xb8;
	[tilespmem:$0x18880] =	vst v63  }
0x5a: {  	s25 =	smov.u32 s24  }
0x5b: {  	p0 =	sne.s32 s24, $0x8C00;
	s24 =	sadd.s32 $0xA00, s24;
	_ =	swait.ge [sflag:s28], $0x1F40  }
0x5c: {  	s25 =	sshra.s32 s25, $0x2;
	[sflag:s28] =	ssyncset.done $0x0  }
0x5d: {  	s5 =	sadd.s32 $0x2900, s25;
	[sflag:s28] =	ssyncadd.s32 $0xFFFFE0C0  }
0x5e: {  	[spmem:s2] =	stream.indirect.scatter.add.f32 [tilespmem:s19], [sflag:$0x8], $0x40, s5, s14, $0xb8;
	[tilespmem:$0x18880] =	vst v63  }
0x5f: {  	_ =	swait.ge [sflag:s29], $0x1F40  }
0x60: {  	[sflag:s29] =	ssyncset.done $0x0  }
0x61: {  	s5 =	sadd.s32 $0x280, s25;
	[sflag:s29] =	ssyncadd.s32 $0xFFFFE0C0  }
0x62: {  	[tilespmem:s15], [sflag:$0x1] =	stream.indirect.gather [hbm4b:s4+s14], $0x40, s5, s14, $0xb8;
	[tilespmem:$0x18880] =	vst v63  }
0x63: {  	_ =	swait.ge [sflag:s30], $0x1F40  }
0x64: {  	[sflag:s30] =	ssyncset.done $0x0  }
0x65: {  	s5 =	sadd.s32 $0x2980, s25;
	[sflag:s30] =	ssyncadd.s32 $0xFFFFE0C0  }
0x66: {  	[spmem:s2] =	stream.indirect.scatter.add.f32 [tilespmem:s22], [sflag:$0x9], $0x40, s5, s14, $0xb8;
	[tilespmem:$0x18880] =	vst v63  }
0x67: {  	_ =	swait.ge [sflag:s31], $0x1F40  }
0x68: {  	[sflag:s31] =	ssyncset.done $0x0  }
0x69: {  	s5 =	sadd.s32 $0x300, s25;
	[sflag:s31] =	ssyncadd.s32 $0xFFFFE0C0  }
0x6a: {  	[tilespmem:s17], [sflag:$0x2] =	stream.indirect.gather [hbm4b:s4+s14], $0x40, s5, s14, $0xb8;
	[tilespmem:$0x18880] =	vst v63  }
0x6b: {  	_ =	swait.ge [sflag:s1], $0x1F40  }
0x6c: {  	[sflag:s1] =	ssyncset.done $0x0  }
0x6d: {  	s5 =	sadd.s32 $0x2A00, s25;
	[sflag:s1] =	ssyncadd.s32 $0xFFFFE0C0  }
0x6e: {  	[spmem:s2] =	stream.indirect.scatter.add.f32 [tilespmem:s26], [sflag:$0xA], $0x40, s5, s14, $0xb8;
	[tilespmem:$0x18880] =	vst v63  }
0x6f: {  	_ =	swait.ge [sflag:s0], $0x1F40  }
0x70: {  	[sflag:s0] =	ssyncset.done $0x0  }
0x71: {  	s5 =	sadd.s32 $0x380, s25;
	[sflag:s0] =	ssyncadd.s32 $0xFFFFE0C0  }
0x72: {  	[tilespmem:s19], [sflag:$0x3] =	stream.indirect.gather [hbm4b:s4+s14], $0x40, s5, s14, $0xb8;
	[tilespmem:$0x18880] =	vst v63  }
0x73: {  	_ =	swait.ge [sflag:s20], $0x1F40  }
0x74: {  	[sflag:s20] =	ssyncset.done $0x0  }
0x75: {  	s5 =	sadd.s32 $0x2A80, s25;
	[sflag:s20] =	ssyncadd.s32 $0xFFFFE0C0  }
0x76: {  	[spmem:s2] =	stream.indirect.scatter.add.f32 [tilespmem:s15], [sflag:$0x6], $0x40, s5, s14, $0xb8;
	[tilespmem:$0x18880] =	vst v63  }
0x77: {  	_ =	swait.ge [sflag:s16], $0x1F40  }
0x78: {  	[sflag:s16] =	ssyncset.done $0x0  }
0x79: {  	s5 =	sadd.s32 $0x400, s25;
	[sflag:s16] =	ssyncadd.s32 $0xFFFFE0C0  }
0x7a: {  	[tilespmem:s22], [sflag:$0x4] =	stream.indirect.gather [hbm4b:s4+s14], $0x40, s5, s14, $0xb8;
	[tilespmem:$0x18880] =	vst v63  }
0x7b: {  	_ =	swait.ge [sflag:s23], $0x1F40  }
0x7c: {  	[sflag:s23] =	ssyncset.done $0x0  }
.Ltmp0:
0x7d: {  	s5 =	sadd.s32 $0x2B00, s25;
	[sflag:s23] =	ssyncadd.s32 $0xFFFFE0C0;
	(pc) =	sbr.rel @p0 .LBB2_2-.Ltmp0, $4  }
0x7e: {  	[spmem:s2] =	stream.indirect.scatter.add.f32 [tilespmem:s17], [sflag:$0x7], $0x40, s5, s14, $0xb8;
	[tilespmem:$0x18880] =	vst v63  }
0x7f: {  	_ =	swait.ge [sflag:s18], $0x1F40  }
0x80: {  	[sflag:s18] =	ssyncset.done $0x0  }
0x81: {  	s25 =	sadd.s32 $0x480, s25;
	[sflag:s18] =	ssyncadd.s32 $0xFFFFE0C0  }
0x82: {  	[tilespmem:s26], [sflag:$0x5] =	stream.indirect.gather [hbm4b:s4+s14], $0x40, s25, s14, $0xb8;
	[tilespmem:$0x18880] =	vst v63  }
0x83: {  	_ =	swait.ge [sflag:s28], $0x1F40  }
0x84: {  	[sflag:s28] =	ssyncset.done $0x0  }
0x85: {  	s5 =	simm.s32 $0x4E80;
	[sflag:s28] =	ssyncadd.s32 $0xFFFFE0C0  }
0x86: {  	[spmem:s2] =	stream.indirect.scatter.add.f32 [tilespmem:s19], [sflag:$0x8], $0x40, s5, s14, $0xb8;
	[tilespmem:$0x18880] =	vst v63  }
0x87: {  	_ =	swait.ge [sflag:s30], $0x1F40  }
0x88: {  	[sflag:s30] =	ssyncset.done $0x0  }
0x89: {  	s24 =	simm.s32 $0x4F00;
	[sflag:s30] =	ssyncadd.s32 $0xFFFFE0C0  }
0x8a: {  	[spmem:s2] =	stream.indirect.scatter.add.f32 [tilespmem:s22], [sflag:$0x9], $0x40, s24, s14, $0xb8;
	[tilespmem:$0x18880] =	vst v63  }
0x8b: {  	_ =	swait.ge [sflag:s1], $0x1F40  }
0x8c: {  	[sflag:s1] =	ssyncset.done $0x0  }
0x8d: {  	s25 =	simm.s32 $0x4F80;
	[sflag:s1] =	ssyncadd.s32 $0xFFFFE0C0  }
0x8e: {  	[spmem:s2] =	stream.indirect.scatter.add.f32 [tilespmem:s26], [sflag:$0xA], $0x40, s25, s14, $0xb8;
	[tilespmem:$0x18880] =	vst v63  }
0x8f: {  	_ =	swait.ge [sflag:s29], $0x1F40  }
0x90: {  	[sflag:s29] =	ssyncset.done $0x0  }
0x91: {  	[sflag:s29] =	ssyncadd.s32 $0xFFFFE0C0  }
0x92: {  	_ =	swait.ge [sflag:s31], $0x1F40  }
0x93: {  	[sflag:s31] =	ssyncset.done $0x0  }
0x94: {  	[sflag:s31] =	ssyncadd.s32 $0xFFFFE0C0  }
0x95: {  	_ =	swait.ge [sflag:s0], $0x1F40  }
0x96: {  	[sflag:s0] =	ssyncset.done $0x0  }
0x97: {  	[sflag:s0] =	ssyncadd.s32 $0xFFFFE0C0  }
0x98: {  	_ =	swait.ge [sflag:s16], $0x1F40  }
0x99: {  	[sflag:s16] =	ssyncset.done $0x0  }
0x9a: {  	[sflag:s16] =	ssyncadd.s32 $0xFFFFE0C0  }
0x9b: {  	_ =	swait.ge [sflag:s18], $0x1F40  }
0x9c: {  	s21 =	sadd.s32 $0x1, s21;
	[sflag:s18] =	ssyncset.done $0x0  }
0x9d: {  	p0 =	sne.s32 s21, s9;
	[sflag:s18] =	ssyncadd.s32 $0xFFFFE0C0  }
.Ltmp1:
0x9e: {  	[bflag:$0x0] =	sbarrier.arrive $0xFFFF;
	(pc) =	sbr.rel @p0 .LBB2_1-.Ltmp1, $4  }
0x9f: {  	[hbm:s8], [sflag:s12] =	dma.local [spmem:s13], $0x1388  }
0xa0: {  	_ =	swait.ge [sflag:s10], $0x1388  }
0xa1: {  	[sflag:s10] =	ssyncset.done $0x0  }
0xa2: {  	[sflag:s10] =	ssyncadd.s32 $0xFFFFEC78  }
0xa3: {  	_ =	sfence.sel $0x180000  }
0xa4: {  	[bflag:$0x0] =	sbarrier.arrive $0xFFFF  }
0xa5: {  	_ =	strace $0x9000004D  }
0xa6: {  	s0 =	stileid.u32;
	[bflag:$0x2] =	sbarrier.arrive $0xFFFF  }
0xa7: {  	p0 =	sne.s32 s0, $0x0;
	s0 =	rddreg [dreg:$0x2]  }
0xa8: {  	s0 =	sadd.s32 @!p0 $0x100000, s0  }
0xa9: {  	[sflag:s0] =	ssyncadd.tile.s32 @!p0 $0x1;
	_ =	shalt  }
.Lfunc_end2:
_tile_overlayer_lowered:
.L_overlay_start_2:
0xaa: {  	(tag) =	ssettag $0x2  }
0xab: {  	s0 =	rddreg [dreg:$0x0];
	s2 =	stileid.u32  }
0xac: {  	s1 =	rddreg [dreg:$0x1];
	p0 =	sne.s32 s2, $0x0  }
0xad: {  	s3 =	rddreg [dreg:$0x2];
	[bflag:$0x3] =	sbarrier.arrive $0xFFFF;
	s2 =	simm.s32 @!p0 $0x1C0B  }
0xae: {  	[timem:s3], [sflag:s2] =	dma.local @!p0 [hbm:s0], s1  }
0xaf: {  	s0 =	simm.s32 @!p0 $0xB  }
0xb0: {  	_ =	swait.ge @!p0 [sflag:s0], s1  }
0xb1: {  	s1 =	ssub.s32 @!p0 $0x0, s1;
	[sflag:s0] =	ssyncset.done @!p0 $0x0  }
0xb2: {  	[sflag:s0] =	ssyncadd.s32 @!p0 s1  }
0xb3: {  	[bflag:$0x3] =	sbarrier.arrive $0xFFFF  }
0xb4: {  	_ =	shalt  }

// kernel: kernel.9.cloned.1.call-start
scs
__scs_entry_jumppad:
0x0: {  	(pc) =	sbr.rel $0x88, $3  }
0x1: {  	(tag) =	ssettag $0x0;
	lr =	simm.s32 $0x1  }
0x2: {  	[smem:$0x3F94] =	sst lr;
	_ =	strace $0xD0000000  }
0x3: {  	_ = 	snop  }
0x4: {  	_ = 	snop  }
0x5: {  	_ = 	snop  }
0x6: {  	_ = 	snop  }
0x7: {  	_ = 	snop  }
__scs_overlays_trampoline_lowered:
0x8: {  	[smem:$0x3FA3] =	sst s0  }
0x9: {  	[smem:$0x3FA4] =	sst s1  }
0xa: {  	[smem:$0x3FA5] =	sst s2  }
0xb: {  	[smem:$0x3FA6] =	sst s3  }
0xc: {  	[smem:$0x3FA7] =	sst s4  }
0xd: {  	[smem:$0x3FA8] =	sst s5  }
0xe: {  	[smem:$0x3FA9] =	sst s6  }
0xf: {  	[smem:$0x3FAA] =	sst s7  }
0x10: {  	[smem:$0x3FAB] =	sst s8  }
0x11: {  	[smem:$0x3FAC] =	sst s9;
	s0 =	simm.s32 @!p0 $0x0  }
0x12: {  	s1 =	sld [smem:$0x3F92];
	s0 =	simm.s32 @p0 $0x1  }
0x13: {  	[smem:$0x3FAD] =	sst s0;
	s0 =	simm.s32 @!p1 $0x0  }
0x14: {  	s2 =	sld [smem:$0x3F91];
	s0 =	simm.s32 @p1 $0x1  }
0x15: {  	[smem:$0x3FAE] =	sst s0;
	s0 =	simm.s32 @!p2 $0x0  }
0x16: {  	s3 =	sld [smem:$0x3FDB];
	s0 =	simm.s32 @p2 $0x1  }
0x17: {  	s4 =	simm.s32 $0x1BF5;
	[smem:$0x3FB0] =	sst s0  }
0x18: {  	s0 =	sld [smem:$0x3F93];
	_ =	swait.ge [sflag:s4], $0x0  }
0x19: {  	s7 =	sld [smem:$0x3F94]  }
0x1a: {  	s8 =	sadd.s32 $0xFFFFE003, lr  }
0x1b: {  	s9 =	sadd.s32 $0xFFFFFEF7, lr;
	s5 =	simm.s32 $0xFFFFFFFF;
	p2 =	slt.u32 s8, $0xFFFFF086  }
0x1c: {  	p1 =	slt.u32 s9, $0xF7A;
	s5 =	simm.s32 @!p2 $0x0  }
0x1d: {  	s5 =	simm.s32 @p1 $0x1;
	p0 =	seq.s32 s7, s2  }
0x1e: {  	s7 =	smul.u32 @!p0 $0xF7A, s2;
	p2 =	seq.s32 @!p0 s5, $0x0  }
0x1f: {  	s9 =	smul.u32 $0xF7A, s1;
	s8 =	simm.s32 @!p0 $0x1BF5;
	p2 =	por !p2, p0  }
0x20: {  	[sflag:s8] =	ssyncset.s32 @!p0 $0xFFFFF086;
	s6 =	sadd.s32 @!p0 s3, s7;
	s7 =	simm.s32 @!p0 $0x108  }
0x21: {  	s3 =	sadd.s32 s3, s9;
	s6 =	sadd.s32 @!p0 $0x88, s6;
	s7 =	simm.s32 @p2 $0x1082  }
0x22: {  	[simem:s7], [sflag:s8] =	dma.local @!p0 [hbm:s6], $0xF7A  }
0x23: {  	s9 =	sor.u32 $0xD0000000, s2;
	s6 =	simm.s32 $0x108;
	_ =	swait.ge @!p0 [sflag:s8], $0x0  }
0x24: {  	s3 =	sadd.s32 $0x88, s3;
	s6 =	simm.s32 @!p1 $0x1082;
	[sflag:s4] =	ssyncset.s32 $0xFFFFF086  }
0x25: {  	[simem:s6], [sflag:s4] =	dma.local [hbm:s3], $0xF7A  }
0x26: {  	[smem:$0x3F94] =	sst s1;
	(tag) =	ssettag s2;
	_ =	strace s9  }
0x27: {  	s1 =	sld [smem:$0x3FA4]  }
0x28: {  	s2 =	sld [smem:$0x3FA5]  }
0x29: {  	s4 =	sld [smem:$0x3FA7]  }
0x2a: {  	p0 =	seq.s32 s5, $0x0;
	s5 =	sld [smem:$0x3FA8]  }
0x2b: {  	s6 =	sld [smem:$0x3FA9]  }
0x2c: {  	s7 =	sld [smem:$0x3FAA]  }
0x2d: {  	s3 =	simm.s32 $0x108;
	s8 =	sld [smem:$0x3FAB]  }
0x2e: {  	s3 =	simm.s32 @!p0 $0x1082;
	s9 =	sld [smem:$0x3FAC]  }
0x2f: {  	lr =	sadd.s32 s0, s3;
	s0 =	sld [smem:$0x3FA3]  }
0x30: {  	s3 =	sld [smem:$0x3FA6]  }
0x31: {  	[smem:$0x3FAF] =	sst s10  }
0x32: {  	s10 =	sld [smem:$0x3FAD];
	_ =	sdelay $0x3  }
0x33: {  	p0 =	seq.s32 s10, $0x1;
	s10 =	sld [smem:$0x3FAF];
	_ =	sdelay $0x3  }
0x34: {  	[smem:$0x3FAF] =	sst s10  }
0x35: {  	s10 =	sld [smem:$0x3FAE];
	_ =	sdelay $0x3  }
0x36: {  	p1 =	seq.s32 s10, $0x1;
	s10 =	sld [smem:$0x3FAF];
	_ =	sdelay $0x3  }
0x37: {  	[smem:$0x3FAF] =	sst s10  }
0x38: {  	s10 =	sld [smem:$0x3FB0]  }
0x39: {  	_ = 	snop;
	(pc) =	sbr.ind lr, $3  }
0x3a: {  	_ = 	snop  }
0x3b: {  	_ = 	snop  }
0x3c: {  	p2 =	seq.s32 s10, $0x1;
	s10 =	sld [smem:$0x3FAF]  }
0x3d: {  	_ =	shalt  }
0x3e: {  	_ =	shalt  }
0x3f: {  	_ =	shalt  }
0x40: {  	_ =	shalt  }
0x41: {  	_ =	shalt  }
0x42: {  	_ =	shalt  }
0x43: {  	_ =	shalt  }
0x44: {  	_ =	shalt  }
0x45: {  	_ =	shalt  }
0x46: {  	_ =	shalt  }
0x47: {  	_ =	shalt  }
0x48: {  	_ =	shalt  }
0x49: {  	_ =	shalt  }
0x4a: {  	_ =	shalt  }
0x4b: {  	_ =	shalt  }
0x4c: {  	_ =	shalt  }
0x4d: {  	_ =	shalt  }
0x4e: {  	_ =	shalt  }
0x4f: {  	_ =	shalt  }
0x50: {  	_ =	shalt  }
0x51: {  	_ =	shalt  }
0x52: {  	_ =	shalt  }
0x53: {  	_ =	shalt  }
0x54: {  	_ =	shalt  }
0x55: {  	_ =	shalt  }
0x56: {  	_ =	shalt  }
0x57: {  	_ =	shalt  }
0x58: {  	_ =	shalt  }
0x59: {  	_ =	shalt  }
0x5a: {  	_ =	shalt  }
0x5b: {  	_ =	shalt  }
0x5c: {  	_ =	shalt  }
0x5d: {  	_ =	shalt  }
0x5e: {  	_ =	shalt  }
0x5f: {  	_ =	shalt  }
0x60: {  	_ =	shalt  }
0x61: {  	_ =	shalt  }
0x62: {  	_ =	shalt  }
0x63: {  	_ =	shalt  }
0x64: {  	_ =	shalt  }
0x65: {  	_ =	shalt  }
0x66: {  	_ =	shalt  }
0x67: {  	_ =	shalt  }
0x68: {  	_ =	shalt  }
0x69: {  	_ =	shalt  }
0x6a: {  	_ =	shalt  }
0x6b: {  	_ =	shalt  }
0x6c: {  	_ =	shalt  }
0x6d: {  	_ =	shalt  }
0x6e: {  	_ =	shalt  }
0x6f: {  	_ =	shalt  }
0x70: {  	_ =	shalt  }
0x71: {  	_ =	shalt  }
0x72: {  	_ =	shalt  }
0x73: {  	_ =	shalt  }
0x74: {  	_ =	shalt  }
0x75: {  	_ =	shalt  }
0x76: {  	_ =	shalt  }
0x77: {  	_ =	shalt  }
0x78: {  	_ =	shalt  }
0x79: {  	_ =	shalt  }
0x7a: {  	_ =	shalt  }
0x7b: {  	_ =	shalt  }
0x7c: {  	_ =	shalt  }
0x7d: {  	_ =	shalt  }
0x7e: {  	_ =	shalt  }
0x7f: {  	_ =	shalt  }
0x80: {  	_ =	shalt  }
0x81: {  	_ =	shalt  }
0x82: {  	_ =	shalt  }
0x83: {  	_ =	shalt  }
0x84: {  	_ =	shalt  }
0x85: {  	_ =	shalt  }
0x86: {  	_ =	shalt  }
0x87: {  	_ =	shalt  }
.Lfunc_end0:
.L_simem_size_0:
called_computation_lowered:
.L_overlay_start_0:
0x88: {  	s2 =	sld [smem:$0x3FD9]  }
0x89: {  	s3 =	sld [smem:$0x3FFE];
	_ =	sdelay $0x1  }
0x8a: {  	s1 =	srdreg.scid  }
0x8b: {  	s0 =	sand.u32 $0x1, s1  }
0x8c: {  	s16 =	sshll.u32 s0, $0xA;
	s2 =	sadd.s32 s3, s2  }
0x8d: {  	s2 =	sadd.s32 s2, s16  }
0x8e: {  	[smem:$0x3FBB] =	sst s2  }
0x8f: {  	_ = 	snop  }
0x90: {  	(tm) =	ssettm $0x1  }
0x91: {  	s17 =	sld [smem:$0x3FFB];
	_ =	sdelay $0x3  }
0x92: {  	_ =	strace s17  }
0x93: {  	s2 =	sld [smem:$0x3FFC];
	_ =	sdelay $0x3  }
0x94: {  	_ =	strace s2  }
0x95: {  	s2 =	sld [smem:$0x3FFD];
	_ =	sdelay $0x3  }
0x96: {  	_ =	strace s2  }
0x97: {  	_ =	strace $0x8FFFFFFF  }
0x98: {  	s18 =	sld [smem:$0x3FDB];
	_ =	sdelay $0x1  }
0x99: {  	s19 =	simm.s32 $_scs_section_size  }
0x9a: {  	s4 =	simm.s32 $_size__tile_overlayer_lowered;
	s5 =	simm.s32 $_tile_overlayer_lowered  }
0x9b: {  	s22 =	simm.s32 $0x1BFF;
	s21 =	sshll.u32 s5, $0x1;
	s2 =	sadd.s32 s19, s18  }
0x9c: {  	s6 =	simm.s32 $0x0;
	s20 =	sshll.u32 s4, $0x1;
	s4 =	sadd.s32 s21, s2  }
0x9d: {  	[timem:s6], [sflag:s22] =	dma.local [hbm:s4], s20  }
0x9e: {  	_ =	swait.ge [sflag:s22], s20  }
0x9f: {  	s3 =	ssub.s32 $0x0, s20;
	[sflag:s22] =	ssyncset.done $0x0  }
0xa0: {  	[sflag:s22] =	ssyncadd.s32 s3;
	_ =	sdelay $0x1  }
0xa1: {  	s23 =	simm.s32 $0x1B8B  }
0xa2: {  	_ =	swait.ge [sflag:s23], $0x1  }
0xa3: {  	[sflag:s23] =	ssyncset.done $0x0  }
0xa4: {  	s25 =	simm.s32 $0x1B8E;
	s24 =	sld [smem:$0x3FFE];
	[sflag:s23] =	ssyncadd.s32 $0xFFFFFFFF  }
0xa5: {  	s26 =	simm.s32 $execute0_lowered;
	[smem:$0x3FD2] =	sst s25  }
0xa6: {  	s4 =	sshll.u32 s26, $0x1;
	_ =	strace $0x80000046;
	[dreg:$0x1] =	wrdreg $0xFFFFFFFF  }
0xa7: {  	s28 =	simm.s32 $_size_execute0_lowered;
	s2 =	sadd.s32 s2, s4;
	[dreg:$0x0] =	wrdreg $0x0  }
0xa8: {  	s4 =	sshll.u32 s28, $0x1;
	[dreg:$0x2] =	wrdreg s2  }
0xa9: {  	[dreg:$0x3] =	wrdreg s4  }
0xaa: {  	[dreg:$0x4] =	wrdreg $0xC0  }
0xab: {  	_ =	task [dreg:s6], $0x5FFFF  }
0xac: {  	[dreg:$0x1] =	wrdreg $0xFFFFFFFF  }
0xad: {  	[dreg:$0x0] =	wrdreg $0x60  }
0xae: {  	[dreg:$0x2] =	wrdreg s24  }
0xaf: {  	[dreg:$0x3] =	wrdreg $0x56E00  }
0xb0: {  	[dreg:$0x4] =	wrdreg $0x9  }
0xb1: {  	_ =	task.clear_ibuf [dreg:s6], $0x5FFFF;
	_ =	strace $0x90000046  }
0xb2: {  	s29 =	simm.s32 $0x9;
	_ =	strace $0x80000048  }
0xb3: {  	_ =	swait.ge [sflag:s29], $0x1  }
0xb4: {  	[sflag:s29] =	ssyncadd.s32 $0xFFFFFFFF  }
0xb5: {  	_ =	strace $0x90000048  }
0xb6: {  	_ =	sfence  }
0xb7: {  	s30 =	sld [smem:$0x0];
	_ =	sdelay $0x2  }
0xb8: {  	s31 =	sshll.u32 s1, $0xD;
	s1 =	sshrl.u32 s1, $0x2  }
0xb9: {  	s3 =	sand.u32 $0x4000, s31;
	s1 =	sadd.s32 s1, s30  }
0xba: {  	s0 =	sor.u32 s3, s0;
	s1 =	sshll.u32 s1, $0x11  }
0xbb: {  	s0 =	sor.u32 s1, s0  }
0xbc: {  	s0 =	sadd.s32 $0x8F2B, s0  }
0xbd: {  	[sflag:s0] =	ssyncadd.remote.s32 $0x1  }
0xbe: {  	_ =	sfence.sel $0xFFFF  }
0xbf: {  	[dreg:$0x0] =	wrdreg $0xFFFFFFFF;
	(pc) =	sbr.abs _section_cstart, $3  }
0xc0: {  	[dreg:$0x1] =	wrdreg $0xFFFFFFFF  }
0xc1: {  	_ =	task.clear_ibuf [dreg:s6], $0x2FFFF;
	_ =	strace $0x9FFFFFFF  }
0xc2: {  	(tm) =	ssettm $0x7FFFFFFF  }
0xc3: {  	_ =	shalt  }
tec
execute0_lowered:
.L_overlay_start_1:
0x0: {  	(tag) =	ssettag $0x1  }
0x1: {  	s4 =	rddreg [dreg:$0x0]  }
0x2: {  	s2 =	rddreg [dreg:$0x1];
	s3 =	srdreg.scid  }
0x3: {  	s0 =	rddreg [dreg:$0x2];
	s1 =	stileid.u32  }
0x4: {  	s10 =	simm.s32 $0x7D;
	s11 =	simm.s32 $0x2800;
	s12 =	simm.s32 $0x1  }
0x5: {  	s15 =	simm.s32 $0x0;
	s5 =	sand.u32 $0x1, s3;
	s7 =	smul.u32 $0x4E2, s1  }
0x6: {  	s3 =	simm.s32 $0x0;
	s29 =	smul.u32 $0x9C40, s1;
	s13 =	sshll.u32 s1, $0x6  }
0x7: {  	s6 =	sshll.u32 s5, $0x4;
	[smem:$0x7FF] =	sst s3;
	s8 =	smul.u32 $0x4E20, s5  }
0x8: {  	s5 =	ssub.s32 $0x2, s5;
	s13 =	sor.u32 $0x1C02, s13;
	s6 =	sor.u32 s1, s6  }
0x9: {  	_ =	strace $0x80000047;
	s30 =	sshrl.u32 s5, $0x1;
	s6 =	smul.u32 $0x500, s6  }
0xa: {  	s31 =	sshrl.u32 s29, $0x2;
	s7 =	sadd.s32 s7, s8;
	s9 =	ssub.s32 s5, s30  }
0xb: {  	s5 =	sadd.s32 s31, s2;
	s8 =	simm.s32 $0x2;
	s6 =	sadd.s32 s6, s4  }
0xc: {  	s7 =	sadd.s32 s7, s4;
	s14 =	sshrl.u32 s5, $0x3;
	s4 =	sadd.s32 $0x16E00, s6  }
0xd: {  	v0 =	vimm.f32 $5.000000000e-01;
	v1 =	vimm.f32 $1.000000000e+00;
	s6 =	sadd.s32 $0x20E00, s7;
	s7 =	smax.u32 s9, $0x1;
	s9 =	simm.s32 $0x2FD0  }
.LBB2_1:
0xe: {  	[tilespmem:s3], [sflag:$0x2] =	stream.linear.gather [hbm4b:s4+s3], $0x2800, $0x38;
	[tilespmem:$0x7DF0] =	vst v63  }
0xf: {  	_ =	swait.ge [sflag:s8], $0x2800  }
0x10: {  	[sflag:s8] =	ssyncset.done $0x0  }
0x11: {  	s16 =	simm.s32 $0x0;
	[sflag:s8] =	ssyncadd.s32 $0xFFFFD800  }
.LBB2_2:
0x12: {  	p0 =	sne.s32 s16, $0x9C00  }
.Ltmp0:
0x13: {  	_ = 	snop;
	(pc) =	sbr.rel @p0 .LBB2_2-.Ltmp0, $3  }
0x14: {  	_ =	sdelay $0x1  }
0x15: {  	s17 =	sshra.s32 s16, $0x2  }
0x16: {  	s16 =	sadd.s32 $0x40, s16;
	[tilespmem:s17+$0x2FD0] =	vst v0  }
0x17: {  	s16 =	simm.s32 $0x40;
	s17 =	simm.s32 $0x0  }
.LBB2_4:
0x18: {  	p0 =	sne.s32 s16, $0x1F00;
	[tilespmem:s17+$0x2800] =	vst v1;
	s17 =	smov.u32 s16;
	s16 =	sadd.s32 $0x40, s16  }
.Ltmp1:
0x19: {  	(pc) =	sbr.rel @p0 .LBB2_4-.Ltmp1, $2  }
0x1a: {  	_ =	sdelay $0x2  }
0x1b: {  	s17 =	sshra.s32 s17, $0x2  }
0x1c: {  	[tilespmem:s17+$0x2800] =	vst v1  }
0x1d: {  	[spmem:s5] =	stream.linear.scatter [tilespmem:s9], [sflag:$0x2], $0x2710, $0x38;
	[tilespmem:$0x7DF0] =	vst v63  }
0x1e: {  	_ =	swait.ge [sflag:s8], $0x2710  }
0x1f: {  	[sflag:s8] =	ssyncset.done $0x0  }
0x20: {  	[sflag:s8] =	ssyncadd.s32 $0xFFFFD8F0  }
0x21: {  	s16 =	simm.s32 $0x0;
	[bflag:$0x0] =	sbarrier.arrive $0xFFFF  }
0x22: {  	[spmem:s2] =	stream.indirect.scatter.add.f32 [tilespmem:s11], [sflag:$0x1], $0x10, s16, s10, $0xb8;
	[tilespmem:$0x7DF0] =	vst v63  }
0x23: {  	s22 =	simm.s32 $0x80  }
0x24: {  	[spmem:s2] =	stream.indirect.scatter.add.f32 [tilespmem:s11], [sflag:$0x1], $0x10, s22, s10, $0xb8;
	[tilespmem:$0x7DF0] =	vst v63  }
0x25: {  	s23 =	simm.s32 $0x100  }
0x26: {  	[spmem:s2] =	stream.indirect.scatter.add.f32 [tilespmem:s11], [sflag:$0x1], $0x10, s23, s10, $0xb8;
	[tilespmem:$0x7DF0] =	vst v63  }
0x27: {  	s24 =	simm.s32 $0x180  }
0x28: {  	[spmem:s2] =	stream.indirect.scatter.add.f32 [tilespmem:s11], [sflag:$0x1], $0x10, s24, s10, $0xb8;
	[tilespmem:$0x7DF0] =	vst v63  }
0x29: {  	s25 =	simm.s32 $0x200  }
0x2a: {  	[spmem:s2] =	stream.indirect.scatter.add.f32 [tilespmem:s11], [sflag:$0x1], $0x10, s25, s10, $0xb8;
	[tilespmem:$0x7DF0] =	vst v63  }
0x2b: {  	s26 =	simm.s32 $0x280  }
0x2c: {  	[spmem:s2] =	stream.indirect.scatter.add.f32 [tilespmem:s11], [sflag:$0x1], $0x10, s26, s10, $0xb8;
	[tilespmem:$0x7DF0] =	vst v63  }
0x2d: {  	s28 =	simm.s32 $0x300  }
0x2e: {  	[spmem:s2] =	stream.indirect.scatter.add.f32 [tilespmem:s11], [sflag:$0x1], $0x10, s28, s10, $0xb8;
	[tilespmem:$0x7DF0] =	vst v63  }
0x2f: {  	s29 =	simm.s32 $0x380  }
0x30: {  	[spmem:s2] =	stream.indirect.scatter.add.f32 [tilespmem:s11], [sflag:$0x1], $0x10, s29, s10, $0xb8;
	[tilespmem:$0x7DF0] =	vst v63  }
0x31: {  	s30 =	simm.s32 $0x400  }
0x32: {  	[spmem:s2] =	stream.indirect.scatter.add.f32 [tilespmem:s11], [sflag:$0x1], $0x10, s30, s10, $0xb8;
	[tilespmem:$0x7DF0] =	vst v63  }
0x33: {  	s31 =	simm.s32 $0x480  }
0x34: {  	[spmem:s2] =	stream.indirect.scatter.add.f32 [tilespmem:s11], [sflag:$0x1], $0x10, s31, s10, $0xb8;
	[tilespmem:$0x7DF0] =	vst v63  }
0x35: {  	_ =	swait.ge [sflag:s12], $0x7D0  }
0x36: {  	[sflag:s12] =	ssyncset.done $0x0  }
0x37: {  	[sflag:s12] =	ssyncadd.s32 $0xFFFFF830  }
0x38: {  	_ =	swait.ge [sflag:s12], $0x7D0  }
0x39: {  	[sflag:s12] =	ssyncset.done $0x0  }
0x3a: {  	[sflag:s12] =	ssyncadd.s32 $0xFFFFF830  }
0x3b: {  	_ =	swait.ge [sflag:s12], $0x7D0  }
0x3c: {  	[sflag:s12] =	ssyncset.done $0x0  }
0x3d: {  	[sflag:s12] =	ssyncadd.s32 $0xFFFFF830  }
0x3e: {  	_ =	swait.ge [sflag:s12], $0x7D0  }
0x3f: {  	[sflag:s12] =	ssyncset.done $0x0  }
0x40: {  	[sflag:s12] =	ssyncadd.s32 $0xFFFFF830  }
0x41: {  	_ =	swait.ge [sflag:s12], $0x7D0  }
0x42: {  	[sflag:s12] =	ssyncset.done $0x0  }
0x43: {  	[sflag:s12] =	ssyncadd.s32 $0xFFFFF830  }
0x44: {  	_ =	swait.ge [sflag:s12], $0x7D0  }
0x45: {  	[sflag:s12] =	ssyncset.done $0x0  }
0x46: {  	[sflag:s12] =	ssyncadd.s32 $0xFFFFF830  }
0x47: {  	_ =	swait.ge [sflag:s12], $0x7D0  }
0x48: {  	[sflag:s12] =	ssyncset.done $0x0  }
0x49: {  	[sflag:s12] =	ssyncadd.s32 $0xFFFFF830  }
0x4a: {  	_ =	swait.ge [sflag:s12], $0x7D0  }
0x4b: {  	[sflag:s12] =	ssyncset.done $0x0  }
0x4c: {  	[sflag:s12] =	ssyncadd.s32 $0xFFFFF830  }
0x4d: {  	_ =	swait.ge [sflag:s12], $0x7D0  }
0x4e: {  	[sflag:s12] =	ssyncset.done $0x0  }
0x4f: {  	[sflag:s12] =	ssyncadd.s32 $0xFFFFF830  }
0x50: {  	_ =	swait.ge [sflag:s12], $0x7D0  }
0x51: {  	s18 =	simm.s32 $0x2800;
	s16 =	simm.s32 $0x1400;
	[sflag:s12] =	ssyncset.done $0x0  }
.LBB2_6:
0x52: {  	s19 =	sshra.s32 s16, $0x2  }
0x53: {  	[sflag:s12] =	ssyncadd.s32 $0xFFFFF830;
	s16 =	smov.u32 s18;
	s17 =	sadd.s32 $0x1400, s18  }
0x54: {  	[spmem:s2] =	stream.indirect.scatter.add.f32 [tilespmem:s11], [sflag:$0x1], $0x10, s19, s10, $0xb8;
	[tilespmem:$0x7DF0] =	vst v63  }
0x55: {  	p0 =	sne.s32 s18, $0x8C00;
	s18 =	sadd.s32 $0x80, s19  }
0x56: {  	[spmem:s2] =	stream.indirect.scatter.add.f32 [tilespmem:s11], [sflag:$0x1], $0x10, s18, s10, $0xb8;
	[tilespmem:$0x7DF0] =	vst v63  }
0x57: {  	s18 =	sadd.s32 $0x100, s19  }
0x58: {  	[spmem:s2] =	stream.indirect.scatter.add.f32 [tilespmem:s11], [sflag:$0x1], $0x10, s18, s10, $0xb8;
	[tilespmem:$0x7DF0] =	vst v63  }
0x59: {  	s18 =	sadd.s32 $0x180, s19  }
0x5a: {  	[spmem:s2] =	stream.indirect.scatter.add.f32 [tilespmem:s11], [sflag:$0x1], $0x10, s18, s10, $0xb8;
	[tilespmem:$0x7DF0] =	vst v63  }
0x5b: {  	s18 =	sadd.s32 $0x200, s19  }
0x5c: {  	[spmem:s2] =	stream.indirect.scatter.add.f32 [tilespmem:s11], [sflag:$0x1], $0x10, s18, s10, $0xb8;
	[tilespmem:$0x7DF0] =	vst v63  }
0x5d: {  	s18 =	sadd.s32 $0x280, s19  }
0x5e: {  	[spmem:s2] =	stream.indirect.scatter.add.f32 [tilespmem:s11], [sflag:$0x1], $0x10, s18, s10, $0xb8;
	[tilespmem:$0x7DF0] =	vst v63  }
0x5f: {  	s18 =	sadd.s32 $0x300, s19  }
0x60: {  	[spmem:s2] =	stream.indirect.scatter.add.f32 [tilespmem:s11], [sflag:$0x1], $0x10, s18, s10, $0xb8;
	[tilespmem:$0x7DF0] =	vst v63  }
0x61: {  	s18 =	sadd.s32 $0x380, s19  }
0x62: {  	[spmem:s2] =	stream.indirect.scatter.add.f32 [tilespmem:s11], [sflag:$0x1], $0x10, s18, s10, $0xb8;
	[tilespmem:$0x7DF0] =	vst v63  }
0x63: {  	s18 =	sadd.s32 $0x400, s19  }
0x64: {  	[spmem:s2] =	stream.indirect.scatter.add.f32 [tilespmem:s11], [sflag:$0x1], $0x10, s18, s10, $0xb8;
	[tilespmem:$0x7DF0] =	vst v63  }
0x65: {  	s18 =	sadd.s32 $0x480, s19  }
0x66: {  	[spmem:s2] =	stream.indirect.scatter.add.f32 [tilespmem:s11], [sflag:$0x1], $0x10, s18, s10, $0xb8;
	[tilespmem:$0x7DF0] =	vst v63  }
0x67: {  	_ =	swait.ge [sflag:s12], $0x7D0  }
0x68: {  	[sflag:s12] =	ssyncset.done $0x0  }
0x69: {  	[sflag:s12] =	ssyncadd.s32 $0xFFFFF830  }
0x6a: {  	_ =	swait.ge [sflag:s12], $0x7D0  }
0x6b: {  	[sflag:s12] =	ssyncset.done $0x0  }
0x6c: {  	[sflag:s12] =	ssyncadd.s32 $0xFFFFF830  }
0x6d: {  	_ =	swait.ge [sflag:s12], $0x7D0  }
0x6e: {  	[sflag:s12] =	ssyncset.done $0x0  }
0x6f: {  	[sflag:s12] =	ssyncadd.s32 $0xFFFFF830  }
0x70: {  	_ =	swait.ge [sflag:s12], $0x7D0  }
0x71: {  	[sflag:s12] =	ssyncset.done $0x0  }
0x72: {  	[sflag:s12] =	ssyncadd.s32 $0xFFFFF830  }
0x73: {  	_ =	swait.ge [sflag:s12], $0x7D0  }
0x74: {  	[sflag:s12] =	ssyncset.done $0x0  }
0x75: {  	[sflag:s12] =	ssyncadd.s32 $0xFFFFF830  }
0x76: {  	_ =	swait.ge [sflag:s12], $0x7D0  }
0x77: {  	[sflag:s12] =	ssyncset.done $0x0  }
0x78: {  	[sflag:s12] =	ssyncadd.s32 $0xFFFFF830  }
0x79: {  	_ =	swait.ge [sflag:s12], $0x7D0  }
0x7a: {  	[sflag:s12] =	ssyncset.done $0x0  }
0x7b: {  	[sflag:s12] =	ssyncadd.s32 $0xFFFFF830  }
0x7c: {  	_ =	swait.ge [sflag:s12], $0x7D0  }
0x7d: {  	[sflag:s12] =	ssyncset.done $0x0  }
0x7e: {  	[sflag:s12] =	ssyncadd.s32 $0xFFFFF830  }
.Ltmp2:
0x7f: {  	_ =	swait.ge [sflag:s12], $0x7D0;
	(pc) =	sbr.rel @p0 .LBB2_6-.Ltmp2, $4  }
0x80: {  	[sflag:s12] =	ssyncset.done $0x0  }
0x81: {  	[sflag:s12] =	ssyncadd.s32 $0xFFFFF830  }
0x82: {  	_ =	swait.ge [sflag:s12], $0x7D0  }
0x83: {  	s18 =	smov.u32 s17;
	[sflag:s12] =	ssyncset.done $0x0  }
0x84: {  	s16 =	sshra.s32 s16, $0x2;
	[sflag:s12] =	ssyncadd.s32 $0xFFFFF830  }
0x85: {  	[spmem:s2] =	stream.indirect.scatter.add.f32 [tilespmem:s11], [sflag:$0x1], $0x10, s16, s10, $0xb8;
	[tilespmem:$0x7DF0] =	vst v63  }
0x86: {  	s17 =	sadd.s32 $0x80, s16  }
0x87: {  	[spmem:s2] =	stream.indirect.scatter.add.f32 [tilespmem:s11], [sflag:$0x1], $0x10, s17, s10, $0xb8;
	[tilespmem:$0x7DF0] =	vst v63  }
0x88: {  	s24 =	sadd.s32 $0x100, s16  }
0x89: {  	[spmem:s2] =	stream.indirect.scatter.add.f32 [tilespmem:s11], [sflag:$0x1], $0x10, s24, s10, $0xb8;
	[tilespmem:$0x7DF0] =	vst v63  }
0x8a: {  	s25 =	sadd.s32 $0x180, s16  }
0x8b: {  	[spmem:s2] =	stream.indirect.scatter.add.f32 [tilespmem:s11], [sflag:$0x1], $0x10, s25, s10, $0xb8;
	[tilespmem:$0x7DF0] =	vst v63  }
0x8c: {  	s26 =	sadd.s32 $0x200, s16  }
0x8d: {  	[spmem:s2] =	stream.indirect.scatter.add.f32 [tilespmem:s11], [sflag:$0x1], $0x10, s26, s10, $0xb8;
	[tilespmem:$0x7DF0] =	vst v63  }
0x8e: {  	s28 =	sadd.s32 $0x280, s16  }
0x8f: {  	[spmem:s2] =	stream.indirect.scatter.add.f32 [tilespmem:s11], [sflag:$0x1], $0x10, s28, s10, $0xb8;
	[tilespmem:$0x7DF0] =	vst v63  }
0x90: {  	s29 =	sadd.s32 $0x300, s16  }
0x91: {  	[spmem:s2] =	stream.indirect.scatter.add.f32 [tilespmem:s11], [sflag:$0x1], $0x10, s29, s10, $0xb8;
	[tilespmem:$0x7DF0] =	vst v63  }
0x92: {  	s30 =	sadd.s32 $0x380, s16  }
0x93: {  	[spmem:s2] =	stream.indirect.scatter.add.f32 [tilespmem:s11], [sflag:$0x1], $0x10, s30, s10, $0xb8;
	[tilespmem:$0x7DF0] =	vst v63  }
0x94: {  	s31 =	sadd.s32 $0x400, s16  }
0x95: {  	[spmem:s2] =	stream.indirect.scatter.add.f32 [tilespmem:s11], [sflag:$0x1], $0x10, s31, s10, $0xb8;
	[tilespmem:$0x7DF0] =	vst v63  }
0x96: {  	s16 =	sadd.s32 $0x480, s16  }
0x97: {  	[spmem:s2] =	stream.indirect.scatter.add.f32 [tilespmem:s11], [sflag:$0x1], $0x10, s16, s10, $0xb8;
	[tilespmem:$0x7DF0] =	vst v63  }
0x98: {  	_ =	swait.ge [sflag:s12], $0x7D0  }
0x99: {  	[sflag:s12] =	ssyncset.done $0x0  }
0x9a: {  	[sflag:s12] =	ssyncadd.s32 $0xFFFFF830  }
0x9b: {  	_ =	swait.ge [sflag:s12], $0x7D0  }
0x9c: {  	[sflag:s12] =	ssyncset.done $0x0  }
0x9d: {  	[sflag:s12] =	ssyncadd.s32 $0xFFFFF830  }
0x9e: {  	_ =	swait.ge [sflag:s12], $0x7D0  }
0x9f: {  	[sflag:s12] =	ssyncset.done $0x0  }
0xa0: {  	[sflag:s12] =	ssyncadd.s32 $0xFFFFF830  }
0xa1: {  	_ =	swait.ge [sflag:s12], $0x7D0  }
0xa2: {  	[sflag:s12] =	ssyncset.done $0x0  }
0xa3: {  	[sflag:s12] =	ssyncadd.s32 $0xFFFFF830  }
0xa4: {  	_ =	swait.ge [sflag:s12], $0x7D0  }
0xa5: {  	[sflag:s12] =	ssyncset.done $0x0  }
0xa6: {  	[sflag:s12] =	ssyncadd.s32 $0xFFFFF830  }
0xa7: {  	_ =	swait.ge [sflag:s12], $0x7D0  }
0xa8: {  	[sflag:s12] =	ssyncset.done $0x0  }
0xa9: {  	[sflag:s12] =	ssyncadd.s32 $0xFFFFF830  }
0xaa: {  	_ =	swait.ge [sflag:s12], $0x7D0  }
0xab: {  	[sflag:s12] =	ssyncset.done $0x0  }
0xac: {  	[sflag:s12] =	ssyncadd.s32 $0xFFFFF830  }
0xad: {  	_ =	swait.ge [sflag:s12], $0x7D0  }
0xae: {  	[sflag:s12] =	ssyncset.done $0x0  }
0xaf: {  	[sflag:s12] =	ssyncadd.s32 $0xFFFFF830  }
0xb0: {  	_ =	swait.ge [sflag:s12], $0x7D0  }
0xb1: {  	[sflag:s12] =	ssyncset.done $0x0  }
0xb2: {  	[sflag:s12] =	ssyncadd.s32 $0xFFFFF830  }
0xb3: {  	_ =	swait.ge [sflag:s12], $0x7D0  }
0xb4: {  	s15 =	sadd.s32 $0x1, s15;
	[sflag:s12] =	ssyncset.done $0x0  }
0xb5: {  	p0 =	sne.s32 s15, s7;
	[sflag:s12] =	ssyncadd.s32 $0xFFFFF830  }
.Ltmp3:
0xb6: {  	[bflag:$0x0] =	sbarrier.arrive $0xFFFF;
	(pc) =	sbr.rel @p0 .LBB2_1-.Ltmp3, $4  }
0xb7: {  	[hbm:s6], [sflag:s13] =	dma.local [spmem:s14], $0x4E2  }
0xb8: {  	_ =	swait.ge [sflag:s8], $0x4E2  }
0xb9: {  	[sflag:s8] =	ssyncset.done $0x0  }
0xba: {  	[sflag:s8] =	ssyncadd.s32 $0xFFFFFB1E  }
0xbb: {  	_ =	sfence.sel $0x180000  }
0xbc: {  	[bflag:$0x0] =	sbarrier.arrive $0xFFFF  }
0xbd: {  	p0 =	sne.s32 s1, $0x0;
	_ =	strace $0x90000047  }
0xbe: {  	s0 =	sadd.s32 @!p0 $0x100000, s0;
	[bflag:$0x2] =	sbarrier.arrive $0xFFFF  }
0xbf: {  	[sflag:s0] =	ssyncadd.tile.s32 @!p0 $0x1;
	_ =	shalt  }
.Lfunc_end2:
_tile_overlayer_lowered:
.L_overlay_start_2:
0xc0: {  	(tag) =	ssettag $0x2  }
0xc1: {  	s0 =	rddreg [dreg:$0x0];
	s2 =	stileid.u32  }
0xc2: {  	s1 =	rddreg [dreg:$0x1];
	p0 =	sne.s32 s2, $0x0  }
0xc3: {  	s3 =	rddreg [dreg:$0x2];
	[bflag:$0x3] =	sbarrier.arrive $0xFFFF;
	s2 =	simm.s32 @!p0 $0x1C02  }
0xc4: {  	[timem:s3], [sflag:s2] =	dma.local @!p0 [hbm:s0], s1  }
0xc5: {  	s0 =	simm.s32 @!p0 $0x2  }
0xc6: {  	_ =	swait.ge @!p0 [sflag:s0], s1  }
0xc7: {  	s1 =	ssub.s32 @!p0 $0x0, s1;
	[sflag:s0] =	ssyncset.done @!p0 $0x0  }
0xc8: {  	[sflag:s0] =	ssyncadd.s32 @!p0 s1  }
0xc9: {  	[bflag:$0x3] =	sbarrier.arrive $0xFFFF  }
0xca: {  	_ =	shalt  }

</sc_bundles>
